<compile_context>
chip_gen: v7x
topology: tpu7x:2x2x1
jax: 0.10.2.dev20260603
libtpu: 0.0.44.dev20260713+nightly
codegen_flags: <defaults>
</compile_context>

<pallas_src>
import jax
import jax.numpy as jnp
import numpy as np
from jax import lax
from jax.experimental import pallas as pl
from jax.experimental.pallas import tpu as pltpu
from jax.experimental.pallas import tpu_sc as plsc

_RES = 256
_NVOX = _RES * _RES * _RES
_B = 4000000
_EPS = np.float32(1e-5)
_HI = np.float32(1.0) - np.float32(1e-5)

_NW = 32
_C = 8000
_NCHUNKS = _B // _C
_NG = _C // 16
_NFULL = _NCHUNKS // _NW
_EXTRA = _NCHUNKS % _NW
_NT = _NFULL + (1 if _EXTRA else 0)


def _sc_body(x_hbm, y_hbm, z_hbm, grid_hbm, out_hbm,
             x_v0, y_v0, z_v0, x_v1, y_v1, z_v1,
             idx_v0, idx_v1, gath_v0, gath_v1,
             isem0, isem1, gsem0, gsem1, osem0, osem1):
    cid = lax.axis_index("c")
    sid = lax.axis_index("s")
    wid = sid * 2 + cid
    nch = jnp.where(wid < _EXTRA, _NFULL + 1, _NFULL)
    xyz_vs = ((x_v0, y_v0, z_v0), (x_v1, y_v1, z_v1))
    idx_vs = (idx_v0, idx_v1)
    gath_vs = (gath_v0, gath_v1)
    isems = (isem0, isem1)
    gsems = (gsem0, gsem1)
    osems = (osem0, osem1)

    bases = [(wid + t * _NW) * _C for t in range(_NT)]

    def in_copies(t, s):
        xv, yv, zv = xyz_vs[s]
        return (
            pltpu.make_async_copy(x_hbm.at[pl.ds(bases[t], _C)], xv, isems[s]),
            pltpu.make_async_copy(y_hbm.at[pl.ds(bases[t], _C)], yv, isems[s]),
            pltpu.make_async_copy(z_hbm.at[pl.ds(bases[t], _C)], zv, isems[s]),
        )

    def gath_copy(t, s):
        return pltpu.make_async_copy(grid_hbm.at[idx_vs[s]], gath_vs[s],
                                     gsems[s])

    def out_copy(t, s):
        return pltpu.make_async_copy(gath_vs[s],
                                     out_hbm.at[pl.ds(bases[t], _C)],
                                     osems[s])

    def compute_chunk(s):
        xv, yv, zv = xyz_vs[s]
        idx_v = idx_vs[s]

        def grp(g, carry2):
            pos = g * 16
            x = xv[pl.ds(pos, 16)]
            y = yv[pl.ds(pos, 16)]
            z = zv[pl.ds(pos, 16)]
            xi = (x * 256.0).astype(jnp.int32)
            yi = (y * 256.0).astype(jnp.int32)
            zi = (z * 256.0).astype(jnp.int32)
            flat = xi * 65536 + yi * 256 + zi
            inv = ((x < _EPS) | (x >= _HI) | (y < _EPS) | (y >= _HI)
                   | (z < _EPS) | (z >= _HI))
            idx_v[pl.ds(pos, 16)] = jnp.where(inv, _NVOX, flat)
            return carry2

        lax.fori_loop(0, _NG, grp, 0)

    def live(t):
        return t < nch

    @pl.when(live(0))
    def _():
        for d in in_copies(0, 0):
            d.start()

    for t in range(_NT):
        s = t & 1

        @pl.when(live(t))
        def _(t=t, s=s):
            for d in in_copies(t, s):
                d.wait()

        if t + 1 < _NT:

            @pl.when(live(t + 1))
            def _(t=t, s=s):
                for d in in_copies(t + 1, 1 - s):
                    d.start()

        @pl.when(live(t))
        def _(t=t, s=s):
            compute_chunk(s)

        if t >= 1:

            @pl.when(live(t - 1))
            def _(t=t, s=s):
                gath_copy(t - 1, 1 - s).wait()
                out_copy(t - 1, 1 - s).start()

        if t >= 2:

            @pl.when(live(t - 2))
            def _(t=t, s=s):
                out_copy(t - 2, s).wait()

        @pl.when(live(t))
        def _(t=t, s=s):
            gath_copy(t, s).start()

    tl = _NT - 1

    @pl.when(live(tl))
    def _():
        gath_copy(tl, tl & 1).wait()
        out_copy(tl, tl & 1).start()
        out_copy(tl, tl & 1).wait()

    @pl.when(live(tl - 1))
    def _():
        out_copy(tl - 1, (tl - 1) & 1).wait()


@jax.jit
def _sc_call(xs, ys, zs, grid_flat):
    mesh = plsc.VectorSubcoreMesh(core_axis_name="c", subcore_axis_name="s")
    f = pl.kernel(
        _sc_body,
        out_type=jax.ShapeDtypeStruct((_B,), jnp.bool_),
        mesh=mesh,
        scratch_types=[
            pltpu.VMEM((_C,), jnp.float32),
            pltpu.VMEM((_C,), jnp.float32),
            pltpu.VMEM((_C,), jnp.float32),
            pltpu.VMEM((_C,), jnp.float32),
            pltpu.VMEM((_C,), jnp.float32),
            pltpu.VMEM((_C,), jnp.float32),
            pltpu.VMEM((_C,), jnp.int32),
            pltpu.VMEM((_C,), jnp.int32),
            pltpu.VMEM((_C,), jnp.bool_),
            pltpu.VMEM((_C,), jnp.bool_),
            pltpu.SemaphoreType.DMA,
            pltpu.SemaphoreType.DMA,
            pltpu.SemaphoreType.DMA,
            pltpu.SemaphoreType.DMA,
            pltpu.SemaphoreType.DMA,
            pltpu.SemaphoreType.DMA,
        ],
        compiler_params=pltpu.CompilerParams(needs_layout_passes=False),
    )
    return f(xs, ys, zs, grid_flat)


def kernel(pts, grid_flat):
    return _sc_call(pts[:, 0], pts[:, 1], pts[:, 2], grid_flat)

# --- scband reference (transcript-rebuilt; emitter-appended) ---
"""Pipeline reference for scband-occupancy-grid-16681652977873 (READ-ONLY COPY).

The authoritative reference and input builder live on the scoring server;
editing this copy changes nothing except your own understanding.
"""

import jax, jax.numpy as jnp
import numpy as np

RES = (256, 256, 256)
B = 4000000

def setup_inputs(seed: int = 0) -> dict:
    key = jax.random.key(seed)
    k1, k2 = jax.random.split(key)
    pts = jax.random.uniform(k1, (B, 3), dtype=jnp.float32)
    n_vox = RES[0] * RES[1] * RES[2]
    grid = jax.random.bernoulli(k2, 0.5, (n_vox,))
    # torch module appends a single 0 (False) so that index -1 / N maps to 'unoccupied'
    grid_flat = jnp.concatenate([grid, jnp.zeros((1,), dtype=bool)])
    return {"pts": pts, "grid_flat": grid_flat}

def reference(pts, grid_flat):
    epsilon = 1e-5
    gmin = jnp.array([0.0, 0.0, 0.0], dtype=jnp.float32)
    gmax = jnp.array([1.0, 1.0, 1.0], dtype=jnp.float32)
    res_f = jnp.array(RES, dtype=jnp.float32)
    voxel_size = (gmax - gmin) / res_f
    basis = jnp.array([RES[2] * RES[1], RES[2], 1], dtype=jnp.int32)
    n_vox = RES[0] * RES[1] * RES[2]
    # invalid mask: any coord outside [gmin+eps, gmax-eps)
    invalid = jnp.any(
        jnp.concatenate([pts >= gmax - epsilon, pts < gmin + epsilon], axis=-1),
        axis=-1,
    )
    # pts_to_indices
    indices3 = jnp.floor((pts - gmin) / voxel_size).astype(jnp.int32)
    flat_idx = jnp.sum(indices3 * basis, axis=-1)
    # torch sets invalid -> -1, which wraps to the appended False slot (index n_vox)
    flat_idx = jnp.where(invalid, n_vox, flat_idx)
    out = jnp.take(grid_flat, flat_idx, axis=0)
    return out

if __name__ == "__main__":
    import jax
    _d = setup_inputs()
    print(jax.jit(kernel)(*tuple(_d.values())))

</pallas_src>

<mosaic_0001>
#map = affine_map<(d0, d1) -> (0)>
module attributes {stable_mosaic.version = 14 : i64} {
  func.func @_sc_body(%arg0: i32, %arg1: i32, %arg2: memref<4000000xf32, #tpu.memory_space<hbm>>, %arg3: memref<4000000xf32, #tpu.memory_space<hbm>>, %arg4: memref<4000000xf32, #tpu.memory_space<hbm>>, %arg5: memref<16777217xi32, #tpu.memory_space<hbm>>, %arg6: memref<4000000xi32, #tpu.memory_space<hbm>>, %arg7: memref<8000xf32, #tpu.memory_space<vmem>>, %arg8: memref<8000xf32, #tpu.memory_space<vmem>>, %arg9: memref<8000xf32, #tpu.memory_space<vmem>>, %arg10: memref<8000xf32, #tpu.memory_space<vmem>>, %arg11: memref<8000xf32, #tpu.memory_space<vmem>>, %arg12: memref<8000xf32, #tpu.memory_space<vmem>>, %arg13: memref<8000xi32, #tpu.memory_space<vmem>>, %arg14: memref<8000xi32, #tpu.memory_space<vmem>>, %arg15: memref<8000xi32, #tpu.memory_space<vmem>>, %arg16: memref<8000xi32, #tpu.memory_space<vmem>>, %arg17: memref<!tpu.dma_semaphore, #tpu.memory_space<semaphore_mem>>, %arg18: memref<!tpu.dma_semaphore, #tpu.memory_space<semaphore_mem>>, %arg19: memref<!tpu.dma_semaphore, #tpu.memory_space<semaphore_mem>>, %arg20: memref<!tpu.dma_semaphore, #tpu.memory_space<semaphore_mem>>, %arg21: memref<!tpu.dma_semaphore, #tpu.memory_space<semaphore_mem>>, %arg22: memref<!tpu.dma_semaphore, #tpu.memory_space<semaphore_mem>>) attributes {dimension_semantics = [#tpu.dimension_semantics<core_parallel>, #tpu.dimension_semantics<subcore_parallel>], iteration_bounds = array<i64: 2, 16>, scalar_prefetch = 0 : i64, scratch_operands = 16 : i64, tpu.core_type = #tpu.core_type<sc_vector_subcore>, window_params = [{transform_indices = #map}, {transform_indices = #map}, {transform_indices = #map}, {transform_indices = #map}, {transform_indices = #map}]} {
    %mul3A = arith.constant 2 : i32
    %mul3A_0 = arith.muli %arg1, %mul3A : i32
    %add3A = arith.addi %mul3A_0, %arg0 : i32
    %lt3A = arith.constant 20 : i32
    %lt3A_1 = arith.cmpi slt, %add3A, %lt3A : i32
    %jit3A = arith.constant 16 : i32
    %jit3A_2 = arith.constant 15 : i32
    %select_n3A = arith.select %lt3A_1, %jit3A, %jit3A_2 : i32
    %add3A_3 = arith.constant 0 : i32
    %add3A_4 = arith.addi %add3A, %add3A_3 : i32
    %mul3A_5 = arith.constant 8000 : i32
    %mul3A_6 = arith.muli %add3A_4, %mul3A_5 : i32
    %add3A_7 = arith.constant 32 : i32
    %add3A_8 = arith.addi %add3A, %add3A_7 : i32
    %mul3A_9 = arith.constant 8000 : i32
    %mul3A_10 = arith.muli %add3A_8, %mul3A_9 : i32
    %add3A_11 = arith.constant 64 : i32
    %add3A_12 = arith.addi %add3A, %add3A_11 : i32
    %mul3A_13 = arith.constant 8000 : i32
    %mul3A_14 = arith.muli %add3A_12, %mul3A_13 : i32
    %add3A_15 = arith.constant 96 : i32
    %add3A_16 = arith.addi %add3A, %add3A_15 : i32
    %mul3A_17 = arith.constant 8000 : i32
    %mul3A_18 = arith.muli %add3A_16, %mul3A_17 : i32
    %add3A_19 = arith.constant 128 : i32
    %add3A_20 = arith.addi %add3A, %add3A_19 : i32
    %mul3A_21 = arith.constant 8000 : i32
    %mul3A_22 = arith.muli %add3A_20, %mul3A_21 : i32
    %add3A_23 = arith.constant 160 : i32
    %add3A_24 = arith.addi %add3A, %add3A_23 : i32
    %mul3A_25 = arith.constant 8000 : i32
    %mul3A_26 = arith.muli %add3A_24, %mul3A_25 : i32
    %add3A_27 = arith.constant 192 : i32
    %add3A_28 = arith.addi %add3A, %add3A_27 : i32
    %mul3A_29 = arith.constant 8000 : i32
    %mul3A_30 = arith.muli %add3A_28, %mul3A_29 : i32
    %add3A_31 = arith.constant 224 : i32
    %add3A_32 = arith.addi %add3A, %add3A_31 : i32
    %mul3A_33 = arith.constant 8000 : i32
    %mul3A_34 = arith.muli %add3A_32, %mul3A_33 : i32
    %add3A_35 = arith.constant 256 : i32
    %add3A_36 = arith.addi %add3A, %add3A_35 : i32
    %mul3A_37 = arith.constant 8000 : i32
    %mul3A_38 = arith.muli %add3A_36, %mul3A_37 : i32
    %add3A_39 = arith.constant 288 : i32
    %add3A_40 = arith.addi %add3A, %add3A_39 : i32
    %mul3A_41 = arith.constant 8000 : i32
    %mul3A_42 = arith.muli %add3A_40, %mul3A_41 : i32
    %add3A_43 = arith.constant 320 : i32
    %add3A_44 = arith.addi %add3A, %add3A_43 : i32
    %mul3A_45 = arith.constant 8000 : i32
    %mul3A_46 = arith.muli %add3A_44, %mul3A_45 : i32
    %add3A_47 = arith.constant 352 : i32
    %add3A_48 = arith.addi %add3A, %add3A_47 : i32
    %mul3A_49 = arith.constant 8000 : i32
    %mul3A_50 = arith.muli %add3A_48, %mul3A_49 : i32
    %add3A_51 = arith.constant 384 : i32
    %add3A_52 = arith.addi %add3A, %add3A_51 : i32
    %mul3A_53 = arith.constant 8000 : i32
    %mul3A_54 = arith.muli %add3A_52, %mul3A_53 : i32
    %add3A_55 = arith.constant 416 : i32
    %add3A_56 = arith.addi %add3A, %add3A_55 : i32
    %mul3A_57 = arith.constant 8000 : i32
    %mul3A_58 = arith.muli %add3A_56, %mul3A_57 : i32
    %add3A_59 = arith.constant 448 : i32
    %add3A_60 = arith.addi %add3A, %add3A_59 : i32
    %mul3A_61 = arith.constant 8000 : i32
    %mul3A_62 = arith.muli %add3A_60, %mul3A_61 : i32
    %add3A_63 = arith.constant 480 : i32
    %add3A_64 = arith.addi %add3A, %add3A_63 : i32
    %mul3A_65 = arith.constant 8000 : i32
    %mul3A_66 = arith.muli %add3A_64, %mul3A_65 : i32
    %gt3A = arith.constant 0 : i32
    %gt3A_67 = arith.cmpi sgt, %select_n3A, %gt3A : i32
    %convert_element_type3A = arith.extui %gt3A_67 : i1 to i32
    %cond3A = arith.constant 0 : i32
    %cond3A_68 = arith.cmpi ne, %convert_element_type3A, %cond3A : i32
    scf.if %cond3A_68 {
      %dma_start3A = tpu.memref_slice %arg2[%mul3A_6] : memref<4000000xf32, #tpu.memory_space<hbm>> -> memref<8000xf32, #tpu.memory_space<hbm>>
      %dma_start3A_539 = tpu.memref_slice %arg2[%mul3A_6] : memref<4000000xf32, #tpu.memory_space<hbm>> -> memref<8000xf32, #tpu.memory_space<hbm>>
      tpu.enqueue_dma source(%dma_start3A_539 : memref<8000xf32, #tpu.memory_space<hbm>>) target(%arg7 : memref<8000xf32, #tpu.memory_space<vmem>>) target_semaphore(%arg17 : memref<!tpu.dma_semaphore, #tpu.memory_space<semaphore_mem>>)
      %dma_start3A_540 = tpu.memref_slice %arg3[%mul3A_6] : memref<4000000xf32, #tpu.memory_space<hbm>> -> memref<8000xf32, #tpu.memory_space<hbm>>
      %dma_start3A_541 = tpu.memref_slice %arg3[%mul3A_6] : memref<4000000xf32, #tpu.memory_space<hbm>> -> memref<8000xf32, #tpu.memory_space<hbm>>
      tpu.enqueue_dma source(%dma_start3A_541 : memref<8000xf32, #tpu.memory_space<hbm>>) target(%arg8 : memref<8000xf32, #tpu.memory_space<vmem>>) target_semaphore(%arg17 : memref<!tpu.dma_semaphore, #tpu.memory_space<semaphore_mem>>)
      %dma_start3A_542 = tpu.memref_slice %arg4[%mul3A_6] : memref<4000000xf32, #tpu.memory_space<hbm>> -> memref<8000xf32, #tpu.memory_space<hbm>>
      %dma_start3A_543 = tpu.memref_slice %arg4[%mul3A_6] : memref<4000000xf32, #tpu.memory_space<hbm>> -> memref<8000xf32, #tpu.memory_space<hbm>>
      tpu.enqueue_dma source(%dma_start3A_543 : memref<8000xf32, #tpu.memory_space<hbm>>) target(%arg9 : memref<8000xf32, #tpu.memory_space<vmem>>) target_semaphore(%arg17 : memref<!tpu.dma_semaphore, #tpu.memory_space<semaphore_mem>>)
    } else {
    }
    %gt3A_69 = arith.constant 0 : i32
    %gt3A_70 = arith.cmpi sgt, %select_n3A, %gt3A_69 : i32
    %convert_element_type3A_71 = arith.extui %gt3A_70 : i1 to i32
    %cond3A_72 = arith.constant 0 : i32
    %cond3A_73 = arith.cmpi ne, %convert_element_type3A_71, %cond3A_72 : i32
    scf.if %cond3A_73 {
      %dma_wait3A = tpu.memref_slice %arg2[%mul3A_6] : memref<4000000xf32, #tpu.memory_space<hbm>> -> memref<8000xf32, #tpu.memory_space<hbm>>
      %dma_wait3A_539 = tpu.memref_slice %arg2[%mul3A_6] : memref<4000000xf32, #tpu.memory_space<hbm>> -> memref<8000xf32, #tpu.memory_space<hbm>>
      tpu.wait_dma2 semaphore(%arg17 : memref<!tpu.dma_semaphore, #tpu.memory_space<semaphore_mem>>) src(%dma_wait3A_539 : memref<8000xf32, #tpu.memory_space<hbm>>) dst(%arg7 : memref<8000xf32, #tpu.memory_space<vmem>>)
      %dma_wait3A_540 = tpu.memref_slice %arg3[%mul3A_6] : memref<4000000xf32, #tpu.memory_space<hbm>> -> memref<8000xf32, #tpu.memory_space<hbm>>
      %dma_wait3A_541 = tpu.memref_slice %arg3[%mul3A_6] : memref<4000000xf32, #tpu.memory_space<hbm>> -> memref<8000xf32, #tpu.memory_space<hbm>>
      tpu.wait_dma2 semaphore(%arg17 : memref<!tpu.dma_semaphore, #tpu.memory_space<semaphore_mem>>) src(%dma_wait3A_541 : memref<8000xf32, #tpu.memory_space<hbm>>) dst(%arg8 : memref<8000xf32, #tpu.memory_space<vmem>>)
      %dma_wait3A_542 = tpu.memref_slice %arg4[%mul3A_6] : memref<4000000xf32, #tpu.memory_space<hbm>> -> memref<8000xf32, #tpu.memory_space<hbm>>
      %dma_wait3A_543 = tpu.memref_slice %arg4[%mul3A_6] : memref<4000000xf32, #tpu.memory_space<hbm>> -> memref<8000xf32, #tpu.memory_space<hbm>>
      tpu.wait_dma2 semaphore(%arg17 : memref<!tpu.dma_semaphore, #tpu.memory_space<semaphore_mem>>) src(%dma_wait3A_543 : memref<8000xf32, #tpu.memory_space<hbm>>) dst(%arg9 : memref<8000xf32, #tpu.memory_space<vmem>>)
    } else {
    }
    %gt3A_74 = arith.constant 1 : i32
    %gt3A_75 = arith.cmpi sgt, %select_n3A, %gt3A_74 : i32
    %convert_element_type3A_76 = arith.extui %gt3A_75 : i1 to i32
    %cond3A_77 = arith.constant 0 : i32
    %cond3A_78 = arith.cmpi ne, %convert_element_type3A_76, %cond3A_77 : i32
    scf.if %cond3A_78 {
      %dma_start3A = tpu.memref_slice %arg2[%mul3A_10] : memref<4000000xf32, #tpu.memory_space<hbm>> -> memref<8000xf32, #tpu.memory_space<hbm>>
      %dma_start3A_539 = tpu.memref_slice %arg2[%mul3A_10] : memref<4000000xf32, #tpu.memory_space<hbm>> -> memref<8000xf32, #tpu.memory_space<hbm>>
      tpu.enqueue_dma source(%dma_start3A_539 : memref<8000xf32, #tpu.memory_space<hbm>>) target(%arg10 : memref<8000xf32, #tpu.memory_space<vmem>>) target_semaphore(%arg18 : memref<!tpu.dma_semaphore, #tpu.memory_space<semaphore_mem>>)
      %dma_start3A_540 = tpu.memref_slice %arg3[%mul3A_10] : memref<4000000xf32, #tpu.memory_space<hbm>> -> memref<8000xf32, #tpu.memory_space<hbm>>
      %dma_start3A_541 = tpu.memref_slice %arg3[%mul3A_10] : memref<4000000xf32, #tpu.memory_space<hbm>> -> memref<8000xf32, #tpu.memory_space<hbm>>
      tpu.enqueue_dma source(%dma_start3A_541 : memref<8000xf32, #tpu.memory_space<hbm>>) target(%arg11 : memref<8000xf32, #tpu.memory_space<vmem>>) target_semaphore(%arg18 : memref<!tpu.dma_semaphore, #tpu.memory_space<semaphore_mem>>)
      %dma_start3A_542 = tpu.memref_slice %arg4[%mul3A_10] : memref<4000000xf32, #tpu.memory_space<hbm>> -> memref<8000xf32, #tpu.memory_space<hbm>>
      %dma_start3A_543 = tpu.memref_slice %arg4[%mul3A_10] : memref<4000000xf32, #tpu.memory_space<hbm>> -> memref<8000xf32, #tpu.memory_space<hbm>>
      tpu.enqueue_dma source(%dma_start3A_543 : memref<8000xf32, #tpu.memory_space<hbm>>) target(%arg12 : memref<8000xf32, #tpu.memory_space<vmem>>) target_semaphore(%arg18 : memref<!tpu.dma_semaphore, #tpu.memory_space<semaphore_mem>>)
    } else {
    }
    %gt3A_79 = arith.constant 0 : i32
    %gt3A_80 = arith.cmpi sgt, %select_n3A, %gt3A_79 : i32
    %convert_element_type3A_81 = arith.extui %gt3A_80 : i1 to i32
    %cond3A_82 = arith.constant 0 : i32
    %cond3A_83 = arith.cmpi ne, %convert_element_type3A_81, %cond3A_82 : i32
    scf.if %cond3A_83 {
      %scan3A = arith.constant 0 : i32
      %scan3A_539 = arith.constant 0 : i32
      %scan3A_540 = arith.constant 500 : i32
      %scan3A_541 = arith.addi %scan3A_539, %scan3A_540 : i32
      %scan3A_542 = arith.constant 1 : i32
      scf.for %scan3A_544 = %scan3A_539 to %scan3A_541 step %scan3A_542  : i32 {
        %mul3A_545 = arith.constant 16 : i32
        %mul3A_546 = arith.muli %scan3A_544, %mul3A_545 : i32
        %get3A = arith.index_cast %mul3A_546 : i32 to index
        %get3A_547 = tpu.vector_load %arg7[%get3A] {strides = array<i32>} : memref<8000xf32, #tpu.memory_space<vmem>>, vector<16xf32>,
        %get3A_548 = arith.index_cast %mul3A_546 : i32 to index
        %get3A_549 = tpu.vector_load %arg8[%get3A_548] {strides = array<i32>} : memref<8000xf32, #tpu.memory_space<vmem>>, vector<16xf32>,
        %get3A_550 = arith.index_cast %mul3A_546 : i32 to index
        %get3A_551 = tpu.vector_load %arg9[%get3A_550] {strides = array<i32>} : memref<8000xf32, #tpu.memory_space<vmem>>, vector<16xf32>,
        %mul3A_552 = arith.constant 2.560000e+02 : f32
        %mul3A_553 = vector.broadcast %mul3A_552 : f32 to vector<16xf32>
        %mul3A_554 = arith.mulf %get3A_547, %mul3A_553 : vector<16xf32>
        %convert_element_type3A_555 = arith.fptosi %mul3A_554 : vector<16xf32> to vector<16xi32>
        %mul3A_556 = arith.constant 2.560000e+02 : f32
        %mul3A_557 = vector.broadcast %mul3A_556 : f32 to vector<16xf32>
        %mul3A_558 = arith.mulf %get3A_549, %mul3A_557 : vector<16xf32>
        %convert_element_type3A_559 = arith.fptosi %mul3A_558 : vector<16xf32> to vector<16xi32>
        %mul3A_560 = arith.constant 2.560000e+02 : f32
        %mul3A_561 = vector.broadcast %mul3A_560 : f32 to vector<16xf32>
        %mul3A_562 = arith.mulf %get3A_551, %mul3A_561 : vector<16xf32>
        %convert_element_type3A_563 = arith.fptosi %mul3A_562 : vector<16xf32> to vector<16xi32>
        %mul3A_564 = arith.constant 65536 : i32
        %mul3A_565 = vector.broadcast %mul3A_564 : i32 to vector<16xi32>
        %mul3A_566 = arith.muli %convert_element_type3A_555, %mul3A_565 : vector<16xi32>
        %mul3A_567 = arith.constant 256 : i32
        %mul3A_568 = vector.broadcast %mul3A_567 : i32 to vector<16xi32>
        %mul3A_569 = arith.muli %convert_element_type3A_559, %mul3A_568 : vector<16xi32>
        %add3A_570 = arith.addi %mul3A_566, %mul3A_569 : vector<16xi32>
        %add3A_571 = arith.addi %add3A_570, %convert_element_type3A_563 : vector<16xi32>
        %lt3A_572 = arith.constant 9.99999974E-6 : f32
        %lt3A_573 = vector.broadcast %lt3A_572 : f32 to vector<16xf32>
        %lt3A_574 = arith.cmpf olt, %get3A_547, %lt3A_573 : vector<16xf32>
        %ge3A = arith.constant 0.999989986 : f32
        %ge3A_575 = vector.broadcast %ge3A : f32 to vector<16xf32>
        %ge3A_576 = arith.cmpf oge, %get3A_547, %ge3A_575 : vector<16xf32>
        %or3A = arith.ori %lt3A_574, %ge3A_576 : vector<16xi1>
        %lt3A_577 = arith.constant 9.99999974E-6 : f32
        %lt3A_578 = vector.broadcast %lt3A_577 : f32 to vector<16xf32>
        %lt3A_579 = arith.cmpf olt, %get3A_549, %lt3A_578 : vector<16xf32>
        %or3A_580 = arith.ori %or3A, %lt3A_579 : vector<16xi1>
        %ge3A_581 = arith.constant 0.999989986 : f32
        %ge3A_582 = vector.broadcast %ge3A_581 : f32 to vector<16xf32>
        %ge3A_583 = arith.cmpf oge, %get3A_549, %ge3A_582 : vector<16xf32>
        %or3A_584 = arith.ori %or3A_580, %ge3A_583 : vector<16xi1>
        %lt3A_585 = arith.constant 9.99999974E-6 : f32
        %lt3A_586 = vector.broadcast %lt3A_585 : f32 to vector<16xf32>
        %lt3A_587 = arith.cmpf olt, %get3A_551, %lt3A_586 : vector<16xf32>
        %or3A_588 = arith.ori %or3A_584, %lt3A_587 : vector<16xi1>
        %ge3A_589 = arith.constant 0.999989986 : f32
        %ge3A_590 = vector.broadcast %ge3A_589 : f32 to vector<16xf32>
        %ge3A_591 = arith.cmpf oge, %get3A_551, %ge3A_590 : vector<16xf32>
        %or3A_592 = arith.ori %or3A_588, %ge3A_591 : vector<16xi1>
        %jit3A_593 = arith.constant 16777216 : i32
        %broadcast_in_dim3A = vector.broadcast %jit3A_593 : i32 to vector<16xi32>
        %select_n3A_594 = arith.select %or3A_592, %broadcast_in_dim3A, %add3A_571 : vector<16xi1>, vector<16xi32>
        %swap3A = arith.index_cast %mul3A_546 : i32 to index
        %swap3A_595 = tpu.vector_load %arg13[%swap3A] {strides = array<i32>} : memref<8000xi32, #tpu.memory_space<vmem>>, vector<16xi32>,
        tpu.vector_store %arg13[%swap3A], %select_n3A_594 {strides = array<i32>} : memref<8000xi32, #tpu.memory_space<vmem>>, vector<16xi32>,
      }
      %scan3A_543 = arith.constant 500 : i32
    } else {
    }
    %gt3A_84 = arith.constant 0 : i32
    %gt3A_85 = arith.cmpi sgt, %select_n3A, %gt3A_84 : i32
    %convert_element_type3A_86 = arith.extui %gt3A_85 : i1 to i32
    %cond3A_87 = arith.constant 0 : i32
    %cond3A_88 = arith.cmpi ne, %convert_element_type3A_86, %cond3A_87 : i32
    scf.if %cond3A_88 {
      %dma_start3A = arith.constant 0 : i32
      %dma_start3A_539 = tpu.memref_slice %arg5[%dma_start3A] : memref<16777217xi32, #tpu.memory_space<hbm>> -> memref<16777217xi32, #tpu.memory_space<hbm>>
      tpu.enqueue_indirect_dma source(%dma_start3A_539 : memref<16777217xi32, #tpu.memory_space<hbm>>) target(%arg15 : memref<8000xi32, #tpu.memory_space<vmem>>) offsets(%arg13 : memref<8000xi32, #tpu.memory_space<vmem>>) semaphore(%arg19 : memref<!tpu.dma_semaphore, #tpu.memory_space<semaphore_mem>>)
    } else {
    }
    %gt3A_89 = arith.constant 1 : i32
    %gt3A_90 = arith.cmpi sgt, %select_n3A, %gt3A_89 : i32
    %convert_element_type3A_91 = arith.extui %gt3A_90 : i1 to i32
    %cond3A_92 = arith.constant 0 : i32
    %cond3A_93 = arith.cmpi ne, %convert_element_type3A_91, %cond3A_92 : i32
    scf.if %cond3A_93 {
      %dma_wait3A = tpu.memref_slice %arg2[%mul3A_10] : memref<4000000xf32, #tpu.memory_space<hbm>> -> memref<8000xf32, #tpu.memory_space<hbm>>
      %dma_wait3A_539 = tpu.memref_slice %arg2[%mul3A_10] : memref<4000000xf32, #tpu.memory_space<hbm>> -> memref<8000xf32, #tpu.memory_space<hbm>>
      tpu.wait_dma2 semaphore(%arg18 : memref<!tpu.dma_semaphore, #tpu.memory_space<semaphore_mem>>) src(%dma_wait3A_539 : memref<8000xf32, #tpu.memory_space<hbm>>) dst(%arg10 : memref<8000xf32, #tpu.memory_space<vmem>>)
      %dma_wait3A_540 = tpu.memref_slice %arg3[%mul3A_10] : memref<4000000xf32, #tpu.memory_space<hbm>> -> memref<8000xf32, #tpu.memory_space<hbm>>
      %dma_wait3A_541 = tpu.memref_slice %arg3[%mul3A_10] : memref<4000000xf32, #tpu.memory_space<hbm>> -> memref<8000xf32, #tpu.memory_space<hbm>>
      tpu.wait_dma2 semaphore(%arg18 : memref<!tpu.dma_semaphore, #tpu.memory_space<semaphore_mem>>) src(%dma_wait3A_541 : memref<8000xf32, #tpu.memory_space<hbm>>) dst(%arg11 : memref<8000xf32, #tpu.memory_space<vmem>>)
      %dma_wait3A_542 = tpu.memref_slice %arg4[%mul3A_10] : memref<4000000xf32, #tpu.memory_space<hbm>> -> memref<8000xf32, #tpu.memory_space<hbm>>
      %dma_wait3A_543 = tpu.memref_slice %arg4[%mul3A_10] : memref<4000000xf32, #tpu.memory_space<hbm>> -> memref<8000xf32, #tpu.memory_space<hbm>>
      tpu.wait_dma2 semaphore(%arg18 : memref<!tpu.dma_semaphore, #tpu.memory_space<semaphore_mem>>) src(%dma_wait3A_543 : memref<8000xf32, #tpu.memory_space<hbm>>) dst(%arg12 : memref<8000xf32, #tpu.memory_space<vmem>>)
    } else {
    }
    %gt3A_94 = arith.constant 2 : i32
    %gt3A_95 = arith.cmpi sgt, %select_n3A, %gt3A_94 : i32
    %convert_element_type3A_96 = arith.extui %gt3A_95 : i1 to i32
    %cond3A_97 = arith.constant 0 : i32
    %cond3A_98 = arith.cmpi ne, %convert_element_type3A_96, %cond3A_97 : i32
    scf.if %cond3A_98 {
      %dma_start3A = tpu.memref_slice %arg2[%mul3A_14] : memref<4000000xf32, #tpu.memory_space<hbm>> -> memref<8000xf32, #tpu.memory_space<hbm>>
      %dma_start3A_539 = tpu.memref_slice %arg2[%mul3A_14] : memref<4000000xf32, #tpu.memory_space<hbm>> -> memref<8000xf32, #tpu.memory_space<hbm>>
      tpu.enqueue_dma source(%dma_start3A_539 : memref<8000xf32, #tpu.memory_space<hbm>>) target(%arg7 : memref<8000xf32, #tpu.memory_space<vmem>>) target_semaphore(%arg17 : memref<!tpu.dma_semaphore, #tpu.memory_space<semaphore_mem>>)
      %dma_start3A_540 = tpu.memref_slice %arg3[%mul3A_14] : memref<4000000xf32, #tpu.memory_space<hbm>> -> memref<8000xf32, #tpu.memory_space<hbm>>
      %dma_start3A_541 = tpu.memref_slice %arg3[%mul3A_14] : memref<4000000xf32, #tpu.memory_space<hbm>> -> memref<8000xf32, #tpu.memory_space<hbm>>
      tpu.enqueue_dma source(%dma_start3A_541 : memref<8000xf32, #tpu.memory_space<hbm>>) target(%arg8 : memref<8000xf32, #tpu.memory_space<vmem>>) target_semaphore(%arg17 : memref<!tpu.dma_semaphore, #tpu.memory_space<semaphore_mem>>)
      %dma_start3A_542 = tpu.memref_slice %arg4[%mul3A_14] : memref<4000000xf32, #tpu.memory_space<hbm>> -> memref<8000xf32, #tpu.memory_space<hbm>>
      %dma_start3A_543 = tpu.memref_slice %arg4[%mul3A_14] : memref<4000000xf32, #tpu.memory_space<hbm>> -> memref<8000xf32, #tpu.memory_space<hbm>>
      tpu.enqueue_dma source(%dma_start3A_543 : memref<8000xf32, #tpu.memory_space<hbm>>) target(%arg9 : memref<8000xf32, #tpu.memory_space<vmem>>) target_semaphore(%arg17 : memref<!tpu.dma_semaphore, #tpu.memory_space<semaphore_mem>>)
    } else {
    }
    %gt3A_99 = arith.constant 1 : i32
    %gt3A_100 = arith.cmpi sgt, %select_n3A, %gt3A_99 : i32
    %convert_element_type3A_101 = arith.extui %gt3A_100 : i1 to i32
    %cond3A_102 = arith.constant 0 : i32
    %cond3A_103 = arith.cmpi ne, %convert_element_type3A_101, %cond3A_102 : i32
    scf.if %cond3A_103 {
      %scan3A = arith.constant 0 : i32
      %scan3A_539 = arith.constant 0 : i32
      %scan3A_540 = arith.constant 500 : i32
      %scan3A_541 = arith.addi %scan3A_539, %scan3A_540 : i32
      %scan3A_542 = arith.constant 1 : i32
      scf.for %scan3A_544 = %scan3A_539 to %scan3A_541 step %scan3A_542  : i32 {
        %mul3A_545 = arith.constant 16 : i32
        %mul3A_546 = arith.muli %scan3A_544, %mul3A_545 : i32
        %get3A = arith.index_cast %mul3A_546 : i32 to index
        %get3A_547 = tpu.vector_load %arg10[%get3A] {strides = array<i32>} : memref<8000xf32, #tpu.memory_space<vmem>>, vector<16xf32>,
        %get3A_548 = arith.index_cast %mul3A_546 : i32 to index
        %get3A_549 = tpu.vector_load %arg11[%get3A_548] {strides = array<i32>} : memref<8000xf32, #tpu.memory_space<vmem>>, vector<16xf32>,
        %get3A_550 = arith.index_cast %mul3A_546 : i32 to index
        %get3A_551 = tpu.vector_load %arg12[%get3A_550] {strides = array<i32>} : memref<8000xf32, #tpu.memory_space<vmem>>, vector<16xf32>,
        %mul3A_552 = arith.constant 2.560000e+02 : f32
        %mul3A_553 = vector.broadcast %mul3A_552 : f32 to vector<16xf32>
        %mul3A_554 = arith.mulf %get3A_547, %mul3A_553 : vector<16xf32>
        %convert_element_type3A_555 = arith.fptosi %mul3A_554 : vector<16xf32> to vector<16xi32>
        %mul3A_556 = arith.constant 2.560000e+02 : f32
        %mul3A_557 = vector.broadcast %mul3A_556 : f32 to vector<16xf32>
        %mul3A_558 = arith.mulf %get3A_549, %mul3A_557 : vector<16xf32>
        %convert_element_type3A_559 = arith.fptosi %mul3A_558 : vector<16xf32> to vector<16xi32>
        %mul3A_560 = arith.constant 2.560000e+02 : f32
        %mul3A_561 = vector.broadcast %mul3A_560 : f32 to vector<16xf32>
        %mul3A_562 = arith.mulf %get3A_551, %mul3A_561 : vector<16xf32>
        %convert_element_type3A_563 = arith.fptosi %mul3A_562 : vector<16xf32> to vector<16xi32>
        %mul3A_564 = arith.constant 65536 : i32
        %mul3A_565 = vector.broadcast %mul3A_564 : i32 to vector<16xi32>
        %mul3A_566 = arith.muli %convert_element_type3A_555, %mul3A_565 : vector<16xi32>
        %mul3A_567 = arith.constant 256 : i32
        %mul3A_568 = vector.broadcast %mul3A_567 : i32 to vector<16xi32>
        %mul3A_569 = arith.muli %convert_element_type3A_559, %mul3A_568 : vector<16xi32>
        %add3A_570 = arith.addi %mul3A_566, %mul3A_569 : vector<16xi32>
        %add3A_571 = arith.addi %add3A_570, %convert_element_type3A_563 : vector<16xi32>
        %lt3A_572 = arith.constant 9.99999974E-6 : f32
        %lt3A_573 = vector.broadcast %lt3A_572 : f32 to vector<16xf32>
        %lt3A_574 = arith.cmpf olt, %get3A_547, %lt3A_573 : vector<16xf32>
        %ge3A = arith.constant 0.999989986 : f32
        %ge3A_575 = vector.broadcast %ge3A : f32 to vector<16xf32>
        %ge3A_576 = arith.cmpf oge, %get3A_547, %ge3A_575 : vector<16xf32>
        %or3A = arith.ori %lt3A_574, %ge3A_576 : vector<16xi1>
        %lt3A_577 = arith.constant 9.99999974E-6 : f32
        %lt3A_578 = vector.broadcast %lt3A_577 : f32 to vector<16xf32>
        %lt3A_579 = arith.cmpf olt, %get3A_549, %lt3A_578 : vector<16xf32>
        %or3A_580 = arith.ori %or3A, %lt3A_579 : vector<16xi1>
        %ge3A_581 = arith.constant 0.999989986 : f32
        %ge3A_582 = vector.broadcast %ge3A_581 : f32 to vector<16xf32>
        %ge3A_583 = arith.cmpf oge, %get3A_549, %ge3A_582 : vector<16xf32>
        %or3A_584 = arith.ori %or3A_580, %ge3A_583 : vector<16xi1>
        %lt3A_585 = arith.constant 9.99999974E-6 : f32
        %lt3A_586 = vector.broadcast %lt3A_585 : f32 to vector<16xf32>
        %lt3A_587 = arith.cmpf olt, %get3A_551, %lt3A_586 : vector<16xf32>
        %or3A_588 = arith.ori %or3A_584, %lt3A_587 : vector<16xi1>
        %ge3A_589 = arith.constant 0.999989986 : f32
        %ge3A_590 = vector.broadcast %ge3A_589 : f32 to vector<16xf32>
        %ge3A_591 = arith.cmpf oge, %get3A_551, %ge3A_590 : vector<16xf32>
        %or3A_592 = arith.ori %or3A_588, %ge3A_591 : vector<16xi1>
        %jit3A_593 = arith.constant 16777216 : i32
        %broadcast_in_dim3A = vector.broadcast %jit3A_593 : i32 to vector<16xi32>
        %select_n3A_594 = arith.select %or3A_592, %broadcast_in_dim3A, %add3A_571 : vector<16xi1>, vector<16xi32>
        %swap3A = arith.index_cast %mul3A_546 : i32 to index
        %swap3A_595 = tpu.vector_load %arg14[%swap3A] {strides = array<i32>} : memref<8000xi32, #tpu.memory_space<vmem>>, vector<16xi32>,
        tpu.vector_store %arg14[%swap3A], %select_n3A_594 {strides = array<i32>} : memref<8000xi32, #tpu.memory_space<vmem>>, vector<16xi32>,
      }
      %scan3A_543 = arith.constant 500 : i32
    } else {
    }
    %gt3A_104 = arith.constant 0 : i32
    %gt3A_105 = arith.cmpi sgt, %select_n3A, %gt3A_104 : i32
    %convert_element_type3A_106 = arith.extui %gt3A_105 : i1 to i32
    %cond3A_107 = arith.constant 0 : i32
    %cond3A_108 = arith.cmpi ne, %convert_element_type3A_106, %cond3A_107 : i32
    scf.if %cond3A_108 {
      %dma_wait3A = arith.constant 0 : i32
      %dma_wait3A_539 = tpu.memref_slice %arg5[%dma_wait3A] : memref<16777217xi32, #tpu.memory_space<hbm>> -> memref<16777217xi32, #tpu.memory_space<hbm>>
      tpu.wait_indirect_dma semaphore(%arg19 : memref<!tpu.dma_semaphore, #tpu.memory_space<semaphore_mem>>) src(%dma_wait3A_539 : memref<16777217xi32, #tpu.memory_space<hbm>>) dst(%arg15 : memref<8000xi32, #tpu.memory_space<vmem>>)
      %dma_start3A = tpu.memref_slice %arg6[%mul3A_6] : memref<4000000xi32, #tpu.memory_space<hbm>> -> memref<8000xi32, #tpu.memory_space<hbm>>
      %dma_start3A_540 = tpu.memref_slice %arg6[%mul3A_6] : memref<4000000xi32, #tpu.memory_space<hbm>> -> memref<8000xi32, #tpu.memory_space<hbm>>
      tpu.enqueue_dma source(%arg15 : memref<8000xi32, #tpu.memory_space<vmem>>) target(%dma_start3A_540 : memref<8000xi32, #tpu.memory_space<hbm>>) target_semaphore(%arg21 : memref<!tpu.dma_semaphore, #tpu.memory_space<semaphore_mem>>)
    } else {
    }
    %gt3A_109 = arith.constant 1 : i32
    %gt3A_110 = arith.cmpi sgt, %select_n3A, %gt3A_109 : i32
    %convert_element_type3A_111 = arith.extui %gt3A_110 : i1 to i32
    %cond3A_112 = arith.constant 0 : i32
    %cond3A_113 = arith.cmpi ne, %convert_element_type3A_111, %cond3A_112 : i32
    scf.if %cond3A_113 {
      %dma_start3A = arith.constant 0 : i32
      %dma_start3A_539 = tpu.memref_slice %arg5[%dma_start3A] : memref<16777217xi32, #tpu.memory_space<hbm>> -> memref<16777217xi32, #tpu.memory_space<hbm>>
      tpu.enqueue_indirect_dma source(%dma_start3A_539 : memref<16777217xi32, #tpu.memory_space<hbm>>) target(%arg16 : memref<8000xi32, #tpu.memory_space<vmem>>) offsets(%arg14 : memref<8000xi32, #tpu.memory_space<vmem>>) semaphore(%arg20 : memref<!tpu.dma_semaphore, #tpu.memory_space<semaphore_mem>>)
    } else {
    }
    %gt3A_114 = arith.constant 2 : i32
    %gt3A_115 = arith.cmpi sgt, %select_n3A, %gt3A_114 : i32
    %convert_element_type3A_116 = arith.extui %gt3A_115 : i1 to i32
    %cond3A_117 = arith.constant 0 : i32
    %cond3A_118 = arith.cmpi ne, %convert_element_type3A_116, %cond3A_117 : i32
    scf.if %cond3A_118 {
      %dma_wait3A = tpu.memref_slice %arg2[%mul3A_14] : memref<4000000xf32, #tpu.memory_space<hbm>> -> memref<8000xf32, #tpu.memory_space<hbm>>
      %dma_wait3A_539 = tpu.memref_slice %arg2[%mul3A_14] : memref<4000000xf32, #tpu.memory_space<hbm>> -> memref<8000xf32, #tpu.memory_space<hbm>>
      tpu.wait_dma2 semaphore(%arg17 : memref<!tpu.dma_semaphore, #tpu.memory_space<semaphore_mem>>) src(%dma_wait3A_539 : memref<8000xf32, #tpu.memory_space<hbm>>) dst(%arg7 : memref<8000xf32, #tpu.memory_space<vmem>>)
      %dma_wait3A_540 = tpu.memref_slice %arg3[%mul3A_14] : memref<4000000xf32, #tpu.memory_space<hbm>> -> memref<8000xf32, #tpu.memory_space<hbm>>
      %dma_wait3A_541 = tpu.memref_slice %arg3[%mul3A_14] : memref<4000000xf32, #tpu.memory_space<hbm>> -> memref<8000xf32, #tpu.memory_space<hbm>>
      tpu.wait_dma2 semaphore(%arg17 : memref<!tpu.dma_semaphore, #tpu.memory_space<semaphore_mem>>) src(%dma_wait3A_541 : memref<8000xf32, #tpu.memory_space<hbm>>) dst(%arg8 : memref<8000xf32, #tpu.memory_space<vmem>>)
      %dma_wait3A_542 = tpu.memref_slice %arg4[%mul3A_14] : memref<4000000xf32, #tpu.memory_space<hbm>> -> memref<8000xf32, #tpu.memory_space<hbm>>
      %dma_wait3A_543 = tpu.memref_slice %arg4[%mul3A_14] : memref<4000000xf32, #tpu.memory_space<hbm>> -> memref<8000xf32, #tpu.memory_space<hbm>>
      tpu.wait_dma2 semaphore(%arg17 : memref<!tpu.dma_semaphore, #tpu.memory_space<semaphore_mem>>) src(%dma_wait3A_543 : memref<8000xf32, #tpu.memory_space<hbm>>) dst(%arg9 : memref<8000xf32, #tpu.memory_space<vmem>>)
    } else {
    }
    %gt3A_119 = arith.constant 3 : i32
    %gt3A_120 = arith.cmpi sgt, %select_n3A, %gt3A_119 : i32
    %convert_element_type3A_121 = arith.extui %gt3A_120 : i1 to i32
    %cond3A_122 = arith.constant 0 : i32
    %cond3A_123 = arith.cmpi ne, %convert_element_type3A_121, %cond3A_122 : i32
    scf.if %cond3A_123 {
      %dma_start3A = tpu.memref_slice %arg2[%mul3A_18] : memref<4000000xf32, #tpu.memory_space<hbm>> -> memref<8000xf32, #tpu.memory_space<hbm>>
      %dma_start3A_539 = tpu.memref_slice %arg2[%mul3A_18] : memref<4000000xf32, #tpu.memory_space<hbm>> -> memref<8000xf32, #tpu.memory_space<hbm>>
      tpu.enqueue_dma source(%dma_start3A_539 : memref<8000xf32, #tpu.memory_space<hbm>>) target(%arg10 : memref<8000xf32, #tpu.memory_space<vmem>>) target_semaphore(%arg18 : memref<!tpu.dma_semaphore, #tpu.memory_space<semaphore_mem>>)
      %dma_start3A_540 = tpu.memref_slice %arg3[%mul3A_18] : memref<4000000xf32, #tpu.memory_space<hbm>> -> memref<8000xf32, #tpu.memory_space<hbm>>
      %dma_start3A_541 = tpu.memref_slice %arg3[%mul3A_18] : memref<4000000xf32, #tpu.memory_space<hbm>> -> memref<8000xf32, #tpu.memory_space<hbm>>
      tpu.enqueue_dma source(%dma_start3A_541 : memref<8000xf32, #tpu.memory_space<hbm>>) target(%arg11 : memref<8000xf32, #tpu.memory_space<vmem>>) target_semaphore(%arg18 : memref<!tpu.dma_semaphore, #tpu.memory_space<semaphore_mem>>)
      %dma_start3A_542 = tpu.memref_slice %arg4[%mul3A_18] : memref<4000000xf32, #tpu.memory_space<hbm>> -> memref<8000xf32, #tpu.memory_space<hbm>>
      %dma_start3A_543 = tpu.memref_slice %arg4[%mul3A_18] : memref<4000000xf32, #tpu.memory_space<hbm>> -> memref<8000xf32, #tpu.memory_space<hbm>>
      tpu.enqueue_dma source(%dma_start3A_543 : memref<8000xf32, #tpu.memory_space<hbm>>) target(%arg12 : memref<8000xf32, #tpu.memory_space<vmem>>) target_semaphore(%arg18 : memref<!tpu.dma_semaphore, #tpu.memory_space<semaphore_mem>>)
    } else {
    }
    %gt3A_124 = arith.constant 2 : i32
    %gt3A_125 = arith.cmpi sgt, %select_n3A, %gt3A_124 : i32
    %convert_element_type3A_126 = arith.extui %gt3A_125 : i1 to i32
    %cond3A_127 = arith.constant 0 : i32
    %cond3A_128 = arith.cmpi ne, %convert_element_type3A_126, %cond3A_127 : i32
    scf.if %cond3A_128 {
      %scan3A = arith.constant 0 : i32
      %scan3A_539 = arith.constant 0 : i32
      %scan3A_540 = arith.constant 500 : i32
      %scan3A_541 = arith.addi %scan3A_539, %scan3A_540 : i32
      %scan3A_542 = arith.constant 1 : i32
      scf.for %scan3A_544 = %scan3A_539 to %scan3A_541 step %scan3A_542  : i32 {
        %mul3A_545 = arith.constant 16 : i32
        %mul3A_546 = arith.muli %scan3A_544, %mul3A_545 : i32
        %get3A = arith.index_cast %mul3A_546 : i32 to index
        %get3A_547 = tpu.vector_load %arg7[%get3A] {strides = array<i32>} : memref<8000xf32, #tpu.memory_space<vmem>>, vector<16xf32>,
        %get3A_548 = arith.index_cast %mul3A_546 : i32 to index
        %get3A_549 = tpu.vector_load %arg8[%get3A_548] {strides = array<i32>} : memref<8000xf32, #tpu.memory_space<vmem>>, vector<16xf32>,
        %get3A_550 = arith.index_cast %mul3A_546 : i32 to index
        %get3A_551 = tpu.vector_load %arg9[%get3A_550] {strides = array<i32>} : memref<8000xf32, #tpu.memory_space<vmem>>, vector<16xf32>,
        %mul3A_552 = arith.constant 2.560000e+02 : f32
        %mul3A_553 = vector.broadcast %mul3A_552 : f32 to vector<16xf32>
        %mul3A_554 = arith.mulf %get3A_547, %mul3A_553 : vector<16xf32>
        %convert_element_type3A_555 = arith.fptosi %mul3A_554 : vector<16xf32> to vector<16xi32>
        %mul3A_556 = arith.constant 2.560000e+02 : f32
        %mul3A_557 = vector.broadcast %mul3A_556 : f32 to vector<16xf32>
        %mul3A_558 = arith.mulf %get3A_549, %mul3A_557 : vector<16xf32>
        %convert_element_type3A_559 = arith.fptosi %mul3A_558 : vector<16xf32> to vector<16xi32>
        %mul3A_560 = arith.constant 2.560000e+02 : f32
        %mul3A_561 = vector.broadcast %mul3A_560 : f32 to vector<16xf32>
        %mul3A_562 = arith.mulf %get3A_551, %mul3A_561 : vector<16xf32>
        %convert_element_type3A_563 = arith.fptosi %mul3A_562 : vector<16xf32> to vector<16xi32>
        %mul3A_564 = arith.constant 65536 : i32
        %mul3A_565 = vector.broadcast %mul3A_564 : i32 to vector<16xi32>
        %mul3A_566 = arith.muli %convert_element_type3A_555, %mul3A_565 : vector<16xi32>
        %mul3A_567 = arith.constant 256 : i32
        %mul3A_568 = vector.broadcast %mul3A_567 : i32 to vector<16xi32>
        %mul3A_569 = arith.muli %convert_element_type3A_559, %mul3A_568 : vector<16xi32>
        %add3A_570 = arith.addi %mul3A_566, %mul3A_569 : vector<16xi32>
        %add3A_571 = arith.addi %add3A_570, %convert_element_type3A_563 : vector<16xi32>
        %lt3A_572 = arith.constant 9.99999974E-6 : f32
        %lt3A_573 = vector.broadcast %lt3A_572 : f32 to vector<16xf32>
        %lt3A_574 = arith.cmpf olt, %get3A_547, %lt3A_573 : vector<16xf32>
        %ge3A = arith.constant 0.999989986 : f32
        %ge3A_575 = vector.broadcast %ge3A : f32 to vector<16xf32>
        %ge3A_576 = arith.cmpf oge, %get3A_547, %ge3A_575 : vector<16xf32>
        %or3A = arith.ori %lt3A_574, %ge3A_576 : vector<16xi1>
        %lt3A_577 = arith.constant 9.99999974E-6 : f32
        %lt3A_578 = vector.broadcast %lt3A_577 : f32 to vector<16xf32>
        %lt3A_579 = arith.cmpf olt, %get3A_549, %lt3A_578 : vector<16xf32>
        %or3A_580 = arith.ori %or3A, %lt3A_579 : vector<16xi1>
        %ge3A_581 = arith.constant 0.999989986 : f32
        %ge3A_582 = vector.broadcast %ge3A_581 : f32 to vector<16xf32>
        %ge3A_583 = arith.cmpf oge, %get3A_549, %ge3A_582 : vector<16xf32>
        %or3A_584 = arith.ori %or3A_580, %ge3A_583 : vector<16xi1>
        %lt3A_585 = arith.constant 9.99999974E-6 : f32
        %lt3A_586 = vector.broadcast %lt3A_585 : f32 to vector<16xf32>
        %lt3A_587 = arith.cmpf olt, %get3A_551, %lt3A_586 : vector<16xf32>
        %or3A_588 = arith.ori %or3A_584, %lt3A_587 : vector<16xi1>
        %ge3A_589 = arith.constant 0.999989986 : f32
        %ge3A_590 = vector.broadcast %ge3A_589 : f32 to vector<16xf32>
        %ge3A_591 = arith.cmpf oge, %get3A_551, %ge3A_590 : vector<16xf32>
        %or3A_592 = arith.ori %or3A_588, %ge3A_591 : vector<16xi1>
        %jit3A_593 = arith.constant 16777216 : i32
        %broadcast_in_dim3A = vector.broadcast %jit3A_593 : i32 to vector<16xi32>
        %select_n3A_594 = arith.select %or3A_592, %broadcast_in_dim3A, %add3A_571 : vector<16xi1>, vector<16xi32>
        %swap3A = arith.index_cast %mul3A_546 : i32 to index
        %swap3A_595 = tpu.vector_load %arg13[%swap3A] {strides = array<i32>} : memref<8000xi32, #tpu.memory_space<vmem>>, vector<16xi32>,
        tpu.vector_store %arg13[%swap3A], %select_n3A_594 {strides = array<i32>} : memref<8000xi32, #tpu.memory_space<vmem>>, vector<16xi32>,
      }
      %scan3A_543 = arith.constant 500 : i32
    } else {
    }
    %gt3A_129 = arith.constant 1 : i32
    %gt3A_130 = arith.cmpi sgt, %select_n3A, %gt3A_129 : i32
    %convert_element_type3A_131 = arith.extui %gt3A_130 : i1 to i32
    %cond3A_132 = arith.constant 0 : i32
    %cond3A_133 = arith.cmpi ne, %convert_element_type3A_131, %cond3A_132 : i32
    scf.if %cond3A_133 {
      %dma_wait3A = arith.constant 0 : i32
      %dma_wait3A_539 = tpu.memref_slice %arg5[%dma_wait3A] : memref<16777217xi32, #tpu.memory_space<hbm>> -> memref<16777217xi32, #tpu.memory_space<hbm>>
      tpu.wait_indirect_dma semaphore(%arg20 : memref<!tpu.dma_semaphore, #tpu.memory_space<semaphore_mem>>) src(%dma_wait3A_539 : memref<16777217xi32, #tpu.memory_space<hbm>>) dst(%arg16 : memref<8000xi32, #tpu.memory_space<vmem>>)
      %dma_start3A = tpu.memref_slice %arg6[%mul3A_10] : memref<4000000xi32, #tpu.memory_space<hbm>> -> memref<8000xi32, #tpu.memory_space<hbm>>
      %dma_start3A_540 = tpu.memref_slice %arg6[%mul3A_10] : memref<4000000xi32, #tpu.memory_space<hbm>> -> memref<8000xi32, #tpu.memory_space<hbm>>
      tpu.enqueue_dma source(%arg16 : memref<8000xi32, #tpu.memory_space<vmem>>) target(%dma_start3A_540 : memref<8000xi32, #tpu.memory_space<hbm>>) target_semaphore(%arg22 : memref<!tpu.dma_semaphore, #tpu.memory_space<semaphore_mem>>)
    } else {
    }
    %gt3A_134 = arith.constant 0 : i32
    %gt3A_135 = arith.cmpi sgt, %select_n3A, %gt3A_134 : i32
    %convert_element_type3A_136 = arith.extui %gt3A_135 : i1 to i32
    %cond3A_137 = arith.constant 0 : i32
    %cond3A_138 = arith.cmpi ne, %convert_element_type3A_136, %cond3A_137 : i32
    scf.if %cond3A_138 {
      %dma_wait3A = tpu.memref_slice %arg6[%mul3A_6] : memref<4000000xi32, #tpu.memory_space<hbm>> -> memref<8000xi32, #tpu.memory_space<hbm>>
      %dma_wait3A_539 = tpu.memref_slice %arg6[%mul3A_6] : memref<4000000xi32, #tpu.memory_space<hbm>> -> memref<8000xi32, #tpu.memory_space<hbm>>
      tpu.wait_dma2 semaphore(%arg21 : memref<!tpu.dma_semaphore, #tpu.memory_space<semaphore_mem>>) src(%arg15 : memref<8000xi32, #tpu.memory_space<vmem>>) dst(%dma_wait3A_539 : memref<8000xi32, #tpu.memory_space<hbm>>)
    } else {
    }
    %gt3A_139 = arith.constant 2 : i32
    %gt3A_140 = arith.cmpi sgt, %select_n3A, %gt3A_139 : i32
    %convert_element_type3A_141 = arith.extui %gt3A_140 : i1 to i32
    %cond3A_142 = arith.constant 0 : i32
    %cond3A_143 = arith.cmpi ne, %convert_element_type3A_141, %cond3A_142 : i32
    scf.if %cond3A_143 {
      %dma_start3A = arith.constant 0 : i32
      %dma_start3A_539 = tpu.memref_slice %arg5[%dma_start3A] : memref<16777217xi32, #tpu.memory_space<hbm>> -> memref<16777217xi32, #tpu.memory_space<hbm>>
      tpu.enqueue_indirect_dma source(%dma_start3A_539 : memref<16777217xi32, #tpu.memory_space<hbm>>) target(%arg15 : memref<8000xi32, #tpu.memory_space<vmem>>) offsets(%arg13 : memref<8000xi32, #tpu.memory_space<vmem>>) semaphore(%arg19 : memref<!tpu.dma_semaphore, #tpu.memory_space<semaphore_mem>>)
    } else {
    }
    %gt3A_144 = arith.constant 3 : i32
    %gt3A_145 = arith.cmpi sgt, %select_n3A, %gt3A_144 : i32
    %convert_element_type3A_146 = arith.extui %gt3A_145 : i1 to i32
    %cond3A_147 = arith.constant 0 : i32
    %cond3A_148 = arith.cmpi ne, %convert_element_type3A_146, %cond3A_147 : i32
    scf.if %cond3A_148 {
      %dma_wait3A = tpu.memref_slice %arg2[%mul3A_18] : memref<4000000xf32, #tpu.memory_space<hbm>> -> memref<8000xf32, #tpu.memory_space<hbm>>
      %dma_wait3A_539 = tpu.memref_slice %arg2[%mul3A_18] : memref<4000000xf32, #tpu.memory_space<hbm>> -> memref<8000xf32, #tpu.memory_space<hbm>>
      tpu.wait_dma2 semaphore(%arg18 : memref<!tpu.dma_semaphore, #tpu.memory_space<semaphore_mem>>) src(%dma_wait3A_539 : memref<8000xf32, #tpu.memory_space<hbm>>) dst(%arg10 : memref<8000xf32, #tpu.memory_space<vmem>>)
      %dma_wait3A_540 = tpu.memref_slice %arg3[%mul3A_18] : memref<4000000xf32, #tpu.memory_space<hbm>> -> memref<8000xf32, #tpu.memory_space<hbm>>
      %dma_wait3A_541 = tpu.memref_slice %arg3[%mul3A_18] : memref<4000000xf32, #tpu.memory_space<hbm>> -> memref<8000xf32, #tpu.memory_space<hbm>>
      tpu.wait_dma2 semaphore(%arg18 : memref<!tpu.dma_semaphore, #tpu.memory_space<semaphore_mem>>) src(%dma_wait3A_541 : memref<8000xf32, #tpu.memory_space<hbm>>) dst(%arg11 : memref<8000xf32, #tpu.memory_space<vmem>>)
      %dma_wait3A_542 = tpu.memref_slice %arg4[%mul3A_18] : memref<4000000xf32, #tpu.memory_space<hbm>> -> memref<8000xf32, #tpu.memory_space<hbm>>
      %dma_wait3A_543 = tpu.memref_slice %arg4[%mul3A_18] : memref<4000000xf32, #tpu.memory_space<hbm>> -> memref<8000xf32, #tpu.memory_space<hbm>>
      tpu.wait_dma2 semaphore(%arg18 : memref<!tpu.dma_semaphore, #tpu.memory_space<semaphore_mem>>) src(%dma_wait3A_543 : memref<8000xf32, #tpu.memory_space<hbm>>) dst(%arg12 : memref<8000xf32, #tpu.memory_space<vmem>>)
    } else {
    }
    %gt3A_149 = arith.constant 4 : i32
    %gt3A_150 = arith.cmpi sgt, %select_n3A, %gt3A_149 : i32
    %convert_element_type3A_151 = arith.extui %gt3A_150 : i1 to i32
    %cond3A_152 = arith.constant 0 : i32
    %cond3A_153 = arith.cmpi ne, %convert_element_type3A_151, %cond3A_152 : i32
    scf.if %cond3A_153 {
      %dma_start3A = tpu.memref_slice %arg2[%mul3A_22] : memref<4000000xf32, #tpu.memory_space<hbm>> -> memref<8000xf32, #tpu.memory_space<hbm>>
      %dma_start3A_539 = tpu.memref_slice %arg2[%mul3A_22] : memref<4000000xf32, #tpu.memory_space<hbm>> -> memref<8000xf32, #tpu.memory_space<hbm>>
      tpu.enqueue_dma source(%dma_start3A_539 : memref<8000xf32, #tpu.memory_space<hbm>>) target(%arg7 : memref<8000xf32, #tpu.memory_space<vmem>>) target_semaphore(%arg17 : memref<!tpu.dma_semaphore, #tpu.memory_space<semaphore_mem>>)
      %dma_start3A_540 = tpu.memref_slice %arg3[%mul3A_22] : memref<4000000xf32, #tpu.memory_space<hbm>> -> memref<8000xf32, #tpu.memory_space<hbm>>
      %dma_start3A_541 = tpu.memref_slice %arg3[%mul3A_22] : memref<4000000xf32, #tpu.memory_space<hbm>> -> memref<8000xf32, #tpu.memory_space<hbm>>
      tpu.enqueue_dma source(%dma_start3A_541 : memref<8000xf32, #tpu.memory_space<hbm>>) target(%arg8 : memref<8000xf32, #tpu.memory_space<vmem>>) target_semaphore(%arg17 : memref<!tpu.dma_semaphore, #tpu.memory_space<semaphore_mem>>)
      %dma_start3A_542 = tpu.memref_slice %arg4[%mul3A_22] : memref<4000000xf32, #tpu.memory_space<hbm>> -> memref<8000xf32, #tpu.memory_space<hbm>>
      %dma_start3A_543 = tpu.memref_slice %arg4[%mul3A_22] : memref<4000000xf32, #tpu.memory_space<hbm>> -> memref<8000xf32, #tpu.memory_space<hbm>>
      tpu.enqueue_dma source(%dma_start3A_543 : memref<8000xf32, #tpu.memory_space<hbm>>) target(%arg9 : memref<8000xf32, #tpu.memory_space<vmem>>) target_semaphore(%arg17 : memref<!tpu.dma_semaphore, #tpu.memory_space<semaphore_mem>>)
    } else {
    }
    %gt3A_154 = arith.constant 3 : i32
    %gt3A_155 = arith.cmpi sgt, %select_n3A, %gt3A_154 : i32
    %convert_element_type3A_156 = arith.extui %gt3A_155 : i1 to i32
    %cond3A_157 = arith.constant 0 : i32
    %cond3A_158 = arith.cmpi ne, %convert_element_type3A_156, %cond3A_157 : i32
    scf.if %cond3A_158 {
      %scan3A = arith.constant 0 : i32
      %scan3A_539 = arith.constant 0 : i32
      %scan3A_540 = arith.constant 500 : i32
      %scan3A_541 = arith.addi %scan3A_539, %scan3A_540 : i32
      %scan3A_542 = arith.constant 1 : i32
      scf.for %scan3A_544 = %scan3A_539 to %scan3A_541 step %scan3A_542  : i32 {
        %mul3A_545 = arith.constant 16 : i32
        %mul3A_546 = arith.muli %scan3A_544, %mul3A_545 : i32
        %get3A = arith.index_cast %mul3A_546 : i32 to index
        %get3A_547 = tpu.vector_load %arg10[%get3A] {strides = array<i32>} : memref<8000xf32, #tpu.memory_space<vmem>>, vector<16xf32>,
        %get3A_548 = arith.index_cast %mul3A_546 : i32 to index
        %get3A_549 = tpu.vector_load %arg11[%get3A_548] {strides = array<i32>} : memref<8000xf32, #tpu.memory_space<vmem>>, vector<16xf32>,
        %get3A_550 = arith.index_cast %mul3A_546 : i32 to index
        %get3A_551 = tpu.vector_load %arg12[%get3A_550] {strides = array<i32>} : memref<8000xf32, #tpu.memory_space<vmem>>, vector<16xf32>,
        %mul3A_552 = arith.constant 2.560000e+02 : f32
        %mul3A_553 = vector.broadcast %mul3A_552 : f32 to vector<16xf32>
        %mul3A_554 = arith.mulf %get3A_547, %mul3A_553 : vector<16xf32>
        %convert_element_type3A_555 = arith.fptosi %mul3A_554 : vector<16xf32> to vector<16xi32>
        %mul3A_556 = arith.constant 2.560000e+02 : f32
        %mul3A_557 = vector.broadcast %mul3A_556 : f32 to vector<16xf32>
        %mul3A_558 = arith.mulf %get3A_549, %mul3A_557 : vector<16xf32>
        %convert_element_type3A_559 = arith.fptosi %mul3A_558 : vector<16xf32> to vector<16xi32>
        %mul3A_560 = arith.constant 2.560000e+02 : f32
        %mul3A_561 = vector.broadcast %mul3A_560 : f32 to vector<16xf32>
        %mul3A_562 = arith.mulf %get3A_551, %mul3A_561 : vector<16xf32>
        %convert_element_type3A_563 = arith.fptosi %mul3A_562 : vector<16xf32> to vector<16xi32>
        %mul3A_564 = arith.constant 65536 : i32
        %mul3A_565 = vector.broadcast %mul3A_564 : i32 to vector<16xi32>
        %mul3A_566 = arith.muli %convert_element_type3A_555, %mul3A_565 : vector<16xi32>
        %mul3A_567 = arith.constant 256 : i32
        %mul3A_568 = vector.broadcast %mul3A_567 : i32 to vector<16xi32>
        %mul3A_569 = arith.muli %convert_element_type3A_559, %mul3A_568 : vector<16xi32>
        %add3A_570 = arith.addi %mul3A_566, %mul3A_569 : vector<16xi32>
        %add3A_571 = arith.addi %add3A_570, %convert_element_type3A_563 : vector<16xi32>
        %lt3A_572 = arith.constant 9.99999974E-6 : f32
        %lt3A_573 = vector.broadcast %lt3A_572 : f32 to vector<16xf32>
        %lt3A_574 = arith.cmpf olt, %get3A_547, %lt3A_573 : vector<16xf32>
        %ge3A = arith.constant 0.999989986 : f32
        %ge3A_575 = vector.broadcast %ge3A : f32 to vector<16xf32>
        %ge3A_576 = arith.cmpf oge, %get3A_547, %ge3A_575 : vector<16xf32>
        %or3A = arith.ori %lt3A_574, %ge3A_576 : vector<16xi1>
        %lt3A_577 = arith.constant 9.99999974E-6 : f32
        %lt3A_578 = vector.broadcast %lt3A_577 : f32 to vector<16xf32>
        %lt3A_579 = arith.cmpf olt, %get3A_549, %lt3A_578 : vector<16xf32>
        %or3A_580 = arith.ori %or3A, %lt3A_579 : vector<16xi1>
        %ge3A_581 = arith.constant 0.999989986 : f32
        %ge3A_582 = vector.broadcast %ge3A_581 : f32 to vector<16xf32>
        %ge3A_583 = arith.cmpf oge, %get3A_549, %ge3A_582 : vector<16xf32>
        %or3A_584 = arith.ori %or3A_580, %ge3A_583 : vector<16xi1>
        %lt3A_585 = arith.constant 9.99999974E-6 : f32
        %lt3A_586 = vector.broadcast %lt3A_585 : f32 to vector<16xf32>
        %lt3A_587 = arith.cmpf olt, %get3A_551, %lt3A_586 : vector<16xf32>
        %or3A_588 = arith.ori %or3A_584, %lt3A_587 : vector<16xi1>
        %ge3A_589 = arith.constant 0.999989986 : f32
        %ge3A_590 = vector.broadcast %ge3A_589 : f32 to vector<16xf32>
        %ge3A_591 = arith.cmpf oge, %get3A_551, %ge3A_590 : vector<16xf32>
        %or3A_592 = arith.ori %or3A_588, %ge3A_591 : vector<16xi1>
        %jit3A_593 = arith.constant 16777216 : i32
        %broadcast_in_dim3A = vector.broadcast %jit3A_593 : i32 to vector<16xi32>
        %select_n3A_594 = arith.select %or3A_592, %broadcast_in_dim3A, %add3A_571 : vector<16xi1>, vector<16xi32>
        %swap3A = arith.index_cast %mul3A_546 : i32 to index
        %swap3A_595 = tpu.vector_load %arg14[%swap3A] {strides = array<i32>} : memref<8000xi32, #tpu.memory_space<vmem>>, vector<16xi32>,
        tpu.vector_store %arg14[%swap3A], %select_n3A_594 {strides = array<i32>} : memref<8000xi32, #tpu.memory_space<vmem>>, vector<16xi32>,
      }
      %scan3A_543 = arith.constant 500 : i32
    } else {
    }
    %gt3A_159 = arith.constant 2 : i32
    %gt3A_160 = arith.cmpi sgt, %select_n3A, %gt3A_159 : i32
    %convert_element_type3A_161 = arith.extui %gt3A_160 : i1 to i32
    %cond3A_162 = arith.constant 0 : i32
    %cond3A_163 = arith.cmpi ne, %convert_element_type3A_161, %cond3A_162 : i32
    scf.if %cond3A_163 {
      %dma_wait3A = arith.constant 0 : i32
      %dma_wait3A_539 = tpu.memref_slice %arg5[%dma_wait3A] : memref<16777217xi32, #tpu.memory_space<hbm>> -> memref<16777217xi32, #tpu.memory_space<hbm>>
      tpu.wait_indirect_dma semaphore(%arg19 : memref<!tpu.dma_semaphore, #tpu.memory_space<semaphore_mem>>) src(%dma_wait3A_539 : memref<16777217xi32, #tpu.memory_space<hbm>>) dst(%arg15 : memref<8000xi32, #tpu.memory_space<vmem>>)
      %dma_start3A = tpu.memref_slice %arg6[%mul3A_14] : memref<4000000xi32, #tpu.memory_space<hbm>> -> memref<8000xi32, #tpu.memory_space<hbm>>
      %dma_start3A_540 = tpu.memref_slice %arg6[%mul3A_14] : memref<4000000xi32, #tpu.memory_space<hbm>> -> memref<8000xi32, #tpu.memory_space<hbm>>
      tpu.enqueue_dma source(%arg15 : memref<8000xi32, #tpu.memory_space<vmem>>) target(%dma_start3A_540 : memref<8000xi32, #tpu.memory_space<hbm>>) target_semaphore(%arg21 : memref<!tpu.dma_semaphore, #tpu.memory_space<semaphore_mem>>)
    } else {
    }
    %gt3A_164 = arith.constant 1 : i32
    %gt3A_165 = arith.cmpi sgt, %select_n3A, %gt3A_164 : i32
    %convert_element_type3A_166 = arith.extui %gt3A_165 : i1 to i32
    %cond3A_167 = arith.constant 0 : i32
    %cond3A_168 = arith.cmpi ne, %convert_element_type3A_166, %cond3A_167 : i32
    scf.if %cond3A_168 {
      %dma_wait3A = tpu.memref_slice %arg6[%mul3A_10] : memref<4000000xi32, #tpu.memory_space<hbm>> -> memref<8000xi32, #tpu.memory_space<hbm>>
      %dma_wait3A_539 = tpu.memref_slice %arg6[%mul3A_10] : memref<4000000xi32, #tpu.memory_space<hbm>> -> memref<8000xi32, #tpu.memory_space<hbm>>
      tpu.wait_dma2 semaphore(%arg22 : memref<!tpu.dma_semaphore, #tpu.memory_space<semaphore_mem>>) src(%arg16 : memref<8000xi32, #tpu.memory_space<vmem>>) dst(%dma_wait3A_539 : memref<8000xi32, #tpu.memory_space<hbm>>)
    } else {
    }
    %gt3A_169 = arith.constant 3 : i32
    %gt3A_170 = arith.cmpi sgt, %select_n3A, %gt3A_169 : i32
    %convert_element_type3A_171 = arith.extui %gt3A_170 : i1 to i32
    %cond3A_172 = arith.constant 0 : i32
    %cond3A_173 = arith.cmpi ne, %convert_element_type3A_171, %cond3A_172 : i32
    scf.if %cond3A_173 {
      %dma_start3A = arith.constant 0 : i32
      %dma_start3A_539 = tpu.memref_slice %arg5[%dma_start3A] : memref<16777217xi32, #tpu.memory_space<hbm>> -> memref<16777217xi32, #tpu.memory_space<hbm>>
      tpu.enqueue_indirect_dma source(%dma_start3A_539 : memref<16777217xi32, #tpu.memory_space<hbm>>) target(%arg16 : memref<8000xi32, #tpu.memory_space<vmem>>) offsets(%arg14 : memref<8000xi32, #tpu.memory_space<vmem>>) semaphore(%arg20 : memref<!tpu.dma_semaphore, #tpu.memory_space<semaphore_mem>>)
    } else {
    }
    %gt3A_174 = arith.constant 4 : i32
    %gt3A_175 = arith.cmpi sgt, %select_n3A, %gt3A_174 : i32
    %convert_element_type3A_176 = arith.extui %gt3A_175 : i1 to i32
    %cond3A_177 = arith.constant 0 : i32
    %cond3A_178 = arith.cmpi ne, %convert_element_type3A_176, %cond3A_177 : i32
    scf.if %cond3A_178 {
      %dma_wait3A = tpu.memref_slice %arg2[%mul3A_22] : memref<4000000xf32, #tpu.memory_space<hbm>> -> memref<8000xf32, #tpu.memory_space<hbm>>
      %dma_wait3A_539 = tpu.memref_slice %arg2[%mul3A_22] : memref<4000000xf32, #tpu.memory_space<hbm>> -> memref<8000xf32, #tpu.memory_space<hbm>>
      tpu.wait_dma2 semaphore(%arg17 : memref<!tpu.dma_semaphore, #tpu.memory_space<semaphore_mem>>) src(%dma_wait3A_539 : memref<8000xf32, #tpu.memory_space<hbm>>) dst(%arg7 : memref<8000xf32, #tpu.memory_space<vmem>>)
      %dma_wait3A_540 = tpu.memref_slice %arg3[%mul3A_22] : memref<4000000xf32, #tpu.memory_space<hbm>> -> memref<8000xf32, #tpu.memory_space<hbm>>
      %dma_wait3A_541 = tpu.memref_slice %arg3[%mul3A_22] : memref<4000000xf32, #tpu.memory_space<hbm>> -> memref<8000xf32, #tpu.memory_space<hbm>>
      tpu.wait_dma2 semaphore(%arg17 : memref<!tpu.dma_semaphore, #tpu.memory_space<semaphore_mem>>) src(%dma_wait3A_541 : memref<8000xf32, #tpu.memory_space<hbm>>) dst(%arg8 : memref<8000xf32, #tpu.memory_space<vmem>>)
      %dma_wait3A_542 = tpu.memref_slice %arg4[%mul3A_22] : memref<4000000xf32, #tpu.memory_space<hbm>> -> memref<8000xf32, #tpu.memory_space<hbm>>
      %dma_wait3A_543 = tpu.memref_slice %arg4[%mul3A_22] : memref<4000000xf32, #tpu.memory_space<hbm>> -> memref<8000xf32, #tpu.memory_space<hbm>>
      tpu.wait_dma2 semaphore(%arg17 : memref<!tpu.dma_semaphore, #tpu.memory_space<semaphore_mem>>) src(%dma_wait3A_543 : memref<8000xf32, #tpu.memory_space<hbm>>) dst(%arg9 : memref<8000xf32, #tpu.memory_space<vmem>>)
    } else {
    }
    %gt3A_179 = arith.constant 5 : i32
    %gt3A_180 = arith.cmpi sgt, %select_n3A, %gt3A_179 : i32
    %convert_element_type3A_181 = arith.extui %gt3A_180 : i1 to i32
    %cond3A_182 = arith.constant 0 : i32
    %cond3A_183 = arith.cmpi ne, %convert_element_type3A_181, %cond3A_182 : i32
    scf.if %cond3A_183 {
      %dma_start3A = tpu.memref_slice %arg2[%mul3A_26] : memref<4000000xf32, #tpu.memory_space<hbm>> -> memref<8000xf32, #tpu.memory_space<hbm>>
      %dma_start3A_539 = tpu.memref_slice %arg2[%mul3A_26] : memref<4000000xf32, #tpu.memory_space<hbm>> -> memref<8000xf32, #tpu.memory_space<hbm>>
      tpu.enqueue_dma source(%dma_start3A_539 : memref<8000xf32, #tpu.memory_space<hbm>>) target(%arg10 : memref<8000xf32, #tpu.memory_space<vmem>>) target_semaphore(%arg18 : memref<!tpu.dma_semaphore, #tpu.memory_space<semaphore_mem>>)
      %dma_start3A_540 = tpu.memref_slice %arg3[%mul3A_26] : memref<4000000xf32, #tpu.memory_space<hbm>> -> memref<8000xf32, #tpu.memory_space<hbm>>
      %dma_start3A_541 = tpu.memref_slice %arg3[%mul3A_26] : memref<4000000xf32, #tpu.memory_space<hbm>> -> memref<8000xf32, #tpu.memory_space<hbm>>
      tpu.enqueue_dma source(%dma_start3A_541 : memref<8000xf32, #tpu.memory_space<hbm>>) target(%arg11 : memref<8000xf32, #tpu.memory_space<vmem>>) target_semaphore(%arg18 : memref<!tpu.dma_semaphore, #tpu.memory_space<semaphore_mem>>)
      %dma_start3A_542 = tpu.memref_slice %arg4[%mul3A_26] : memref<4000000xf32, #tpu.memory_space<hbm>> -> memref<8000xf32, #tpu.memory_space<hbm>>
      %dma_start3A_543 = tpu.memref_slice %arg4[%mul3A_26] : memref<4000000xf32, #tpu.memory_space<hbm>> -> memref<8000xf32, #tpu.memory_space<hbm>>
      tpu.enqueue_dma source(%dma_start3A_543 : memref<8000xf32, #tpu.memory_space<hbm>>) target(%arg12 : memref<8000xf32, #tpu.memory_space<vmem>>) target_semaphore(%arg18 : memref<!tpu.dma_semaphore, #tpu.memory_space<semaphore_mem>>)
    } else {
    }
    %gt3A_184 = arith.constant 4 : i32
    %gt3A_185 = arith.cmpi sgt, %select_n3A, %gt3A_184 : i32
    %convert_element_type3A_186 = arith.extui %gt3A_185 : i1 to i32
    %cond3A_187 = arith.constant 0 : i32
    %cond3A_188 = arith.cmpi ne, %convert_element_type3A_186, %cond3A_187 : i32
    scf.if %cond3A_188 {
      %scan3A = arith.constant 0 : i32
      %scan3A_539 = arith.constant 0 : i32
      %scan3A_540 = arith.constant 500 : i32
      %scan3A_541 = arith.addi %scan3A_539, %scan3A_540 : i32
      %scan3A_542 = arith.constant 1 : i32
      scf.for %scan3A_544 = %scan3A_539 to %scan3A_541 step %scan3A_542  : i32 {
        %mul3A_545 = arith.constant 16 : i32
        %mul3A_546 = arith.muli %scan3A_544, %mul3A_545 : i32
        %get3A = arith.index_cast %mul3A_546 : i32 to index
        %get3A_547 = tpu.vector_load %arg7[%get3A] {strides = array<i32>} : memref<8000xf32, #tpu.memory_space<vmem>>, vector<16xf32>,
        %get3A_548 = arith.index_cast %mul3A_546 : i32 to index
        %get3A_549 = tpu.vector_load %arg8[%get3A_548] {strides = array<i32>} : memref<8000xf32, #tpu.memory_space<vmem>>, vector<16xf32>,
        %get3A_550 = arith.index_cast %mul3A_546 : i32 to index
        %get3A_551 = tpu.vector_load %arg9[%get3A_550] {strides = array<i32>} : memref<8000xf32, #tpu.memory_space<vmem>>, vector<16xf32>,
        %mul3A_552 = arith.constant 2.560000e+02 : f32
        %mul3A_553 = vector.broadcast %mul3A_552 : f32 to vector<16xf32>
        %mul3A_554 = arith.mulf %get3A_547, %mul3A_553 : vector<16xf32>
        %convert_element_type3A_555 = arith.fptosi %mul3A_554 : vector<16xf32> to vector<16xi32>
        %mul3A_556 = arith.constant 2.560000e+02 : f32
        %mul3A_557 = vector.broadcast %mul3A_556 : f32 to vector<16xf32>
        %mul3A_558 = arith.mulf %get3A_549, %mul3A_557 : vector<16xf32>
        %convert_element_type3A_559 = arith.fptosi %mul3A_558 : vector<16xf32> to vector<16xi32>
        %mul3A_560 = arith.constant 2.560000e+02 : f32
        %mul3A_561 = vector.broadcast %mul3A_560 : f32 to vector<16xf32>
        %mul3A_562 = arith.mulf %get3A_551, %mul3A_561 : vector<16xf32>
        %convert_element_type3A_563 = arith.fptosi %mul3A_562 : vector<16xf32> to vector<16xi32>
        %mul3A_564 = arith.constant 65536 : i32
        %mul3A_565 = vector.broadcast %mul3A_564 : i32 to vector<16xi32>
        %mul3A_566 = arith.muli %convert_element_type3A_555, %mul3A_565 : vector<16xi32>
        %mul3A_567 = arith.constant 256 : i32
        %mul3A_568 = vector.broadcast %mul3A_567 : i32 to vector<16xi32>
        %mul3A_569 = arith.muli %convert_element_type3A_559, %mul3A_568 : vector<16xi32>
        %add3A_570 = arith.addi %mul3A_566, %mul3A_569 : vector<16xi32>
        %add3A_571 = arith.addi %add3A_570, %convert_element_type3A_563 : vector<16xi32>
        %lt3A_572 = arith.constant 9.99999974E-6 : f32
        %lt3A_573 = vector.broadcast %lt3A_572 : f32 to vector<16xf32>
        %lt3A_574 = arith.cmpf olt, %get3A_547, %lt3A_573 : vector<16xf32>
        %ge3A = arith.constant 0.999989986 : f32
        %ge3A_575 = vector.broadcast %ge3A : f32 to vector<16xf32>
        %ge3A_576 = arith.cmpf oge, %get3A_547, %ge3A_575 : vector<16xf32>
        %or3A = arith.ori %lt3A_574, %ge3A_576 : vector<16xi1>
        %lt3A_577 = arith.constant 9.99999974E-6 : f32
        %lt3A_578 = vector.broadcast %lt3A_577 : f32 to vector<16xf32>
        %lt3A_579 = arith.cmpf olt, %get3A_549, %lt3A_578 : vector<16xf32>
        %or3A_580 = arith.ori %or3A, %lt3A_579 : vector<16xi1>
        %ge3A_581 = arith.constant 0.999989986 : f32
        %ge3A_582 = vector.broadcast %ge3A_581 : f32 to vector<16xf32>
        %ge3A_583 = arith.cmpf oge, %get3A_549, %ge3A_582 : vector<16xf32>
        %or3A_584 = arith.ori %or3A_580, %ge3A_583 : vector<16xi1>
        %lt3A_585 = arith.constant 9.99999974E-6 : f32
        %lt3A_586 = vector.broadcast %lt3A_585 : f32 to vector<16xf32>
        %lt3A_587 = arith.cmpf olt, %get3A_551, %lt3A_586 : vector<16xf32>
        %or3A_588 = arith.ori %or3A_584, %lt3A_587 : vector<16xi1>
        %ge3A_589 = arith.constant 0.999989986 : f32
        %ge3A_590 = vector.broadcast %ge3A_589 : f32 to vector<16xf32>
        %ge3A_591 = arith.cmpf oge, %get3A_551, %ge3A_590 : vector<16xf32>
        %or3A_592 = arith.ori %or3A_588, %ge3A_591 : vector<16xi1>
        %jit3A_593 = arith.constant 16777216 : i32
        %broadcast_in_dim3A = vector.broadcast %jit3A_593 : i32 to vector<16xi32>
        %select_n3A_594 = arith.select %or3A_592, %broadcast_in_dim3A, %add3A_571 : vector<16xi1>, vector<16xi32>
        %swap3A = arith.index_cast %mul3A_546 : i32 to index
        %swap3A_595 = tpu.vector_load %arg13[%swap3A] {strides = array<i32>} : memref<8000xi32, #tpu.memory_space<vmem>>, vector<16xi32>,
        tpu.vector_store %arg13[%swap3A], %select_n3A_594 {strides = array<i32>} : memref<8000xi32, #tpu.memory_space<vmem>>, vector<16xi32>,
      }
      %scan3A_543 = arith.constant 500 : i32
    } else {
    }
    %gt3A_189 = arith.constant 3 : i32
    %gt3A_190 = arith.cmpi sgt, %select_n3A, %gt3A_189 : i32
    %convert_element_type3A_191 = arith.extui %gt3A_190 : i1 to i32
    %cond3A_192 = arith.constant 0 : i32
    %cond3A_193 = arith.cmpi ne, %convert_element_type3A_191, %cond3A_192 : i32
    scf.if %cond3A_193 {
      %dma_wait3A = arith.constant 0 : i32
      %dma_wait3A_539 = tpu.memref_slice %arg5[%dma_wait3A] : memref<16777217xi32, #tpu.memory_space<hbm>> -> memref<16777217xi32, #tpu.memory_space<hbm>>
      tpu.wait_indirect_dma semaphore(%arg20 : memref<!tpu.dma_semaphore, #tpu.memory_space<semaphore_mem>>) src(%dma_wait3A_539 : memref<16777217xi32, #tpu.memory_space<hbm>>) dst(%arg16 : memref<8000xi32, #tpu.memory_space<vmem>>)
      %dma_start3A = tpu.memref_slice %arg6[%mul3A_18] : memref<4000000xi32, #tpu.memory_space<hbm>> -> memref<8000xi32, #tpu.memory_space<hbm>>
      %dma_start3A_540 = tpu.memref_slice %arg6[%mul3A_18] : memref<4000000xi32, #tpu.memory_space<hbm>> -> memref<8000xi32, #tpu.memory_space<hbm>>
      tpu.enqueue_dma source(%arg16 : memref<8000xi32, #tpu.memory_space<vmem>>) target(%dma_start3A_540 : memref<8000xi32, #tpu.memory_space<hbm>>) target_semaphore(%arg22 : memref<!tpu.dma_semaphore, #tpu.memory_space<semaphore_mem>>)
    } else {
    }
    %gt3A_194 = arith.constant 2 : i32
    %gt3A_195 = arith.cmpi sgt, %select_n3A, %gt3A_194 : i32
    %convert_element_type3A_196 = arith.extui %gt3A_195 : i1 to i32
    %cond3A_197 = arith.constant 0 : i32
    %cond3A_198 = arith.cmpi ne, %convert_element_type3A_196, %cond3A_197 : i32
    scf.if %cond3A_198 {
      %dma_wait3A = tpu.memref_slice %arg6[%mul3A_14] : memref<4000000xi32, #tpu.memory_space<hbm>> -> memref<8000xi32, #tpu.memory_space<hbm>>
      %dma_wait3A_539 = tpu.memref_slice %arg6[%mul3A_14] : memref<4000000xi32, #tpu.memory_space<hbm>> -> memref<8000xi32, #tpu.memory_space<hbm>>
      tpu.wait_dma2 semaphore(%arg21 : memref<!tpu.dma_semaphore, #tpu.memory_space<semaphore_mem>>) src(%arg15 : memref<8000xi32, #tpu.memory_space<vmem>>) dst(%dma_wait3A_539 : memref<8000xi32, #tpu.memory_space<hbm>>)
    } else {
    }
    %gt3A_199 = arith.constant 4 : i32
    %gt3A_200 = arith.cmpi sgt, %select_n3A, %gt3A_199 : i32
    %convert_element_type3A_201 = arith.extui %gt3A_200 : i1 to i32
    %cond3A_202 = arith.constant 0 : i32
    %cond3A_203 = arith.cmpi ne, %convert_element_type3A_201, %cond3A_202 : i32
    scf.if %cond3A_203 {
      %dma_start3A = arith.constant 0 : i32
      %dma_start3A_539 = tpu.memref_slice %arg5[%dma_start3A] : memref<16777217xi32, #tpu.memory_space<hbm>> -> memref<16777217xi32, #tpu.memory_space<hbm>>
      tpu.enqueue_indirect_dma source(%dma_start3A_539 : memref<16777217xi32, #tpu.memory_space<hbm>>) target(%arg15 : memref<8000xi32, #tpu.memory_space<vmem>>) offsets(%arg13 : memref<8000xi32, #tpu.memory_space<vmem>>) semaphore(%arg19 : memref<!tpu.dma_semaphore, #tpu.memory_space<semaphore_mem>>)
    } else {
    }
    %gt3A_204 = arith.constant 5 : i32
    %gt3A_205 = arith.cmpi sgt, %select_n3A, %gt3A_204 : i32
    %convert_element_type3A_206 = arith.extui %gt3A_205 : i1 to i32
    %cond3A_207 = arith.constant 0 : i32
    %cond3A_208 = arith.cmpi ne, %convert_element_type3A_206, %cond3A_207 : i32
    scf.if %cond3A_208 {
      %dma_wait3A = tpu.memref_slice %arg2[%mul3A_26] : memref<4000000xf32, #tpu.memory_space<hbm>> -> memref<8000xf32, #tpu.memory_space<hbm>>
      %dma_wait3A_539 = tpu.memref_slice %arg2[%mul3A_26] : memref<4000000xf32, #tpu.memory_space<hbm>> -> memref<8000xf32, #tpu.memory_space<hbm>>
      tpu.wait_dma2 semaphore(%arg18 : memref<!tpu.dma_semaphore, #tpu.memory_space<semaphore_mem>>) src(%dma_wait3A_539 : memref<8000xf32, #tpu.memory_space<hbm>>) dst(%arg10 : memref<8000xf32, #tpu.memory_space<vmem>>)
      %dma_wait3A_540 = tpu.memref_slice %arg3[%mul3A_26] : memref<4000000xf32, #tpu.memory_space<hbm>> -> memref<8000xf32, #tpu.memory_space<hbm>>
      %dma_wait3A_541 = tpu.memref_slice %arg3[%mul3A_26] : memref<4000000xf32, #tpu.memory_space<hbm>> -> memref<8000xf32, #tpu.memory_space<hbm>>
      tpu.wait_dma2 semaphore(%arg18 : memref<!tpu.dma_semaphore, #tpu.memory_space<semaphore_mem>>) src(%dma_wait3A_541 : memref<8000xf32, #tpu.memory_space<hbm>>) dst(%arg11 : memref<8000xf32, #tpu.memory_space<vmem>>)
      %dma_wait3A_542 = tpu.memref_slice %arg4[%mul3A_26] : memref<4000000xf32, #tpu.memory_space<hbm>> -> memref<8000xf32, #tpu.memory_space<hbm>>
      %dma_wait3A_543 = tpu.memref_slice %arg4[%mul3A_26] : memref<4000000xf32, #tpu.memory_space<hbm>> -> memref<8000xf32, #tpu.memory_space<hbm>>
      tpu.wait_dma2 semaphore(%arg18 : memref<!tpu.dma_semaphore, #tpu.memory_space<semaphore_mem>>) src(%dma_wait3A_543 : memref<8000xf32, #tpu.memory_space<hbm>>) dst(%arg12 : memref<8000xf32, #tpu.memory_space<vmem>>)
    } else {
    }
    %gt3A_209 = arith.constant 6 : i32
    %gt3A_210 = arith.cmpi sgt, %select_n3A, %gt3A_209 : i32
    %convert_element_type3A_211 = arith.extui %gt3A_210 : i1 to i32
    %cond3A_212 = arith.constant 0 : i32
    %cond3A_213 = arith.cmpi ne, %convert_element_type3A_211, %cond3A_212 : i32
    scf.if %cond3A_213 {
      %dma_start3A = tpu.memref_slice %arg2[%mul3A_30] : memref<4000000xf32, #tpu.memory_space<hbm>> -> memref<8000xf32, #tpu.memory_space<hbm>>
      %dma_start3A_539 = tpu.memref_slice %arg2[%mul3A_30] : memref<4000000xf32, #tpu.memory_space<hbm>> -> memref<8000xf32, #tpu.memory_space<hbm>>
      tpu.enqueue_dma source(%dma_start3A_539 : memref<8000xf32, #tpu.memory_space<hbm>>) target(%arg7 : memref<8000xf32, #tpu.memory_space<vmem>>) target_semaphore(%arg17 : memref<!tpu.dma_semaphore, #tpu.memory_space<semaphore_mem>>)
      %dma_start3A_540 = tpu.memref_slice %arg3[%mul3A_30] : memref<4000000xf32, #tpu.memory_space<hbm>> -> memref<8000xf32, #tpu.memory_space<hbm>>
      %dma_start3A_541 = tpu.memref_slice %arg3[%mul3A_30] : memref<4000000xf32, #tpu.memory_space<hbm>> -> memref<8000xf32, #tpu.memory_space<hbm>>
      tpu.enqueue_dma source(%dma_start3A_541 : memref<8000xf32, #tpu.memory_space<hbm>>) target(%arg8 : memref<8000xf32, #tpu.memory_space<vmem>>) target_semaphore(%arg17 : memref<!tpu.dma_semaphore, #tpu.memory_space<semaphore_mem>>)
      %dma_start3A_542 = tpu.memref_slice %arg4[%mul3A_30] : memref<4000000xf32, #tpu.memory_space<hbm>> -> memref<8000xf32, #tpu.memory_space<hbm>>
      %dma_start3A_543 = tpu.memref_slice %arg4[%mul3A_30] : memref<4000000xf32, #tpu.memory_space<hbm>> -> memref<8000xf32, #tpu.memory_space<hbm>>
      tpu.enqueue_dma source(%dma_start3A_543 : memref<8000xf32, #tpu.memory_space<hbm>>) target(%arg9 : memref<8000xf32, #tpu.memory_space<vmem>>) target_semaphore(%arg17 : memref<!tpu.dma_semaphore, #tpu.memory_space<semaphore_mem>>)
    } else {
    }
    %gt3A_214 = arith.constant 5 : i32
    %gt3A_215 = arith.cmpi sgt, %select_n3A, %gt3A_214 : i32
    %convert_element_type3A_216 = arith.extui %gt3A_215 : i1 to i32
    %cond3A_217 = arith.constant 0 : i32
    %cond3A_218 = arith.cmpi ne, %convert_element_type3A_216, %cond3A_217 : i32
    scf.if %cond3A_218 {
      %scan3A = arith.constant 0 : i32
      %scan3A_539 = arith.constant 0 : i32
      %scan3A_540 = arith.constant 500 : i32
      %scan3A_541 = arith.addi %scan3A_539, %scan3A_540 : i32
      %scan3A_542 = arith.constant 1 : i32
      scf.for %scan3A_544 = %scan3A_539 to %scan3A_541 step %scan3A_542  : i32 {
        %mul3A_545 = arith.constant 16 : i32
        %mul3A_546 = arith.muli %scan3A_544, %mul3A_545 : i32
        %get3A = arith.index_cast %mul3A_546 : i32 to index
        %get3A_547 = tpu.vector_load %arg10[%get3A] {strides = array<i32>} : memref<8000xf32, #tpu.memory_space<vmem>>, vector<16xf32>,
        %get3A_548 = arith.index_cast %mul3A_546 : i32 to index
        %get3A_549 = tpu.vector_load %arg11[%get3A_548] {strides = array<i32>} : memref<8000xf32, #tpu.memory_space<vmem>>, vector<16xf32>,
        %get3A_550 = arith.index_cast %mul3A_546 : i32 to index
        %get3A_551 = tpu.vector_load %arg12[%get3A_550] {strides = array<i32>} : memref<8000xf32, #tpu.memory_space<vmem>>, vector<16xf32>,
        %mul3A_552 = arith.constant 2.560000e+02 : f32
        %mul3A_553 = vector.broadcast %mul3A_552 : f32 to vector<16xf32>
        %mul3A_554 = arith.mulf %get3A_547, %mul3A_553 : vector<16xf32>
        %convert_element_type3A_555 = arith.fptosi %mul3A_554 : vector<16xf32> to vector<16xi32>
        %mul3A_556 = arith.constant 2.560000e+02 : f32
        %mul3A_557 = vector.broadcast %mul3A_556 : f32 to vector<16xf32>
        %mul3A_558 = arith.mulf %get3A_549, %mul3A_557 : vector<16xf32>
        %convert_element_type3A_559 = arith.fptosi %mul3A_558 : vector<16xf32> to vector<16xi32>
        %mul3A_560 = arith.constant 2.560000e+02 : f32
        %mul3A_561 = vector.broadcast %mul3A_560 : f32 to vector<16xf32>
        %mul3A_562 = arith.mulf %get3A_551, %mul3A_561 : vector<16xf32>
        %convert_element_type3A_563 = arith.fptosi %mul3A_562 : vector<16xf32> to vector<16xi32>
        %mul3A_564 = arith.constant 65536 : i32
        %mul3A_565 = vector.broadcast %mul3A_564 : i32 to vector<16xi32>
        %mul3A_566 = arith.muli %convert_element_type3A_555, %mul3A_565 : vector<16xi32>
        %mul3A_567 = arith.constant 256 : i32
        %mul3A_568 = vector.broadcast %mul3A_567 : i32 to vector<16xi32>
        %mul3A_569 = arith.muli %convert_element_type3A_559, %mul3A_568 : vector<16xi32>
        %add3A_570 = arith.addi %mul3A_566, %mul3A_569 : vector<16xi32>
        %add3A_571 = arith.addi %add3A_570, %convert_element_type3A_563 : vector<16xi32>
        %lt3A_572 = arith.constant 9.99999974E-6 : f32
        %lt3A_573 = vector.broadcast %lt3A_572 : f32 to vector<16xf32>
        %lt3A_574 = arith.cmpf olt, %get3A_547, %lt3A_573 : vector<16xf32>
        %ge3A = arith.constant 0.999989986 : f32
        %ge3A_575 = vector.broadcast %ge3A : f32 to vector<16xf32>
        %ge3A_576 = arith.cmpf oge, %get3A_547, %ge3A_575 : vector<16xf32>
        %or3A = arith.ori %lt3A_574, %ge3A_576 : vector<16xi1>
        %lt3A_577 = arith.constant 9.99999974E-6 : f32
        %lt3A_578 = vector.broadcast %lt3A_577 : f32 to vector<16xf32>
        %lt3A_579 = arith.cmpf olt, %get3A_549, %lt3A_578 : vector<16xf32>
        %or3A_580 = arith.ori %or3A, %lt3A_579 : vector<16xi1>
        %ge3A_581 = arith.constant 0.999989986 : f32
        %ge3A_582 = vector.broadcast %ge3A_581 : f32 to vector<16xf32>
        %ge3A_583 = arith.cmpf oge, %get3A_549, %ge3A_582 : vector<16xf32>
        %or3A_584 = arith.ori %or3A_580, %ge3A_583 : vector<16xi1>
        %lt3A_585 = arith.constant 9.99999974E-6 : f32
        %lt3A_586 = vector.broadcast %lt3A_585 : f32 to vector<16xf32>
        %lt3A_587 = arith.cmpf olt, %get3A_551, %lt3A_586 : vector<16xf32>
        %or3A_588 = arith.ori %or3A_584, %lt3A_587 : vector<16xi1>
        %ge3A_589 = arith.constant 0.999989986 : f32
        %ge3A_590 = vector.broadcast %ge3A_589 : f32 to vector<16xf32>
        %ge3A_591 = arith.cmpf oge, %get3A_551, %ge3A_590 : vector<16xf32>
        %or3A_592 = arith.ori %or3A_588, %ge3A_591 : vector<16xi1>
        %jit3A_593 = arith.constant 16777216 : i32
        %broadcast_in_dim3A = vector.broadcast %jit3A_593 : i32 to vector<16xi32>
        %select_n3A_594 = arith.select %or3A_592, %broadcast_in_dim3A, %add3A_571 : vector<16xi1>, vector<16xi32>
        %swap3A = arith.index_cast %mul3A_546 : i32 to index
        %swap3A_595 = tpu.vector_load %arg14[%swap3A] {strides = array<i32>} : memref<8000xi32, #tpu.memory_space<vmem>>, vector<16xi32>,
        tpu.vector_store %arg14[%swap3A], %select_n3A_594 {strides = array<i32>} : memref<8000xi32, #tpu.memory_space<vmem>>, vector<16xi32>,
      }
      %scan3A_543 = arith.constant 500 : i32
    } else {
    }
    %gt3A_219 = arith.constant 4 : i32
    %gt3A_220 = arith.cmpi sgt, %select_n3A, %gt3A_219 : i32
    %convert_element_type3A_221 = arith.extui %gt3A_220 : i1 to i32
    %cond3A_222 = arith.constant 0 : i32
    %cond3A_223 = arith.cmpi ne, %convert_element_type3A_221, %cond3A_222 : i32
    scf.if %cond3A_223 {
      %dma_wait3A = arith.constant 0 : i32
      %dma_wait3A_539 = tpu.memref_slice %arg5[%dma_wait3A] : memref<16777217xi32, #tpu.memory_space<hbm>> -> memref<16777217xi32, #tpu.memory_space<hbm>>
      tpu.wait_indirect_dma semaphore(%arg19 : memref<!tpu.dma_semaphore, #tpu.memory_space<semaphore_mem>>) src(%dma_wait3A_539 : memref<16777217xi32, #tpu.memory_space<hbm>>) dst(%arg15 : memref<8000xi32, #tpu.memory_space<vmem>>)
      %dma_start3A = tpu.memref_slice %arg6[%mul3A_22] : memref<4000000xi32, #tpu.memory_space<hbm>> -> memref<8000xi32, #tpu.memory_space<hbm>>
      %dma_start3A_540 = tpu.memref_slice %arg6[%mul3A_22] : memref<4000000xi32, #tpu.memory_space<hbm>> -> memref<8000xi32, #tpu.memory_space<hbm>>
      tpu.enqueue_dma source(%arg15 : memref<8000xi32, #tpu.memory_space<vmem>>) target(%dma_start3A_540 : memref<8000xi32, #tpu.memory_space<hbm>>) target_semaphore(%arg21 : memref<!tpu.dma_semaphore, #tpu.memory_space<semaphore_mem>>)
    } else {
    }
    %gt3A_224 = arith.constant 3 : i32
    %gt3A_225 = arith.cmpi sgt, %select_n3A, %gt3A_224 : i32
    %convert_element_type3A_226 = arith.extui %gt3A_225 : i1 to i32
    %cond3A_227 = arith.constant 0 : i32
    %cond3A_228 = arith.cmpi ne, %convert_element_type3A_226, %cond3A_227 : i32
    scf.if %cond3A_228 {
      %dma_wait3A = tpu.memref_slice %arg6[%mul3A_18] : memref<4000000xi32, #tpu.memory_space<hbm>> -> memref<8000xi32, #tpu.memory_space<hbm>>
      %dma_wait3A_539 = tpu.memref_slice %arg6[%mul3A_18] : memref<4000000xi32, #tpu.memory_space<hbm>> -> memref<8000xi32, #tpu.memory_space<hbm>>
      tpu.wait_dma2 semaphore(%arg22 : memref<!tpu.dma_semaphore, #tpu.memory_space<semaphore_mem>>) src(%arg16 : memref<8000xi32, #tpu.memory_space<vmem>>) dst(%dma_wait3A_539 : memref<8000xi32, #tpu.memory_space<hbm>>)
    } else {
    }
    %gt3A_229 = arith.constant 5 : i32
    %gt3A_230 = arith.cmpi sgt, %select_n3A, %gt3A_229 : i32
    %convert_element_type3A_231 = arith.extui %gt3A_230 : i1 to i32
    %cond3A_232 = arith.constant 0 : i32
    %cond3A_233 = arith.cmpi ne, %convert_element_type3A_231, %cond3A_232 : i32
    scf.if %cond3A_233 {
      %dma_start3A = arith.constant 0 : i32
      %dma_start3A_539 = tpu.memref_slice %arg5[%dma_start3A] : memref<16777217xi32, #tpu.memory_space<hbm>> -> memref<16777217xi32, #tpu.memory_space<hbm>>
      tpu.enqueue_indirect_dma source(%dma_start3A_539 : memref<16777217xi32, #tpu.memory_space<hbm>>) target(%arg16 : memref<8000xi32, #tpu.memory_space<vmem>>) offsets(%arg14 : memref<8000xi32, #tpu.memory_space<vmem>>) semaphore(%arg20 : memref<!tpu.dma_semaphore, #tpu.memory_space<semaphore_mem>>)
    } else {
    }
    %gt3A_234 = arith.constant 6 : i32
    %gt3A_235 = arith.cmpi sgt, %select_n3A, %gt3A_234 : i32
    %convert_element_type3A_236 = arith.extui %gt3A_235 : i1 to i32
    %cond3A_237 = arith.constant 0 : i32
    %cond3A_238 = arith.cmpi ne, %convert_element_type3A_236, %cond3A_237 : i32
    scf.if %cond3A_238 {
      %dma_wait3A = tpu.memref_slice %arg2[%mul3A_30] : memref<4000000xf32, #tpu.memory_space<hbm>> -> memref<8000xf32, #tpu.memory_space<hbm>>
      %dma_wait3A_539 = tpu.memref_slice %arg2[%mul3A_30] : memref<4000000xf32, #tpu.memory_space<hbm>> -> memref<8000xf32, #tpu.memory_space<hbm>>
      tpu.wait_dma2 semaphore(%arg17 : memref<!tpu.dma_semaphore, #tpu.memory_space<semaphore_mem>>) src(%dma_wait3A_539 : memref<8000xf32, #tpu.memory_space<hbm>>) dst(%arg7 : memref<8000xf32, #tpu.memory_space<vmem>>)
      %dma_wait3A_540 = tpu.memref_slice %arg3[%mul3A_30] : memref<4000000xf32, #tpu.memory_space<hbm>> -> memref<8000xf32, #tpu.memory_space<hbm>>
      %dma_wait3A_541 = tpu.memref_slice %arg3[%mul3A_30] : memref<4000000xf32, #tpu.memory_space<hbm>> -> memref<8000xf32, #tpu.memory_space<hbm>>
      tpu.wait_dma2 semaphore(%arg17 : memref<!tpu.dma_semaphore, #tpu.memory_space<semaphore_mem>>) src(%dma_wait3A_541 : memref<8000xf32, #tpu.memory_space<hbm>>) dst(%arg8 : memref<8000xf32, #tpu.memory_space<vmem>>)
      %dma_wait3A_542 = tpu.memref_slice %arg4[%mul3A_30] : memref<4000000xf32, #tpu.memory_space<hbm>> -> memref<8000xf32, #tpu.memory_space<hbm>>
      %dma_wait3A_543 = tpu.memref_slice %arg4[%mul3A_30] : memref<4000000xf32, #tpu.memory_space<hbm>> -> memref<8000xf32, #tpu.memory_space<hbm>>
      tpu.wait_dma2 semaphore(%arg17 : memref<!tpu.dma_semaphore, #tpu.memory_space<semaphore_mem>>) src(%dma_wait3A_543 : memref<8000xf32, #tpu.memory_space<hbm>>) dst(%arg9 : memref<8000xf32, #tpu.memory_space<vmem>>)
    } else {
    }
    %gt3A_239 = arith.constant 7 : i32
    %gt3A_240 = arith.cmpi sgt, %select_n3A, %gt3A_239 : i32
    %convert_element_type3A_241 = arith.extui %gt3A_240 : i1 to i32
    %cond3A_242 = arith.constant 0 : i32
    %cond3A_243 = arith.cmpi ne, %convert_element_type3A_241, %cond3A_242 : i32
    scf.if %cond3A_243 {
      %dma_start3A = tpu.memref_slice %arg2[%mul3A_34] : memref<4000000xf32, #tpu.memory_space<hbm>> -> memref<8000xf32, #tpu.memory_space<hbm>>
      %dma_start3A_539 = tpu.memref_slice %arg2[%mul3A_34] : memref<4000000xf32, #tpu.memory_space<hbm>> -> memref<8000xf32, #tpu.memory_space<hbm>>
      tpu.enqueue_dma source(%dma_start3A_539 : memref<8000xf32, #tpu.memory_space<hbm>>) target(%arg10 : memref<8000xf32, #tpu.memory_space<vmem>>) target_semaphore(%arg18 : memref<!tpu.dma_semaphore, #tpu.memory_space<semaphore_mem>>)
      %dma_start3A_540 = tpu.memref_slice %arg3[%mul3A_34] : memref<4000000xf32, #tpu.memory_space<hbm>> -> memref<8000xf32, #tpu.memory_space<hbm>>
      %dma_start3A_541 = tpu.memref_slice %arg3[%mul3A_34] : memref<4000000xf32, #tpu.memory_space<hbm>> -> memref<8000xf32, #tpu.memory_space<hbm>>
      tpu.enqueue_dma source(%dma_start3A_541 : memref<8000xf32, #tpu.memory_space<hbm>>) target(%arg11 : memref<8000xf32, #tpu.memory_space<vmem>>) target_semaphore(%arg18 : memref<!tpu.dma_semaphore, #tpu.memory_space<semaphore_mem>>)
      %dma_start3A_542 = tpu.memref_slice %arg4[%mul3A_34] : memref<4000000xf32, #tpu.memory_space<hbm>> -> memref<8000xf32, #tpu.memory_space<hbm>>
      %dma_start3A_543 = tpu.memref_slice %arg4[%mul3A_34] : memref<4000000xf32, #tpu.memory_space<hbm>> -> memref<8000xf32, #tpu.memory_space<hbm>>
      tpu.enqueue_dma source(%dma_start3A_543 : memref<8000xf32, #tpu.memory_space<hbm>>) target(%arg12 : memref<8000xf32, #tpu.memory_space<vmem>>) target_semaphore(%arg18 : memref<!tpu.dma_semaphore, #tpu.memory_space<semaphore_mem>>)
    } else {
    }
    %gt3A_244 = arith.constant 6 : i32
    %gt3A_245 = arith.cmpi sgt, %select_n3A, %gt3A_244 : i32
    %convert_element_type3A_246 = arith.extui %gt3A_245 : i1 to i32
    %cond3A_247 = arith.constant 0 : i32
    %cond3A_248 = arith.cmpi ne, %convert_element_type3A_246, %cond3A_247 : i32
    scf.if %cond3A_248 {
      %scan3A = arith.constant 0 : i32
      %scan3A_539 = arith.constant 0 : i32
      %scan3A_540 = arith.constant 500 : i32
      %scan3A_541 = arith.addi %scan3A_539, %scan3A_540 : i32
      %scan3A_542 = arith.constant 1 : i32
      scf.for %scan3A_544 = %scan3A_539 to %scan3A_541 step %scan3A_542  : i32 {
        %mul3A_545 = arith.constant 16 : i32
        %mul3A_546 = arith.muli %scan3A_544, %mul3A_545 : i32
        %get3A = arith.index_cast %mul3A_546 : i32 to index
        %get3A_547 = tpu.vector_load %arg7[%get3A] {strides = array<i32>} : memref<8000xf32, #tpu.memory_space<vmem>>, vector<16xf32>,
        %get3A_548 = arith.index_cast %mul3A_546 : i32 to index
        %get3A_549 = tpu.vector_load %arg8[%get3A_548] {strides = array<i32>} : memref<8000xf32, #tpu.memory_space<vmem>>, vector<16xf32>,
        %get3A_550 = arith.index_cast %mul3A_546 : i32 to index
        %get3A_551 = tpu.vector_load %arg9[%get3A_550] {strides = array<i32>} : memref<8000xf32, #tpu.memory_space<vmem>>, vector<16xf32>,
        %mul3A_552 = arith.constant 2.560000e+02 : f32
        %mul3A_553 = vector.broadcast %mul3A_552 : f32 to vector<16xf32>
        %mul3A_554 = arith.mulf %get3A_547, %mul3A_553 : vector<16xf32>
        %convert_element_type3A_555 = arith.fptosi %mul3A_554 : vector<16xf32> to vector<16xi32>
        %mul3A_556 = arith.constant 2.560000e+02 : f32
        %mul3A_557 = vector.broadcast %mul3A_556 : f32 to vector<16xf32>
        %mul3A_558 = arith.mulf %get3A_549, %mul3A_557 : vector<16xf32>
        %convert_element_type3A_559 = arith.fptosi %mul3A_558 : vector<16xf32> to vector<16xi32>
        %mul3A_560 = arith.constant 2.560000e+02 : f32
        %mul3A_561 = vector.broadcast %mul3A_560 : f32 to vector<16xf32>
        %mul3A_562 = arith.mulf %get3A_551, %mul3A_561 : vector<16xf32>
        %convert_element_type3A_563 = arith.fptosi %mul3A_562 : vector<16xf32> to vector<16xi32>
        %mul3A_564 = arith.constant 65536 : i32
        %mul3A_565 = vector.broadcast %mul3A_564 : i32 to vector<16xi32>
        %mul3A_566 = arith.muli %convert_element_type3A_555, %mul3A_565 : vector<16xi32>
        %mul3A_567 = arith.constant 256 : i32
        %mul3A_568 = vector.broadcast %mul3A_567 : i32 to vector<16xi32>
        %mul3A_569 = arith.muli %convert_element_type3A_559, %mul3A_568 : vector<16xi32>
        %add3A_570 = arith.addi %mul3A_566, %mul3A_569 : vector<16xi32>
        %add3A_571 = arith.addi %add3A_570, %convert_element_type3A_563 : vector<16xi32>
        %lt3A_572 = arith.constant 9.99999974E-6 : f32
        %lt3A_573 = vector.broadcast %lt3A_572 : f32 to vector<16xf32>
        %lt3A_574 = arith.cmpf olt, %get3A_547, %lt3A_573 : vector<16xf32>
        %ge3A = arith.constant 0.999989986 : f32
        %ge3A_575 = vector.broadcast %ge3A : f32 to vector<16xf32>
        %ge3A_576 = arith.cmpf oge, %get3A_547, %ge3A_575 : vector<16xf32>
        %or3A = arith.ori %lt3A_574, %ge3A_576 : vector<16xi1>
        %lt3A_577 = arith.constant 9.99999974E-6 : f32
        %lt3A_578 = vector.broadcast %lt3A_577 : f32 to vector<16xf32>
        %lt3A_579 = arith.cmpf olt, %get3A_549, %lt3A_578 : vector<16xf32>
        %or3A_580 = arith.ori %or3A, %lt3A_579 : vector<16xi1>
        %ge3A_581 = arith.constant 0.999989986 : f32
        %ge3A_582 = vector.broadcast %ge3A_581 : f32 to vector<16xf32>
        %ge3A_583 = arith.cmpf oge, %get3A_549, %ge3A_582 : vector<16xf32>
        %or3A_584 = arith.ori %or3A_580, %ge3A_583 : vector<16xi1>
        %lt3A_585 = arith.constant 9.99999974E-6 : f32
        %lt3A_586 = vector.broadcast %lt3A_585 : f32 to vector<16xf32>
        %lt3A_587 = arith.cmpf olt, %get3A_551, %lt3A_586 : vector<16xf32>
        %or3A_588 = arith.ori %or3A_584, %lt3A_587 : vector<16xi1>
        %ge3A_589 = arith.constant 0.999989986 : f32
        %ge3A_590 = vector.broadcast %ge3A_589 : f32 to vector<16xf32>
        %ge3A_591 = arith.cmpf oge, %get3A_551, %ge3A_590 : vector<16xf32>
        %or3A_592 = arith.ori %or3A_588, %ge3A_591 : vector<16xi1>
        %jit3A_593 = arith.constant 16777216 : i32
        %broadcast_in_dim3A = vector.broadcast %jit3A_593 : i32 to vector<16xi32>
        %select_n3A_594 = arith.select %or3A_592, %broadcast_in_dim3A, %add3A_571 : vector<16xi1>, vector<16xi32>
        %swap3A = arith.index_cast %mul3A_546 : i32 to index
        %swap3A_595 = tpu.vector_load %arg13[%swap3A] {strides = array<i32>} : memref<8000xi32, #tpu.memory_space<vmem>>, vector<16xi32>,
        tpu.vector_store %arg13[%swap3A], %select_n3A_594 {strides = array<i32>} : memref<8000xi32, #tpu.memory_space<vmem>>, vector<16xi32>,
      }
      %scan3A_543 = arith.constant 500 : i32
    } else {
    }
    %gt3A_249 = arith.constant 5 : i32
    %gt3A_250 = arith.cmpi sgt, %select_n3A, %gt3A_249 : i32
    %convert_element_type3A_251 = arith.extui %gt3A_250 : i1 to i32
    %cond3A_252 = arith.constant 0 : i32
    %cond3A_253 = arith.cmpi ne, %convert_element_type3A_251, %cond3A_252 : i32
    scf.if %cond3A_253 {
      %dma_wait3A = arith.constant 0 : i32
      %dma_wait3A_539 = tpu.memref_slice %arg5[%dma_wait3A] : memref<16777217xi32, #tpu.memory_space<hbm>> -> memref<16777217xi32, #tpu.memory_space<hbm>>
      tpu.wait_indirect_dma semaphore(%arg20 : memref<!tpu.dma_semaphore, #tpu.memory_space<semaphore_mem>>) src(%dma_wait3A_539 : memref<16777217xi32, #tpu.memory_space<hbm>>) dst(%arg16 : memref<8000xi32, #tpu.memory_space<vmem>>)
      %dma_start3A = tpu.memref_slice %arg6[%mul3A_26] : memref<4000000xi32, #tpu.memory_space<hbm>> -> memref<8000xi32, #tpu.memory_space<hbm>>
      %dma_start3A_540 = tpu.memref_slice %arg6[%mul3A_26] : memref<4000000xi32, #tpu.memory_space<hbm>> -> memref<8000xi32, #tpu.memory_space<hbm>>
      tpu.enqueue_dma source(%arg16 : memref<8000xi32, #tpu.memory_space<vmem>>) target(%dma_start3A_540 : memref<8000xi32, #tpu.memory_space<hbm>>) target_semaphore(%arg22 : memref<!tpu.dma_semaphore, #tpu.memory_space<semaphore_mem>>)
    } else {
    }
    %gt3A_254 = arith.constant 4 : i32
    %gt3A_255 = arith.cmpi sgt, %select_n3A, %gt3A_254 : i32
    %convert_element_type3A_256 = arith.extui %gt3A_255 : i1 to i32
    %cond3A_257 = arith.constant 0 : i32
    %cond3A_258 = arith.cmpi ne, %convert_element_type3A_256, %cond3A_257 : i32
    scf.if %cond3A_258 {
      %dma_wait3A = tpu.memref_slice %arg6[%mul3A_22] : memref<4000000xi32, #tpu.memory_space<hbm>> -> memref<8000xi32, #tpu.memory_space<hbm>>
      %dma_wait3A_539 = tpu.memref_slice %arg6[%mul3A_22] : memref<4000000xi32, #tpu.memory_space<hbm>> -> memref<8000xi32, #tpu.memory_space<hbm>>
      tpu.wait_dma2 semaphore(%arg21 : memref<!tpu.dma_semaphore, #tpu.memory_space<semaphore_mem>>) src(%arg15 : memref<8000xi32, #tpu.memory_space<vmem>>) dst(%dma_wait3A_539 : memref<8000xi32, #tpu.memory_space<hbm>>)
    } else {
    }
    %gt3A_259 = arith.constant 6 : i32
    %gt3A_260 = arith.cmpi sgt, %select_n3A, %gt3A_259 : i32
    %convert_element_type3A_261 = arith.extui %gt3A_260 : i1 to i32
    %cond3A_262 = arith.constant 0 : i32
    %cond3A_263 = arith.cmpi ne, %convert_element_type3A_261, %cond3A_262 : i32
    scf.if %cond3A_263 {
      %dma_start3A = arith.constant 0 : i32
      %dma_start3A_539 = tpu.memref_slice %arg5[%dma_start3A] : memref<16777217xi32, #tpu.memory_space<hbm>> -> memref<16777217xi32, #tpu.memory_space<hbm>>
      tpu.enqueue_indirect_dma source(%dma_start3A_539 : memref<16777217xi32, #tpu.memory_space<hbm>>) target(%arg15 : memref<8000xi32, #tpu.memory_space<vmem>>) offsets(%arg13 : memref<8000xi32, #tpu.memory_space<vmem>>) semaphore(%arg19 : memref<!tpu.dma_semaphore, #tpu.memory_space<semaphore_mem>>)
    } else {
    }
    %gt3A_264 = arith.constant 7 : i32
    %gt3A_265 = arith.cmpi sgt, %select_n3A, %gt3A_264 : i32
    %convert_element_type3A_266 = arith.extui %gt3A_265 : i1 to i32
    %cond3A_267 = arith.constant 0 : i32
    %cond3A_268 = arith.cmpi ne, %convert_element_type3A_266, %cond3A_267 : i32
    scf.if %cond3A_268 {
      %dma_wait3A = tpu.memref_slice %arg2[%mul3A_34] : memref<4000000xf32, #tpu.memory_space<hbm>> -> memref<8000xf32, #tpu.memory_space<hbm>>
      %dma_wait3A_539 = tpu.memref_slice %arg2[%mul3A_34] : memref<4000000xf32, #tpu.memory_space<hbm>> -> memref<8000xf32, #tpu.memory_space<hbm>>
      tpu.wait_dma2 semaphore(%arg18 : memref<!tpu.dma_semaphore, #tpu.memory_space<semaphore_mem>>) src(%dma_wait3A_539 : memref<8000xf32, #tpu.memory_space<hbm>>) dst(%arg10 : memref<8000xf32, #tpu.memory_space<vmem>>)
      %dma_wait3A_540 = tpu.memref_slice %arg3[%mul3A_34] : memref<4000000xf32, #tpu.memory_space<hbm>> -> memref<8000xf32, #tpu.memory_space<hbm>>
      %dma_wait3A_541 = tpu.memref_slice %arg3[%mul3A_34] : memref<4000000xf32, #tpu.memory_space<hbm>> -> memref<8000xf32, #tpu.memory_space<hbm>>
      tpu.wait_dma2 semaphore(%arg18 : memref<!tpu.dma_semaphore, #tpu.memory_space<semaphore_mem>>) src(%dma_wait3A_541 : memref<8000xf32, #tpu.memory_space<hbm>>) dst(%arg11 : memref<8000xf32, #tpu.memory_space<vmem>>)
      %dma_wait3A_542 = tpu.memref_slice %arg4[%mul3A_34] : memref<4000000xf32, #tpu.memory_space<hbm>> -> memref<8000xf32, #tpu.memory_space<hbm>>
      %dma_wait3A_543 = tpu.memref_slice %arg4[%mul3A_34] : memref<4000000xf32, #tpu.memory_space<hbm>> -> memref<8000xf32, #tpu.memory_space<hbm>>
      tpu.wait_dma2 semaphore(%arg18 : memref<!tpu.dma_semaphore, #tpu.memory_space<semaphore_mem>>) src(%dma_wait3A_543 : memref<8000xf32, #tpu.memory_space<hbm>>) dst(%arg12 : memref<8000xf32, #tpu.memory_space<vmem>>)
    } else {
    }
    %gt3A_269 = arith.constant 8 : i32
    %gt3A_270 = arith.cmpi sgt, %select_n3A, %gt3A_269 : i32
    %convert_element_type3A_271 = arith.extui %gt3A_270 : i1 to i32
    %cond3A_272 = arith.constant 0 : i32
    %cond3A_273 = arith.cmpi ne, %convert_element_type3A_271, %cond3A_272 : i32
    scf.if %cond3A_273 {
      %dma_start3A = tpu.memref_slice %arg2[%mul3A_38] : memref<4000000xf32, #tpu.memory_space<hbm>> -> memref<8000xf32, #tpu.memory_space<hbm>>
      %dma_start3A_539 = tpu.memref_slice %arg2[%mul3A_38] : memref<4000000xf32, #tpu.memory_space<hbm>> -> memref<8000xf32, #tpu.memory_space<hbm>>
      tpu.enqueue_dma source(%dma_start3A_539 : memref<8000xf32, #tpu.memory_space<hbm>>) target(%arg7 : memref<8000xf32, #tpu.memory_space<vmem>>) target_semaphore(%arg17 : memref<!tpu.dma_semaphore, #tpu.memory_space<semaphore_mem>>)
      %dma_start3A_540 = tpu.memref_slice %arg3[%mul3A_38] : memref<4000000xf32, #tpu.memory_space<hbm>> -> memref<8000xf32, #tpu.memory_space<hbm>>
      %dma_start3A_541 = tpu.memref_slice %arg3[%mul3A_38] : memref<4000000xf32, #tpu.memory_space<hbm>> -> memref<8000xf32, #tpu.memory_space<hbm>>
      tpu.enqueue_dma source(%dma_start3A_541 : memref<8000xf32, #tpu.memory_space<hbm>>) target(%arg8 : memref<8000xf32, #tpu.memory_space<vmem>>) target_semaphore(%arg17 : memref<!tpu.dma_semaphore, #tpu.memory_space<semaphore_mem>>)
      %dma_start3A_542 = tpu.memref_slice %arg4[%mul3A_38] : memref<4000000xf32, #tpu.memory_space<hbm>> -> memref<8000xf32, #tpu.memory_space<hbm>>
      %dma_start3A_543 = tpu.memref_slice %arg4[%mul3A_38] : memref<4000000xf32, #tpu.memory_space<hbm>> -> memref<8000xf32, #tpu.memory_space<hbm>>
      tpu.enqueue_dma source(%dma_start3A_543 : memref<8000xf32, #tpu.memory_space<hbm>>) target(%arg9 : memref<8000xf32, #tpu.memory_space<vmem>>) target_semaphore(%arg17 : memref<!tpu.dma_semaphore, #tpu.memory_space<semaphore_mem>>)
    } else {
    }
    %gt3A_274 = arith.constant 7 : i32
    %gt3A_275 = arith.cmpi sgt, %select_n3A, %gt3A_274 : i32
    %convert_element_type3A_276 = arith.extui %gt3A_275 : i1 to i32
    %cond3A_277 = arith.constant 0 : i32
    %cond3A_278 = arith.cmpi ne, %convert_element_type3A_276, %cond3A_277 : i32
    scf.if %cond3A_278 {
      %scan3A = arith.constant 0 : i32
      %scan3A_539 = arith.constant 0 : i32
      %scan3A_540 = arith.constant 500 : i32
      %scan3A_541 = arith.addi %scan3A_539, %scan3A_540 : i32
      %scan3A_542 = arith.constant 1 : i32
      scf.for %scan3A_544 = %scan3A_539 to %scan3A_541 step %scan3A_542  : i32 {
        %mul3A_545 = arith.constant 16 : i32
        %mul3A_546 = arith.muli %scan3A_544, %mul3A_545 : i32
        %get3A = arith.index_cast %mul3A_546 : i32 to index
        %get3A_547 = tpu.vector_load %arg10[%get3A] {strides = array<i32>} : memref<8000xf32, #tpu.memory_space<vmem>>, vector<16xf32>,
        %get3A_548 = arith.index_cast %mul3A_546 : i32 to index
        %get3A_549 = tpu.vector_load %arg11[%get3A_548] {strides = array<i32>} : memref<8000xf32, #tpu.memory_space<vmem>>, vector<16xf32>,
        %get3A_550 = arith.index_cast %mul3A_546 : i32 to index
        %get3A_551 = tpu.vector_load %arg12[%get3A_550] {strides = array<i32>} : memref<8000xf32, #tpu.memory_space<vmem>>, vector<16xf32>,
        %mul3A_552 = arith.constant 2.560000e+02 : f32
        %mul3A_553 = vector.broadcast %mul3A_552 : f32 to vector<16xf32>
        %mul3A_554 = arith.mulf %get3A_547, %mul3A_553 : vector<16xf32>
        %convert_element_type3A_555 = arith.fptosi %mul3A_554 : vector<16xf32> to vector<16xi32>
        %mul3A_556 = arith.constant 2.560000e+02 : f32
        %mul3A_557 = vector.broadcast %mul3A_556 : f32 to vector<16xf32>
        %mul3A_558 = arith.mulf %get3A_549, %mul3A_557 : vector<16xf32>
        %convert_element_type3A_559 = arith.fptosi %mul3A_558 : vector<16xf32> to vector<16xi32>
        %mul3A_560 = arith.constant 2.560000e+02 : f32
        %mul3A_561 = vector.broadcast %mul3A_560 : f32 to vector<16xf32>
        %mul3A_562 = arith.mulf %get3A_551, %mul3A_561 : vector<16xf32>
        %convert_element_type3A_563 = arith.fptosi %mul3A_562 : vector<16xf32> to vector<16xi32>
        %mul3A_564 = arith.constant 65536 : i32
        %mul3A_565 = vector.broadcast %mul3A_564 : i32 to vector<16xi32>
        %mul3A_566 = arith.muli %convert_element_type3A_555, %mul3A_565 : vector<16xi32>
        %mul3A_567 = arith.constant 256 : i32
        %mul3A_568 = vector.broadcast %mul3A_567 : i32 to vector<16xi32>
        %mul3A_569 = arith.muli %convert_element_type3A_559, %mul3A_568 : vector<16xi32>
        %add3A_570 = arith.addi %mul3A_566, %mul3A_569 : vector<16xi32>
        %add3A_571 = arith.addi %add3A_570, %convert_element_type3A_563 : vector<16xi32>
        %lt3A_572 = arith.constant 9.99999974E-6 : f32
        %lt3A_573 = vector.broadcast %lt3A_572 : f32 to vector<16xf32>
        %lt3A_574 = arith.cmpf olt, %get3A_547, %lt3A_573 : vector<16xf32>
        %ge3A = arith.constant 0.999989986 : f32
        %ge3A_575 = vector.broadcast %ge3A : f32 to vector<16xf32>
        %ge3A_576 = arith.cmpf oge, %get3A_547, %ge3A_575 : vector<16xf32>
        %or3A = arith.ori %lt3A_574, %ge3A_576 : vector<16xi1>
        %lt3A_577 = arith.constant 9.99999974E-6 : f32
        %lt3A_578 = vector.broadcast %lt3A_577 : f32 to vector<16xf32>
        %lt3A_579 = arith.cmpf olt, %get3A_549, %lt3A_578 : vector<16xf32>
        %or3A_580 = arith.ori %or3A, %lt3A_579 : vector<16xi1>
        %ge3A_581 = arith.constant 0.999989986 : f32
        %ge3A_582 = vector.broadcast %ge3A_581 : f32 to vector<16xf32>
        %ge3A_583 = arith.cmpf oge, %get3A_549, %ge3A_582 : vector<16xf32>
        %or3A_584 = arith.ori %or3A_580, %ge3A_583 : vector<16xi1>
        %lt3A_585 = arith.constant 9.99999974E-6 : f32
        %lt3A_586 = vector.broadcast %lt3A_585 : f32 to vector<16xf32>
        %lt3A_587 = arith.cmpf olt, %get3A_551, %lt3A_586 : vector<16xf32>
        %or3A_588 = arith.ori %or3A_584, %lt3A_587 : vector<16xi1>
        %ge3A_589 = arith.constant 0.999989986 : f32
        %ge3A_590 = vector.broadcast %ge3A_589 : f32 to vector<16xf32>
        %ge3A_591 = arith.cmpf oge, %get3A_551, %ge3A_590 : vector<16xf32>
        %or3A_592 = arith.ori %or3A_588, %ge3A_591 : vector<16xi1>
        %jit3A_593 = arith.constant 16777216 : i32
        %broadcast_in_dim3A = vector.broadcast %jit3A_593 : i32 to vector<16xi32>
        %select_n3A_594 = arith.select %or3A_592, %broadcast_in_dim3A, %add3A_571 : vector<16xi1>, vector<16xi32>
        %swap3A = arith.index_cast %mul3A_546 : i32 to index
        %swap3A_595 = tpu.vector_load %arg14[%swap3A] {strides = array<i32>} : memref<8000xi32, #tpu.memory_space<vmem>>, vector<16xi32>,
        tpu.vector_store %arg14[%swap3A], %select_n3A_594 {strides = array<i32>} : memref<8000xi32, #tpu.memory_space<vmem>>, vector<16xi32>,
      }
      %scan3A_543 = arith.constant 500 : i32
    } else {
    }
    %gt3A_279 = arith.constant 6 : i32
    %gt3A_280 = arith.cmpi sgt, %select_n3A, %gt3A_279 : i32
    %convert_element_type3A_281 = arith.extui %gt3A_280 : i1 to i32
    %cond3A_282 = arith.constant 0 : i32
    %cond3A_283 = arith.cmpi ne, %convert_element_type3A_281, %cond3A_282 : i32
    scf.if %cond3A_283 {
      %dma_wait3A = arith.constant 0 : i32
      %dma_wait3A_539 = tpu.memref_slice %arg5[%dma_wait3A] : memref<16777217xi32, #tpu.memory_space<hbm>> -> memref<16777217xi32, #tpu.memory_space<hbm>>
      tpu.wait_indirect_dma semaphore(%arg19 : memref<!tpu.dma_semaphore, #tpu.memory_space<semaphore_mem>>) src(%dma_wait3A_539 : memref<16777217xi32, #tpu.memory_space<hbm>>) dst(%arg15 : memref<8000xi32, #tpu.memory_space<vmem>>)
      %dma_start3A = tpu.memref_slice %arg6[%mul3A_30] : memref<4000000xi32, #tpu.memory_space<hbm>> -> memref<8000xi32, #tpu.memory_space<hbm>>
      %dma_start3A_540 = tpu.memref_slice %arg6[%mul3A_30] : memref<4000000xi32, #tpu.memory_space<hbm>> -> memref<8000xi32, #tpu.memory_space<hbm>>
      tpu.enqueue_dma source(%arg15 : memref<8000xi32, #tpu.memory_space<vmem>>) target(%dma_start3A_540 : memref<8000xi32, #tpu.memory_space<hbm>>) target_semaphore(%arg21 : memref<!tpu.dma_semaphore, #tpu.memory_space<semaphore_mem>>)
    } else {
    }
    %gt3A_284 = arith.constant 5 : i32
    %gt3A_285 = arith.cmpi sgt, %select_n3A, %gt3A_284 : i32
    %convert_element_type3A_286 = arith.extui %gt3A_285 : i1 to i32
    %cond3A_287 = arith.constant 0 : i32
    %cond3A_288 = arith.cmpi ne, %convert_element_type3A_286, %cond3A_287 : i32
    scf.if %cond3A_288 {
      %dma_wait3A = tpu.memref_slice %arg6[%mul3A_26] : memref<4000000xi32, #tpu.memory_space<hbm>> -> memref<8000xi32, #tpu.memory_space<hbm>>
      %dma_wait3A_539 = tpu.memref_slice %arg6[%mul3A_26] : memref<4000000xi32, #tpu.memory_space<hbm>> -> memref<8000xi32, #tpu.memory_space<hbm>>
      tpu.wait_dma2 semaphore(%arg22 : memref<!tpu.dma_semaphore, #tpu.memory_space<semaphore_mem>>) src(%arg16 : memref<8000xi32, #tpu.memory_space<vmem>>) dst(%dma_wait3A_539 : memref<8000xi32, #tpu.memory_space<hbm>>)
    } else {
    }
    %gt3A_289 = arith.constant 7 : i32
    %gt3A_290 = arith.cmpi sgt, %select_n3A, %gt3A_289 : i32
    %convert_element_type3A_291 = arith.extui %gt3A_290 : i1 to i32
    %cond3A_292 = arith.constant 0 : i32
    %cond3A_293 = arith.cmpi ne, %convert_element_type3A_291, %cond3A_292 : i32
    scf.if %cond3A_293 {
      %dma_start3A = arith.constant 0 : i32
      %dma_start3A_539 = tpu.memref_slice %arg5[%dma_start3A] : memref<16777217xi32, #tpu.memory_space<hbm>> -> memref<16777217xi32, #tpu.memory_space<hbm>>
      tpu.enqueue_indirect_dma source(%dma_start3A_539 : memref<16777217xi32, #tpu.memory_space<hbm>>) target(%arg16 : memref<8000xi32, #tpu.memory_space<vmem>>) offsets(%arg14 : memref<8000xi32, #tpu.memory_space<vmem>>) semaphore(%arg20 : memref<!tpu.dma_semaphore, #tpu.memory_space<semaphore_mem>>)
    } else {
    }
    %gt3A_294 = arith.constant 8 : i32
    %gt3A_295 = arith.cmpi sgt, %select_n3A, %gt3A_294 : i32
    %convert_element_type3A_296 = arith.extui %gt3A_295 : i1 to i32
    %cond3A_297 = arith.constant 0 : i32
    %cond3A_298 = arith.cmpi ne, %convert_element_type3A_296, %cond3A_297 : i32
    scf.if %cond3A_298 {
      %dma_wait3A = tpu.memref_slice %arg2[%mul3A_38] : memref<4000000xf32, #tpu.memory_space<hbm>> -> memref<8000xf32, #tpu.memory_space<hbm>>
      %dma_wait3A_539 = tpu.memref_slice %arg2[%mul3A_38] : memref<4000000xf32, #tpu.memory_space<hbm>> -> memref<8000xf32, #tpu.memory_space<hbm>>
      tpu.wait_dma2 semaphore(%arg17 : memref<!tpu.dma_semaphore, #tpu.memory_space<semaphore_mem>>) src(%dma_wait3A_539 : memref<8000xf32, #tpu.memory_space<hbm>>) dst(%arg7 : memref<8000xf32, #tpu.memory_space<vmem>>)
      %dma_wait3A_540 = tpu.memref_slice %arg3[%mul3A_38] : memref<4000000xf32, #tpu.memory_space<hbm>> -> memref<8000xf32, #tpu.memory_space<hbm>>
      %dma_wait3A_541 = tpu.memref_slice %arg3[%mul3A_38] : memref<4000000xf32, #tpu.memory_space<hbm>> -> memref<8000xf32, #tpu.memory_space<hbm>>
      tpu.wait_dma2 semaphore(%arg17 : memref<!tpu.dma_semaphore, #tpu.memory_space<semaphore_mem>>) src(%dma_wait3A_541 : memref<8000xf32, #tpu.memory_space<hbm>>) dst(%arg8 : memref<8000xf32, #tpu.memory_space<vmem>>)
      %dma_wait3A_542 = tpu.memref_slice %arg4[%mul3A_38] : memref<4000000xf32, #tpu.memory_space<hbm>> -> memref<8000xf32, #tpu.memory_space<hbm>>
      %dma_wait3A_543 = tpu.memref_slice %arg4[%mul3A_38] : memref<4000000xf32, #tpu.memory_space<hbm>> -> memref<8000xf32, #tpu.memory_space<hbm>>
      tpu.wait_dma2 semaphore(%arg17 : memref<!tpu.dma_semaphore, #tpu.memory_space<semaphore_mem>>) src(%dma_wait3A_543 : memref<8000xf32, #tpu.memory_space<hbm>>) dst(%arg9 : memref<8000xf32, #tpu.memory_space<vmem>>)
    } else {
    }
    %gt3A_299 = arith.constant 9 : i32
    %gt3A_300 = arith.cmpi sgt, %select_n3A, %gt3A_299 : i32
    %convert_element_type3A_301 = arith.extui %gt3A_300 : i1 to i32
    %cond3A_302 = arith.constant 0 : i32
    %cond3A_303 = arith.cmpi ne, %convert_element_type3A_301, %cond3A_302 : i32
    scf.if %cond3A_303 {
      %dma_start3A = tpu.memref_slice %arg2[%mul3A_42] : memref<4000000xf32, #tpu.memory_space<hbm>> -> memref<8000xf32, #tpu.memory_space<hbm>>
      %dma_start3A_539 = tpu.memref_slice %arg2[%mul3A_42] : memref<4000000xf32, #tpu.memory_space<hbm>> -> memref<8000xf32, #tpu.memory_space<hbm>>
      tpu.enqueue_dma source(%dma_start3A_539 : memref<8000xf32, #tpu.memory_space<hbm>>) target(%arg10 : memref<8000xf32, #tpu.memory_space<vmem>>) target_semaphore(%arg18 : memref<!tpu.dma_semaphore, #tpu.memory_space<semaphore_mem>>)
      %dma_start3A_540 = tpu.memref_slice %arg3[%mul3A_42] : memref<4000000xf32, #tpu.memory_space<hbm>> -> memref<8000xf32, #tpu.memory_space<hbm>>
      %dma_start3A_541 = tpu.memref_slice %arg3[%mul3A_42] : memref<4000000xf32, #tpu.memory_space<hbm>> -> memref<8000xf32, #tpu.memory_space<hbm>>
      tpu.enqueue_dma source(%dma_start3A_541 : memref<8000xf32, #tpu.memory_space<hbm>>) target(%arg11 : memref<8000xf32, #tpu.memory_space<vmem>>) target_semaphore(%arg18 : memref<!tpu.dma_semaphore, #tpu.memory_space<semaphore_mem>>)
      %dma_start3A_542 = tpu.memref_slice %arg4[%mul3A_42] : memref<4000000xf32, #tpu.memory_space<hbm>> -> memref<8000xf32, #tpu.memory_space<hbm>>
      %dma_start3A_543 = tpu.memref_slice %arg4[%mul3A_42] : memref<4000000xf32, #tpu.memory_space<hbm>> -> memref<8000xf32, #tpu.memory_space<hbm>>
      tpu.enqueue_dma source(%dma_start3A_543 : memref<8000xf32, #tpu.memory_space<hbm>>) target(%arg12 : memref<8000xf32, #tpu.memory_space<vmem>>) target_semaphore(%arg18 : memref<!tpu.dma_semaphore, #tpu.memory_space<semaphore_mem>>)
    } else {
    }
    %gt3A_304 = arith.constant 8 : i32
    %gt3A_305 = arith.cmpi sgt, %select_n3A, %gt3A_304 : i32
    %convert_element_type3A_306 = arith.extui %gt3A_305 : i1 to i32
    %cond3A_307 = arith.constant 0 : i32
    %cond3A_308 = arith.cmpi ne, %convert_element_type3A_306, %cond3A_307 : i32
    scf.if %cond3A_308 {
      %scan3A = arith.constant 0 : i32
      %scan3A_539 = arith.constant 0 : i32
      %scan3A_540 = arith.constant 500 : i32
      %scan3A_541 = arith.addi %scan3A_539, %scan3A_540 : i32
      %scan3A_542 = arith.constant 1 : i32
      scf.for %scan3A_544 = %scan3A_539 to %scan3A_541 step %scan3A_542  : i32 {
        %mul3A_545 = arith.constant 16 : i32
        %mul3A_546 = arith.muli %scan3A_544, %mul3A_545 : i32
        %get3A = arith.index_cast %mul3A_546 : i32 to index
        %get3A_547 = tpu.vector_load %arg7[%get3A] {strides = array<i32>} : memref<8000xf32, #tpu.memory_space<vmem>>, vector<16xf32>,
        %get3A_548 = arith.index_cast %mul3A_546 : i32 to index
        %get3A_549 = tpu.vector_load %arg8[%get3A_548] {strides = array<i32>} : memref<8000xf32, #tpu.memory_space<vmem>>, vector<16xf32>,
        %get3A_550 = arith.index_cast %mul3A_546 : i32 to index
        %get3A_551 = tpu.vector_load %arg9[%get3A_550] {strides = array<i32>} : memref<8000xf32, #tpu.memory_space<vmem>>, vector<16xf32>,
        %mul3A_552 = arith.constant 2.560000e+02 : f32
        %mul3A_553 = vector.broadcast %mul3A_552 : f32 to vector<16xf32>
        %mul3A_554 = arith.mulf %get3A_547, %mul3A_553 : vector<16xf32>
        %convert_element_type3A_555 = arith.fptosi %mul3A_554 : vector<16xf32> to vector<16xi32>
        %mul3A_556 = arith.constant 2.560000e+02 : f32
        %mul3A_557 = vector.broadcast %mul3A_556 : f32 to vector<16xf32>
        %mul3A_558 = arith.mulf %get3A_549, %mul3A_557 : vector<16xf32>
        %convert_element_type3A_559 = arith.fptosi %mul3A_558 : vector<16xf32> to vector<16xi32>
        %mul3A_560 = arith.constant 2.560000e+02 : f32
        %mul3A_561 = vector.broadcast %mul3A_560 : f32 to vector<16xf32>
        %mul3A_562 = arith.mulf %get3A_551, %mul3A_561 : vector<16xf32>
        %convert_element_type3A_563 = arith.fptosi %mul3A_562 : vector<16xf32> to vector<16xi32>
        %mul3A_564 = arith.constant 65536 : i32
        %mul3A_565 = vector.broadcast %mul3A_564 : i32 to vector<16xi32>
        %mul3A_566 = arith.muli %convert_element_type3A_555, %mul3A_565 : vector<16xi32>
        %mul3A_567 = arith.constant 256 : i32
        %mul3A_568 = vector.broadcast %mul3A_567 : i32 to vector<16xi32>
        %mul3A_569 = arith.muli %convert_element_type3A_559, %mul3A_568 : vector<16xi32>
        %add3A_570 = arith.addi %mul3A_566, %mul3A_569 : vector<16xi32>
        %add3A_571 = arith.addi %add3A_570, %convert_element_type3A_563 : vector<16xi32>
        %lt3A_572 = arith.constant 9.99999974E-6 : f32
        %lt3A_573 = vector.broadcast %lt3A_572 : f32 to vector<16xf32>
        %lt3A_574 = arith.cmpf olt, %get3A_547, %lt3A_573 : vector<16xf32>
        %ge3A = arith.constant 0.999989986 : f32
        %ge3A_575 = vector.broadcast %ge3A : f32 to vector<16xf32>
        %ge3A_576 = arith.cmpf oge, %get3A_547, %ge3A_575 : vector<16xf32>
        %or3A = arith.ori %lt3A_574, %ge3A_576 : vector<16xi1>
        %lt3A_577 = arith.constant 9.99999974E-6 : f32
        %lt3A_578 = vector.broadcast %lt3A_577 : f32 to vector<16xf32>
        %lt3A_579 = arith.cmpf olt, %get3A_549, %lt3A_578 : vector<16xf32>
        %or3A_580 = arith.ori %or3A, %lt3A_579 : vector<16xi1>
        %ge3A_581 = arith.constant 0.999989986 : f32
        %ge3A_582 = vector.broadcast %ge3A_581 : f32 to vector<16xf32>
        %ge3A_583 = arith.cmpf oge, %get3A_549, %ge3A_582 : vector<16xf32>
        %or3A_584 = arith.ori %or3A_580, %ge3A_583 : vector<16xi1>
        %lt3A_585 = arith.constant 9.99999974E-6 : f32
        %lt3A_586 = vector.broadcast %lt3A_585 : f32 to vector<16xf32>
        %lt3A_587 = arith.cmpf olt, %get3A_551, %lt3A_586 : vector<16xf32>
        %or3A_588 = arith.ori %or3A_584, %lt3A_587 : vector<16xi1>
        %ge3A_589 = arith.constant 0.999989986 : f32
        %ge3A_590 = vector.broadcast %ge3A_589 : f32 to vector<16xf32>
        %ge3A_591 = arith.cmpf oge, %get3A_551, %ge3A_590 : vector<16xf32>
        %or3A_592 = arith.ori %or3A_588, %ge3A_591 : vector<16xi1>
        %jit3A_593 = arith.constant 16777216 : i32
        %broadcast_in_dim3A = vector.broadcast %jit3A_593 : i32 to vector<16xi32>
        %select_n3A_594 = arith.select %or3A_592, %broadcast_in_dim3A, %add3A_571 : vector<16xi1>, vector<16xi32>
        %swap3A = arith.index_cast %mul3A_546 : i32 to index
        %swap3A_595 = tpu.vector_load %arg13[%swap3A] {strides = array<i32>} : memref<8000xi32, #tpu.memory_space<vmem>>, vector<16xi32>,
        tpu.vector_store %arg13[%swap3A], %select_n3A_594 {strides = array<i32>} : memref<8000xi32, #tpu.memory_space<vmem>>, vector<16xi32>,
      }
      %scan3A_543 = arith.constant 500 : i32
    } else {
    }
    %gt3A_309 = arith.constant 7 : i32
    %gt3A_310 = arith.cmpi sgt, %select_n3A, %gt3A_309 : i32
    %convert_element_type3A_311 = arith.extui %gt3A_310 : i1 to i32
    %cond3A_312 = arith.constant 0 : i32
    %cond3A_313 = arith.cmpi ne, %convert_element_type3A_311, %cond3A_312 : i32
    scf.if %cond3A_313 {
      %dma_wait3A = arith.constant 0 : i32
      %dma_wait3A_539 = tpu.memref_slice %arg5[%dma_wait3A] : memref<16777217xi32, #tpu.memory_space<hbm>> -> memref<16777217xi32, #tpu.memory_space<hbm>>
      tpu.wait_indirect_dma semaphore(%arg20 : memref<!tpu.dma_semaphore, #tpu.memory_space<semaphore_mem>>) src(%dma_wait3A_539 : memref<16777217xi32, #tpu.memory_space<hbm>>) dst(%arg16 : memref<8000xi32, #tpu.memory_space<vmem>>)
      %dma_start3A = tpu.memref_slice %arg6[%mul3A_34] : memref<4000000xi32, #tpu.memory_space<hbm>> -> memref<8000xi32, #tpu.memory_space<hbm>>
      %dma_start3A_540 = tpu.memref_slice %arg6[%mul3A_34] : memref<4000000xi32, #tpu.memory_space<hbm>> -> memref<8000xi32, #tpu.memory_space<hbm>>
      tpu.enqueue_dma source(%arg16 : memref<8000xi32, #tpu.memory_space<vmem>>) target(%dma_start3A_540 : memref<8000xi32, #tpu.memory_space<hbm>>) target_semaphore(%arg22 : memref<!tpu.dma_semaphore, #tpu.memory_space<semaphore_mem>>)
    } else {
    }
    %gt3A_314 = arith.constant 6 : i32
    %gt3A_315 = arith.cmpi sgt, %select_n3A, %gt3A_314 : i32
    %convert_element_type3A_316 = arith.extui %gt3A_315 : i1 to i32
    %cond3A_317 = arith.constant 0 : i32
    %cond3A_318 = arith.cmpi ne, %convert_element_type3A_316, %cond3A_317 : i32
    scf.if %cond3A_318 {
      %dma_wait3A = tpu.memref_slice %arg6[%mul3A_30] : memref<4000000xi32, #tpu.memory_space<hbm>> -> memref<8000xi32, #tpu.memory_space<hbm>>
      %dma_wait3A_539 = tpu.memref_slice %arg6[%mul3A_30] : memref<4000000xi32, #tpu.memory_space<hbm>> -> memref<8000xi32, #tpu.memory_space<hbm>>
      tpu.wait_dma2 semaphore(%arg21 : memref<!tpu.dma_semaphore, #tpu.memory_space<semaphore_mem>>) src(%arg15 : memref<8000xi32, #tpu.memory_space<vmem>>) dst(%dma_wait3A_539 : memref<8000xi32, #tpu.memory_space<hbm>>)
    } else {
    }
    %gt3A_319 = arith.constant 8 : i32
    %gt3A_320 = arith.cmpi sgt, %select_n3A, %gt3A_319 : i32
    %convert_element_type3A_321 = arith.extui %gt3A_320 : i1 to i32
    %cond3A_322 = arith.constant 0 : i32
    %cond3A_323 = arith.cmpi ne, %convert_element_type3A_321, %cond3A_322 : i32
    scf.if %cond3A_323 {
      %dma_start3A = arith.constant 0 : i32
      %dma_start3A_539 = tpu.memref_slice %arg5[%dma_start3A] : memref<16777217xi32, #tpu.memory_space<hbm>> -> memref<16777217xi32, #tpu.memory_space<hbm>>
      tpu.enqueue_indirect_dma source(%dma_start3A_539 : memref<16777217xi32, #tpu.memory_space<hbm>>) target(%arg15 : memref<8000xi32, #tpu.memory_space<vmem>>) offsets(%arg13 : memref<8000xi32, #tpu.memory_space<vmem>>) semaphore(%arg19 : memref<!tpu.dma_semaphore, #tpu.memory_space<semaphore_mem>>)
    } else {
    }
    %gt3A_324 = arith.constant 9 : i32
    %gt3A_325 = arith.cmpi sgt, %select_n3A, %gt3A_324 : i32
    %convert_element_type3A_326 = arith.extui %gt3A_325 : i1 to i32
    %cond3A_327 = arith.constant 0 : i32
    %cond3A_328 = arith.cmpi ne, %convert_element_type3A_326, %cond3A_327 : i32
    scf.if %cond3A_328 {
      %dma_wait3A = tpu.memref_slice %arg2[%mul3A_42] : memref<4000000xf32, #tpu.memory_space<hbm>> -> memref<8000xf32, #tpu.memory_space<hbm>>
      %dma_wait3A_539 = tpu.memref_slice %arg2[%mul3A_42] : memref<4000000xf32, #tpu.memory_space<hbm>> -> memref<8000xf32, #tpu.memory_space<hbm>>
      tpu.wait_dma2 semaphore(%arg18 : memref<!tpu.dma_semaphore, #tpu.memory_space<semaphore_mem>>) src(%dma_wait3A_539 : memref<8000xf32, #tpu.memory_space<hbm>>) dst(%arg10 : memref<8000xf32, #tpu.memory_space<vmem>>)
      %dma_wait3A_540 = tpu.memref_slice %arg3[%mul3A_42] : memref<4000000xf32, #tpu.memory_space<hbm>> -> memref<8000xf32, #tpu.memory_space<hbm>>
      %dma_wait3A_541 = tpu.memref_slice %arg3[%mul3A_42] : memref<4000000xf32, #tpu.memory_space<hbm>> -> memref<8000xf32, #tpu.memory_space<hbm>>
      tpu.wait_dma2 semaphore(%arg18 : memref<!tpu.dma_semaphore, #tpu.memory_space<semaphore_mem>>) src(%dma_wait3A_541 : memref<8000xf32, #tpu.memory_space<hbm>>) dst(%arg11 : memref<8000xf32, #tpu.memory_space<vmem>>)
      %dma_wait3A_542 = tpu.memref_slice %arg4[%mul3A_42] : memref<4000000xf32, #tpu.memory_space<hbm>> -> memref<8000xf32, #tpu.memory_space<hbm>>
      %dma_wait3A_543 = tpu.memref_slice %arg4[%mul3A_42] : memref<4000000xf32, #tpu.memory_space<hbm>> -> memref<8000xf32, #tpu.memory_space<hbm>>
      tpu.wait_dma2 semaphore(%arg18 : memref<!tpu.dma_semaphore, #tpu.memory_space<semaphore_mem>>) src(%dma_wait3A_543 : memref<8000xf32, #tpu.memory_space<hbm>>) dst(%arg12 : memref<8000xf32, #tpu.memory_space<vmem>>)
    } else {
    }
    %gt3A_329 = arith.constant 10 : i32
    %gt3A_330 = arith.cmpi sgt, %select_n3A, %gt3A_329 : i32
    %convert_element_type3A_331 = arith.extui %gt3A_330 : i1 to i32
    %cond3A_332 = arith.constant 0 : i32
    %cond3A_333 = arith.cmpi ne, %convert_element_type3A_331, %cond3A_332 : i32
    scf.if %cond3A_333 {
      %dma_start3A = tpu.memref_slice %arg2[%mul3A_46] : memref<4000000xf32, #tpu.memory_space<hbm>> -> memref<8000xf32, #tpu.memory_space<hbm>>
      %dma_start3A_539 = tpu.memref_slice %arg2[%mul3A_46] : memref<4000000xf32, #tpu.memory_space<hbm>> -> memref<8000xf32, #tpu.memory_space<hbm>>
      tpu.enqueue_dma source(%dma_start3A_539 : memref<8000xf32, #tpu.memory_space<hbm>>) target(%arg7 : memref<8000xf32, #tpu.memory_space<vmem>>) target_semaphore(%arg17 : memref<!tpu.dma_semaphore, #tpu.memory_space<semaphore_mem>>)
      %dma_start3A_540 = tpu.memref_slice %arg3[%mul3A_46] : memref<4000000xf32, #tpu.memory_space<hbm>> -> memref<8000xf32, #tpu.memory_space<hbm>>
      %dma_start3A_541 = tpu.memref_slice %arg3[%mul3A_46] : memref<4000000xf32, #tpu.memory_space<hbm>> -> memref<8000xf32, #tpu.memory_space<hbm>>
      tpu.enqueue_dma source(%dma_start3A_541 : memref<8000xf32, #tpu.memory_space<hbm>>) target(%arg8 : memref<8000xf32, #tpu.memory_space<vmem>>) target_semaphore(%arg17 : memref<!tpu.dma_semaphore, #tpu.memory_space<semaphore_mem>>)
      %dma_start3A_542 = tpu.memref_slice %arg4[%mul3A_46] : memref<4000000xf32, #tpu.memory_space<hbm>> -> memref<8000xf32, #tpu.memory_space<hbm>>
      %dma_start3A_543 = tpu.memref_slice %arg4[%mul3A_46] : memref<4000000xf32, #tpu.memory_space<hbm>> -> memref<8000xf32, #tpu.memory_space<hbm>>
      tpu.enqueue_dma source(%dma_start3A_543 : memref<8000xf32, #tpu.memory_space<hbm>>) target(%arg9 : memref<8000xf32, #tpu.memory_space<vmem>>) target_semaphore(%arg17 : memref<!tpu.dma_semaphore, #tpu.memory_space<semaphore_mem>>)
    } else {
    }
    %gt3A_334 = arith.constant 9 : i32
    %gt3A_335 = arith.cmpi sgt, %select_n3A, %gt3A_334 : i32
    %convert_element_type3A_336 = arith.extui %gt3A_335 : i1 to i32
    %cond3A_337 = arith.constant 0 : i32
    %cond3A_338 = arith.cmpi ne, %convert_element_type3A_336, %cond3A_337 : i32
    scf.if %cond3A_338 {
      %scan3A = arith.constant 0 : i32
      %scan3A_539 = arith.constant 0 : i32
      %scan3A_540 = arith.constant 500 : i32
      %scan3A_541 = arith.addi %scan3A_539, %scan3A_540 : i32
      %scan3A_542 = arith.constant 1 : i32
      scf.for %scan3A_544 = %scan3A_539 to %scan3A_541 step %scan3A_542  : i32 {
        %mul3A_545 = arith.constant 16 : i32
        %mul3A_546 = arith.muli %scan3A_544, %mul3A_545 : i32
        %get3A = arith.index_cast %mul3A_546 : i32 to index
        %get3A_547 = tpu.vector_load %arg10[%get3A] {strides = array<i32>} : memref<8000xf32, #tpu.memory_space<vmem>>, vector<16xf32>,
        %get3A_548 = arith.index_cast %mul3A_546 : i32 to index
        %get3A_549 = tpu.vector_load %arg11[%get3A_548] {strides = array<i32>} : memref<8000xf32, #tpu.memory_space<vmem>>, vector<16xf32>,
        %get3A_550 = arith.index_cast %mul3A_546 : i32 to index
        %get3A_551 = tpu.vector_load %arg12[%get3A_550] {strides = array<i32>} : memref<8000xf32, #tpu.memory_space<vmem>>, vector<16xf32>,
        %mul3A_552 = arith.constant 2.560000e+02 : f32
        %mul3A_553 = vector.broadcast %mul3A_552 : f32 to vector<16xf32>
        %mul3A_554 = arith.mulf %get3A_547, %mul3A_553 : vector<16xf32>
        %convert_element_type3A_555 = arith.fptosi %mul3A_554 : vector<16xf32> to vector<16xi32>
        %mul3A_556 = arith.constant 2.560000e+02 : f32
        %mul3A_557 = vector.broadcast %mul3A_556 : f32 to vector<16xf32>
        %mul3A_558 = arith.mulf %get3A_549, %mul3A_557 : vector<16xf32>
        %convert_element_type3A_559 = arith.fptosi %mul3A_558 : vector<16xf32> to vector<16xi32>
        %mul3A_560 = arith.constant 2.560000e+02 : f32
        %mul3A_561 = vector.broadcast %mul3A_560 : f32 to vector<16xf32>
        %mul3A_562 = arith.mulf %get3A_551, %mul3A_561 : vector<16xf32>
        %convert_element_type3A_563 = arith.fptosi %mul3A_562 : vector<16xf32> to vector<16xi32>
        %mul3A_564 = arith.constant 65536 : i32
        %mul3A_565 = vector.broadcast %mul3A_564 : i32 to vector<16xi32>
        %mul3A_566 = arith.muli %convert_element_type3A_555, %mul3A_565 : vector<16xi32>
        %mul3A_567 = arith.constant 256 : i32
        %mul3A_568 = vector.broadcast %mul3A_567 : i32 to vector<16xi32>
        %mul3A_569 = arith.muli %convert_element_type3A_559, %mul3A_568 : vector<16xi32>
        %add3A_570 = arith.addi %mul3A_566, %mul3A_569 : vector<16xi32>
        %add3A_571 = arith.addi %add3A_570, %convert_element_type3A_563 : vector<16xi32>
        %lt3A_572 = arith.constant 9.99999974E-6 : f32
        %lt3A_573 = vector.broadcast %lt3A_572 : f32 to vector<16xf32>
        %lt3A_574 = arith.cmpf olt, %get3A_547, %lt3A_573 : vector<16xf32>
        %ge3A = arith.constant 0.999989986 : f32
        %ge3A_575 = vector.broadcast %ge3A : f32 to vector<16xf32>
        %ge3A_576 = arith.cmpf oge, %get3A_547, %ge3A_575 : vector<16xf32>
        %or3A = arith.ori %lt3A_574, %ge3A_576 : vector<16xi1>
        %lt3A_577 = arith.constant 9.99999974E-6 : f32
        %lt3A_578 = vector.broadcast %lt3A_577 : f32 to vector<16xf32>
        %lt3A_579 = arith.cmpf olt, %get3A_549, %lt3A_578 : vector<16xf32>
        %or3A_580 = arith.ori %or3A, %lt3A_579 : vector<16xi1>
        %ge3A_581 = arith.constant 0.999989986 : f32
        %ge3A_582 = vector.broadcast %ge3A_581 : f32 to vector<16xf32>
        %ge3A_583 = arith.cmpf oge, %get3A_549, %ge3A_582 : vector<16xf32>
        %or3A_584 = arith.ori %or3A_580, %ge3A_583 : vector<16xi1>
        %lt3A_585 = arith.constant 9.99999974E-6 : f32
        %lt3A_586 = vector.broadcast %lt3A_585 : f32 to vector<16xf32>
        %lt3A_587 = arith.cmpf olt, %get3A_551, %lt3A_586 : vector<16xf32>
        %or3A_588 = arith.ori %or3A_584, %lt3A_587 : vector<16xi1>
        %ge3A_589 = arith.constant 0.999989986 : f32
        %ge3A_590 = vector.broadcast %ge3A_589 : f32 to vector<16xf32>
        %ge3A_591 = arith.cmpf oge, %get3A_551, %ge3A_590 : vector<16xf32>
        %or3A_592 = arith.ori %or3A_588, %ge3A_591 : vector<16xi1>
        %jit3A_593 = arith.constant 16777216 : i32
        %broadcast_in_dim3A = vector.broadcast %jit3A_593 : i32 to vector<16xi32>
        %select_n3A_594 = arith.select %or3A_592, %broadcast_in_dim3A, %add3A_571 : vector<16xi1>, vector<16xi32>
        %swap3A = arith.index_cast %mul3A_546 : i32 to index
        %swap3A_595 = tpu.vector_load %arg14[%swap3A] {strides = array<i32>} : memref<8000xi32, #tpu.memory_space<vmem>>, vector<16xi32>,
        tpu.vector_store %arg14[%swap3A], %select_n3A_594 {strides = array<i32>} : memref<8000xi32, #tpu.memory_space<vmem>>, vector<16xi32>,
      }
      %scan3A_543 = arith.constant 500 : i32
    } else {
    }
    %gt3A_339 = arith.constant 8 : i32
    %gt3A_340 = arith.cmpi sgt, %select_n3A, %gt3A_339 : i32
    %convert_element_type3A_341 = arith.extui %gt3A_340 : i1 to i32
    %cond3A_342 = arith.constant 0 : i32
    %cond3A_343 = arith.cmpi ne, %convert_element_type3A_341, %cond3A_342 : i32
    scf.if %cond3A_343 {
      %dma_wait3A = arith.constant 0 : i32
      %dma_wait3A_539 = tpu.memref_slice %arg5[%dma_wait3A] : memref<16777217xi32, #tpu.memory_space<hbm>> -> memref<16777217xi32, #tpu.memory_space<hbm>>
      tpu.wait_indirect_dma semaphore(%arg19 : memref<!tpu.dma_semaphore, #tpu.memory_space<semaphore_mem>>) src(%dma_wait3A_539 : memref<16777217xi32, #tpu.memory_space<hbm>>) dst(%arg15 : memref<8000xi32, #tpu.memory_space<vmem>>)
      %dma_start3A = tpu.memref_slice %arg6[%mul3A_38] : memref<4000000xi32, #tpu.memory_space<hbm>> -> memref<8000xi32, #tpu.memory_space<hbm>>
      %dma_start3A_540 = tpu.memref_slice %arg6[%mul3A_38] : memref<4000000xi32, #tpu.memory_space<hbm>> -> memref<8000xi32, #tpu.memory_space<hbm>>
      tpu.enqueue_dma source(%arg15 : memref<8000xi32, #tpu.memory_space<vmem>>) target(%dma_start3A_540 : memref<8000xi32, #tpu.memory_space<hbm>>) target_semaphore(%arg21 : memref<!tpu.dma_semaphore, #tpu.memory_space<semaphore_mem>>)
    } else {
    }
    %gt3A_344 = arith.constant 7 : i32
    %gt3A_345 = arith.cmpi sgt, %select_n3A, %gt3A_344 : i32
    %convert_element_type3A_346 = arith.extui %gt3A_345 : i1 to i32
    %cond3A_347 = arith.constant 0 : i32
    %cond3A_348 = arith.cmpi ne, %convert_element_type3A_346, %cond3A_347 : i32
    scf.if %cond3A_348 {
      %dma_wait3A = tpu.memref_slice %arg6[%mul3A_34] : memref<4000000xi32, #tpu.memory_space<hbm>> -> memref<8000xi32, #tpu.memory_space<hbm>>
      %dma_wait3A_539 = tpu.memref_slice %arg6[%mul3A_34] : memref<4000000xi32, #tpu.memory_space<hbm>> -> memref<8000xi32, #tpu.memory_space<hbm>>
      tpu.wait_dma2 semaphore(%arg22 : memref<!tpu.dma_semaphore, #tpu.memory_space<semaphore_mem>>) src(%arg16 : memref<8000xi32, #tpu.memory_space<vmem>>) dst(%dma_wait3A_539 : memref<8000xi32, #tpu.memory_space<hbm>>)
    } else {
    }
    %gt3A_349 = arith.constant 9 : i32
    %gt3A_350 = arith.cmpi sgt, %select_n3A, %gt3A_349 : i32
    %convert_element_type3A_351 = arith.extui %gt3A_350 : i1 to i32
    %cond3A_352 = arith.constant 0 : i32
    %cond3A_353 = arith.cmpi ne, %convert_element_type3A_351, %cond3A_352 : i32
    scf.if %cond3A_353 {
      %dma_start3A = arith.constant 0 : i32
      %dma_start3A_539 = tpu.memref_slice %arg5[%dma_start3A] : memref<16777217xi32, #tpu.memory_space<hbm>> -> memref<16777217xi32, #tpu.memory_space<hbm>>
      tpu.enqueue_indirect_dma source(%dma_start3A_539 : memref<16777217xi32, #tpu.memory_space<hbm>>) target(%arg16 : memref<8000xi32, #tpu.memory_space<vmem>>) offsets(%arg14 : memref<8000xi32, #tpu.memory_space<vmem>>) semaphore(%arg20 : memref<!tpu.dma_semaphore, #tpu.memory_space<semaphore_mem>>)
    } else {
    }
    %gt3A_354 = arith.constant 10 : i32
    %gt3A_355 = arith.cmpi sgt, %select_n3A, %gt3A_354 : i32
    %convert_element_type3A_356 = arith.extui %gt3A_355 : i1 to i32
    %cond3A_357 = arith.constant 0 : i32
    %cond3A_358 = arith.cmpi ne, %convert_element_type3A_356, %cond3A_357 : i32
    scf.if %cond3A_358 {
      %dma_wait3A = tpu.memref_slice %arg2[%mul3A_46] : memref<4000000xf32, #tpu.memory_space<hbm>> -> memref<8000xf32, #tpu.memory_space<hbm>>
      %dma_wait3A_539 = tpu.memref_slice %arg2[%mul3A_46] : memref<4000000xf32, #tpu.memory_space<hbm>> -> memref<8000xf32, #tpu.memory_space<hbm>>
      tpu.wait_dma2 semaphore(%arg17 : memref<!tpu.dma_semaphore, #tpu.memory_space<semaphore_mem>>) src(%dma_wait3A_539 : memref<8000xf32, #tpu.memory_space<hbm>>) dst(%arg7 : memref<8000xf32, #tpu.memory_space<vmem>>)
      %dma_wait3A_540 = tpu.memref_slice %arg3[%mul3A_46] : memref<4000000xf32, #tpu.memory_space<hbm>> -> memref<8000xf32, #tpu.memory_space<hbm>>
      %dma_wait3A_541 = tpu.memref_slice %arg3[%mul3A_46] : memref<4000000xf32, #tpu.memory_space<hbm>> -> memref<8000xf32, #tpu.memory_space<hbm>>
      tpu.wait_dma2 semaphore(%arg17 : memref<!tpu.dma_semaphore, #tpu.memory_space<semaphore_mem>>) src(%dma_wait3A_541 : memref<8000xf32, #tpu.memory_space<hbm>>) dst(%arg8 : memref<8000xf32, #tpu.memory_space<vmem>>)
      %dma_wait3A_542 = tpu.memref_slice %arg4[%mul3A_46] : memref<4000000xf32, #tpu.memory_space<hbm>> -> memref<8000xf32, #tpu.memory_space<hbm>>
      %dma_wait3A_543 = tpu.memref_slice %arg4[%mul3A_46] : memref<4000000xf32, #tpu.memory_space<hbm>> -> memref<8000xf32, #tpu.memory_space<hbm>>
      tpu.wait_dma2 semaphore(%arg17 : memref<!tpu.dma_semaphore, #tpu.memory_space<semaphore_mem>>) src(%dma_wait3A_543 : memref<8000xf32, #tpu.memory_space<hbm>>) dst(%arg9 : memref<8000xf32, #tpu.memory_space<vmem>>)
    } else {
    }
    %gt3A_359 = arith.constant 11 : i32
    %gt3A_360 = arith.cmpi sgt, %select_n3A, %gt3A_359 : i32
    %convert_element_type3A_361 = arith.extui %gt3A_360 : i1 to i32
    %cond3A_362 = arith.constant 0 : i32
    %cond3A_363 = arith.cmpi ne, %convert_element_type3A_361, %cond3A_362 : i32
    scf.if %cond3A_363 {
      %dma_start3A = tpu.memref_slice %arg2[%mul3A_50] : memref<4000000xf32, #tpu.memory_space<hbm>> -> memref<8000xf32, #tpu.memory_space<hbm>>
      %dma_start3A_539 = tpu.memref_slice %arg2[%mul3A_50] : memref<4000000xf32, #tpu.memory_space<hbm>> -> memref<8000xf32, #tpu.memory_space<hbm>>
      tpu.enqueue_dma source(%dma_start3A_539 : memref<8000xf32, #tpu.memory_space<hbm>>) target(%arg10 : memref<8000xf32, #tpu.memory_space<vmem>>) target_semaphore(%arg18 : memref<!tpu.dma_semaphore, #tpu.memory_space<semaphore_mem>>)
      %dma_start3A_540 = tpu.memref_slice %arg3[%mul3A_50] : memref<4000000xf32, #tpu.memory_space<hbm>> -> memref<8000xf32, #tpu.memory_space<hbm>>
      %dma_start3A_541 = tpu.memref_slice %arg3[%mul3A_50] : memref<4000000xf32, #tpu.memory_space<hbm>> -> memref<8000xf32, #tpu.memory_space<hbm>>
      tpu.enqueue_dma source(%dma_start3A_541 : memref<8000xf32, #tpu.memory_space<hbm>>) target(%arg11 : memref<8000xf32, #tpu.memory_space<vmem>>) target_semaphore(%arg18 : memref<!tpu.dma_semaphore, #tpu.memory_space<semaphore_mem>>)
      %dma_start3A_542 = tpu.memref_slice %arg4[%mul3A_50] : memref<4000000xf32, #tpu.memory_space<hbm>> -> memref<8000xf32, #tpu.memory_space<hbm>>
      %dma_start3A_543 = tpu.memref_slice %arg4[%mul3A_50] : memref<4000000xf32, #tpu.memory_space<hbm>> -> memref<8000xf32, #tpu.memory_space<hbm>>
      tpu.enqueue_dma source(%dma_start3A_543 : memref<8000xf32, #tpu.memory_space<hbm>>) target(%arg12 : memref<8000xf32, #tpu.memory_space<vmem>>) target_semaphore(%arg18 : memref<!tpu.dma_semaphore, #tpu.memory_space<semaphore_mem>>)
    } else {
    }
    %gt3A_364 = arith.constant 10 : i32
    %gt3A_365 = arith.cmpi sgt, %select_n3A, %gt3A_364 : i32
    %convert_element_type3A_366 = arith.extui %gt3A_365 : i1 to i32
    %cond3A_367 = arith.constant 0 : i32
    %cond3A_368 = arith.cmpi ne, %convert_element_type3A_366, %cond3A_367 : i32
    scf.if %cond3A_368 {
      %scan3A = arith.constant 0 : i32
      %scan3A_539 = arith.constant 0 : i32
      %scan3A_540 = arith.constant 500 : i32
      %scan3A_541 = arith.addi %scan3A_539, %scan3A_540 : i32
      %scan3A_542 = arith.constant 1 : i32
      scf.for %scan3A_544 = %scan3A_539 to %scan3A_541 step %scan3A_542  : i32 {
        %mul3A_545 = arith.constant 16 : i32
        %mul3A_546 = arith.muli %scan3A_544, %mul3A_545 : i32
        %get3A = arith.index_cast %mul3A_546 : i32 to index
        %get3A_547 = tpu.vector_load %arg7[%get3A] {strides = array<i32>} : memref<8000xf32, #tpu.memory_space<vmem>>, vector<16xf32>,
        %get3A_548 = arith.index_cast %mul3A_546 : i32 to index
        %get3A_549 = tpu.vector_load %arg8[%get3A_548] {strides = array<i32>} : memref<8000xf32, #tpu.memory_space<vmem>>, vector<16xf32>,
        %get3A_550 = arith.index_cast %mul3A_546 : i32 to index
        %get3A_551 = tpu.vector_load %arg9[%get3A_550] {strides = array<i32>} : memref<8000xf32, #tpu.memory_space<vmem>>, vector<16xf32>,
        %mul3A_552 = arith.constant 2.560000e+02 : f32
        %mul3A_553 = vector.broadcast %mul3A_552 : f32 to vector<16xf32>
        %mul3A_554 = arith.mulf %get3A_547, %mul3A_553 : vector<16xf32>
        %convert_element_type3A_555 = arith.fptosi %mul3A_554 : vector<16xf32> to vector<16xi32>
        %mul3A_556 = arith.constant 2.560000e+02 : f32
        %mul3A_557 = vector.broadcast %mul3A_556 : f32 to vector<16xf32>
        %mul3A_558 = arith.mulf %get3A_549, %mul3A_557 : vector<16xf32>
        %convert_element_type3A_559 = arith.fptosi %mul3A_558 : vector<16xf32> to vector<16xi32>
        %mul3A_560 = arith.constant 2.560000e+02 : f32
        %mul3A_561 = vector.broadcast %mul3A_560 : f32 to vector<16xf32>
        %mul3A_562 = arith.mulf %get3A_551, %mul3A_561 : vector<16xf32>
        %convert_element_type3A_563 = arith.fptosi %mul3A_562 : vector<16xf32> to vector<16xi32>
        %mul3A_564 = arith.constant 65536 : i32
        %mul3A_565 = vector.broadcast %mul3A_564 : i32 to vector<16xi32>
        %mul3A_566 = arith.muli %convert_element_type3A_555, %mul3A_565 : vector<16xi32>
        %mul3A_567 = arith.constant 256 : i32
        %mul3A_568 = vector.broadcast %mul3A_567 : i32 to vector<16xi32>
        %mul3A_569 = arith.muli %convert_element_type3A_559, %mul3A_568 : vector<16xi32>
        %add3A_570 = arith.addi %mul3A_566, %mul3A_569 : vector<16xi32>
        %add3A_571 = arith.addi %add3A_570, %convert_element_type3A_563 : vector<16xi32>
        %lt3A_572 = arith.constant 9.99999974E-6 : f32
        %lt3A_573 = vector.broadcast %lt3A_572 : f32 to vector<16xf32>
        %lt3A_574 = arith.cmpf olt, %get3A_547, %lt3A_573 : vector<16xf32>
        %ge3A = arith.constant 0.999989986 : f32
        %ge3A_575 = vector.broadcast %ge3A : f32 to vector<16xf32>
        %ge3A_576 = arith.cmpf oge, %get3A_547, %ge3A_575 : vector<16xf32>
        %or3A = arith.ori %lt3A_574, %ge3A_576 : vector<16xi1>
        %lt3A_577 = arith.constant 9.99999974E-6 : f32
        %lt3A_578 = vector.broadcast %lt3A_577 : f32 to vector<16xf32>
        %lt3A_579 = arith.cmpf olt, %get3A_549, %lt3A_578 : vector<16xf32>
        %or3A_580 = arith.ori %or3A, %lt3A_579 : vector<16xi1>
        %ge3A_581 = arith.constant 0.999989986 : f32
        %ge3A_582 = vector.broadcast %ge3A_581 : f32 to vector<16xf32>
        %ge3A_583 = arith.cmpf oge, %get3A_549, %ge3A_582 : vector<16xf32>
        %or3A_584 = arith.ori %or3A_580, %ge3A_583 : vector<16xi1>
        %lt3A_585 = arith.constant 9.99999974E-6 : f32
        %lt3A_586 = vector.broadcast %lt3A_585 : f32 to vector<16xf32>
        %lt3A_587 = arith.cmpf olt, %get3A_551, %lt3A_586 : vector<16xf32>
        %or3A_588 = arith.ori %or3A_584, %lt3A_587 : vector<16xi1>
        %ge3A_589 = arith.constant 0.999989986 : f32
        %ge3A_590 = vector.broadcast %ge3A_589 : f32 to vector<16xf32>
        %ge3A_591 = arith.cmpf oge, %get3A_551, %ge3A_590 : vector<16xf32>
        %or3A_592 = arith.ori %or3A_588, %ge3A_591 : vector<16xi1>
        %jit3A_593 = arith.constant 16777216 : i32
        %broadcast_in_dim3A = vector.broadcast %jit3A_593 : i32 to vector<16xi32>
        %select_n3A_594 = arith.select %or3A_592, %broadcast_in_dim3A, %add3A_571 : vector<16xi1>, vector<16xi32>
        %swap3A = arith.index_cast %mul3A_546 : i32 to index
        %swap3A_595 = tpu.vector_load %arg13[%swap3A] {strides = array<i32>} : memref<8000xi32, #tpu.memory_space<vmem>>, vector<16xi32>,
        tpu.vector_store %arg13[%swap3A], %select_n3A_594 {strides = array<i32>} : memref<8000xi32, #tpu.memory_space<vmem>>, vector<16xi32>,
      }
      %scan3A_543 = arith.constant 500 : i32
    } else {
    }
    %gt3A_369 = arith.constant 9 : i32
    %gt3A_370 = arith.cmpi sgt, %select_n3A, %gt3A_369 : i32
    %convert_element_type3A_371 = arith.extui %gt3A_370 : i1 to i32
    %cond3A_372 = arith.constant 0 : i32
    %cond3A_373 = arith.cmpi ne, %convert_element_type3A_371, %cond3A_372 : i32
    scf.if %cond3A_373 {
      %dma_wait3A = arith.constant 0 : i32
      %dma_wait3A_539 = tpu.memref_slice %arg5[%dma_wait3A] : memref<16777217xi32, #tpu.memory_space<hbm>> -> memref<16777217xi32, #tpu.memory_space<hbm>>
      tpu.wait_indirect_dma semaphore(%arg20 : memref<!tpu.dma_semaphore, #tpu.memory_space<semaphore_mem>>) src(%dma_wait3A_539 : memref<16777217xi32, #tpu.memory_space<hbm>>) dst(%arg16 : memref<8000xi32, #tpu.memory_space<vmem>>)
      %dma_start3A = tpu.memref_slice %arg6[%mul3A_42] : memref<4000000xi32, #tpu.memory_space<hbm>> -> memref<8000xi32, #tpu.memory_space<hbm>>
      %dma_start3A_540 = tpu.memref_slice %arg6[%mul3A_42] : memref<4000000xi32, #tpu.memory_space<hbm>> -> memref<8000xi32, #tpu.memory_space<hbm>>
      tpu.enqueue_dma source(%arg16 : memref<8000xi32, #tpu.memory_space<vmem>>) target(%dma_start3A_540 : memref<8000xi32, #tpu.memory_space<hbm>>) target_semaphore(%arg22 : memref<!tpu.dma_semaphore, #tpu.memory_space<semaphore_mem>>)
    } else {
    }
    %gt3A_374 = arith.constant 8 : i32
    %gt3A_375 = arith.cmpi sgt, %select_n3A, %gt3A_374 : i32
    %convert_element_type3A_376 = arith.extui %gt3A_375 : i1 to i32
    %cond3A_377 = arith.constant 0 : i32
    %cond3A_378 = arith.cmpi ne, %convert_element_type3A_376, %cond3A_377 : i32
    scf.if %cond3A_378 {
      %dma_wait3A = tpu.memref_slice %arg6[%mul3A_38] : memref<4000000xi32, #tpu.memory_space<hbm>> -> memref<8000xi32, #tpu.memory_space<hbm>>
      %dma_wait3A_539 = tpu.memref_slice %arg6[%mul3A_38] : memref<4000000xi32, #tpu.memory_space<hbm>> -> memref<8000xi32, #tpu.memory_space<hbm>>
      tpu.wait_dma2 semaphore(%arg21 : memref<!tpu.dma_semaphore, #tpu.memory_space<semaphore_mem>>) src(%arg15 : memref<8000xi32, #tpu.memory_space<vmem>>) dst(%dma_wait3A_539 : memref<8000xi32, #tpu.memory_space<hbm>>)
    } else {
    }
    %gt3A_379 = arith.constant 10 : i32
    %gt3A_380 = arith.cmpi sgt, %select_n3A, %gt3A_379 : i32
    %convert_element_type3A_381 = arith.extui %gt3A_380 : i1 to i32
    %cond3A_382 = arith.constant 0 : i32
    %cond3A_383 = arith.cmpi ne, %convert_element_type3A_381, %cond3A_382 : i32
    scf.if %cond3A_383 {
      %dma_start3A = arith.constant 0 : i32
      %dma_start3A_539 = tpu.memref_slice %arg5[%dma_start3A] : memref<16777217xi32, #tpu.memory_space<hbm>> -> memref<16777217xi32, #tpu.memory_space<hbm>>
      tpu.enqueue_indirect_dma source(%dma_start3A_539 : memref<16777217xi32, #tpu.memory_space<hbm>>) target(%arg15 : memref<8000xi32, #tpu.memory_space<vmem>>) offsets(%arg13 : memref<8000xi32, #tpu.memory_space<vmem>>) semaphore(%arg19 : memref<!tpu.dma_semaphore, #tpu.memory_space<semaphore_mem>>)
    } else {
    }
    %gt3A_384 = arith.constant 11 : i32
    %gt3A_385 = arith.cmpi sgt, %select_n3A, %gt3A_384 : i32
    %convert_element_type3A_386 = arith.extui %gt3A_385 : i1 to i32
    %cond3A_387 = arith.constant 0 : i32
    %cond3A_388 = arith.cmpi ne, %convert_element_type3A_386, %cond3A_387 : i32
    scf.if %cond3A_388 {
      %dma_wait3A = tpu.memref_slice %arg2[%mul3A_50] : memref<4000000xf32, #tpu.memory_space<hbm>> -> memref<8000xf32, #tpu.memory_space<hbm>>
      %dma_wait3A_539 = tpu.memref_slice %arg2[%mul3A_50] : memref<4000000xf32, #tpu.memory_space<hbm>> -> memref<8000xf32, #tpu.memory_space<hbm>>
      tpu.wait_dma2 semaphore(%arg18 : memref<!tpu.dma_semaphore, #tpu.memory_space<semaphore_mem>>) src(%dma_wait3A_539 : memref<8000xf32, #tpu.memory_space<hbm>>) dst(%arg10 : memref<8000xf32, #tpu.memory_space<vmem>>)
      %dma_wait3A_540 = tpu.memref_slice %arg3[%mul3A_50] : memref<4000000xf32, #tpu.memory_space<hbm>> -> memref<8000xf32, #tpu.memory_space<hbm>>
      %dma_wait3A_541 = tpu.memref_slice %arg3[%mul3A_50] : memref<4000000xf32, #tpu.memory_space<hbm>> -> memref<8000xf32, #tpu.memory_space<hbm>>
      tpu.wait_dma2 semaphore(%arg18 : memref<!tpu.dma_semaphore, #tpu.memory_space<semaphore_mem>>) src(%dma_wait3A_541 : memref<8000xf32, #tpu.memory_space<hbm>>) dst(%arg11 : memref<8000xf32, #tpu.memory_space<vmem>>)
      %dma_wait3A_542 = tpu.memref_slice %arg4[%mul3A_50] : memref<4000000xf32, #tpu.memory_space<hbm>> -> memref<8000xf32, #tpu.memory_space<hbm>>
      %dma_wait3A_543 = tpu.memref_slice %arg4[%mul3A_50] : memref<4000000xf32, #tpu.memory_space<hbm>> -> memref<8000xf32, #tpu.memory_space<hbm>>
      tpu.wait_dma2 semaphore(%arg18 : memref<!tpu.dma_semaphore, #tpu.memory_space<semaphore_mem>>) src(%dma_wait3A_543 : memref<8000xf32, #tpu.memory_space<hbm>>) dst(%arg12 : memref<8000xf32, #tpu.memory_space<vmem>>)
    } else {
    }
    %gt3A_389 = arith.constant 12 : i32
    %gt3A_390 = arith.cmpi sgt, %select_n3A, %gt3A_389 : i32
    %convert_element_type3A_391 = arith.extui %gt3A_390 : i1 to i32
    %cond3A_392 = arith.constant 0 : i32
    %cond3A_393 = arith.cmpi ne, %convert_element_type3A_391, %cond3A_392 : i32
    scf.if %cond3A_393 {
      %dma_start3A = tpu.memref_slice %arg2[%mul3A_54] : memref<4000000xf32, #tpu.memory_space<hbm>> -> memref<8000xf32, #tpu.memory_space<hbm>>
      %dma_start3A_539 = tpu.memref_slice %arg2[%mul3A_54] : memref<4000000xf32, #tpu.memory_space<hbm>> -> memref<8000xf32, #tpu.memory_space<hbm>>
      tpu.enqueue_dma source(%dma_start3A_539 : memref<8000xf32, #tpu.memory_space<hbm>>) target(%arg7 : memref<8000xf32, #tpu.memory_space<vmem>>) target_semaphore(%arg17 : memref<!tpu.dma_semaphore, #tpu.memory_space<semaphore_mem>>)
      %dma_start3A_540 = tpu.memref_slice %arg3[%mul3A_54] : memref<4000000xf32, #tpu.memory_space<hbm>> -> memref<8000xf32, #tpu.memory_space<hbm>>
      %dma_start3A_541 = tpu.memref_slice %arg3[%mul3A_54] : memref<4000000xf32, #tpu.memory_space<hbm>> -> memref<8000xf32, #tpu.memory_space<hbm>>
      tpu.enqueue_dma source(%dma_start3A_541 : memref<8000xf32, #tpu.memory_space<hbm>>) target(%arg8 : memref<8000xf32, #tpu.memory_space<vmem>>) target_semaphore(%arg17 : memref<!tpu.dma_semaphore, #tpu.memory_space<semaphore_mem>>)
      %dma_start3A_542 = tpu.memref_slice %arg4[%mul3A_54] : memref<4000000xf32, #tpu.memory_space<hbm>> -> memref<8000xf32, #tpu.memory_space<hbm>>
      %dma_start3A_543 = tpu.memref_slice %arg4[%mul3A_54] : memref<4000000xf32, #tpu.memory_space<hbm>> -> memref<8000xf32, #tpu.memory_space<hbm>>
      tpu.enqueue_dma source(%dma_start3A_543 : memref<8000xf32, #tpu.memory_space<hbm>>) target(%arg9 : memref<8000xf32, #tpu.memory_space<vmem>>) target_semaphore(%arg17 : memref<!tpu.dma_semaphore, #tpu.memory_space<semaphore_mem>>)
    } else {
    }
    %gt3A_394 = arith.constant 11 : i32
    %gt3A_395 = arith.cmpi sgt, %select_n3A, %gt3A_394 : i32
    %convert_element_type3A_396 = arith.extui %gt3A_395 : i1 to i32
    %cond3A_397 = arith.constant 0 : i32
    %cond3A_398 = arith.cmpi ne, %convert_element_type3A_396, %cond3A_397 : i32
    scf.if %cond3A_398 {
      %scan3A = arith.constant 0 : i32
      %scan3A_539 = arith.constant 0 : i32
      %scan3A_540 = arith.constant 500 : i32
      %scan3A_541 = arith.addi %scan3A_539, %scan3A_540 : i32
      %scan3A_542 = arith.constant 1 : i32
      scf.for %scan3A_544 = %scan3A_539 to %scan3A_541 step %scan3A_542  : i32 {
        %mul3A_545 = arith.constant 16 : i32
        %mul3A_546 = arith.muli %scan3A_544, %mul3A_545 : i32
        %get3A = arith.index_cast %mul3A_546 : i32 to index
        %get3A_547 = tpu.vector_load %arg10[%get3A] {strides = array<i32>} : memref<8000xf32, #tpu.memory_space<vmem>>, vector<16xf32>,
        %get3A_548 = arith.index_cast %mul3A_546 : i32 to index
        %get3A_549 = tpu.vector_load %arg11[%get3A_548] {strides = array<i32>} : memref<8000xf32, #tpu.memory_space<vmem>>, vector<16xf32>,
        %get3A_550 = arith.index_cast %mul3A_546 : i32 to index
        %get3A_551 = tpu.vector_load %arg12[%get3A_550] {strides = array<i32>} : memref<8000xf32, #tpu.memory_space<vmem>>, vector<16xf32>,
        %mul3A_552 = arith.constant 2.560000e+02 : f32
        %mul3A_553 = vector.broadcast %mul3A_552 : f32 to vector<16xf32>
        %mul3A_554 = arith.mulf %get3A_547, %mul3A_553 : vector<16xf32>
        %convert_element_type3A_555 = arith.fptosi %mul3A_554 : vector<16xf32> to vector<16xi32>
        %mul3A_556 = arith.constant 2.560000e+02 : f32
        %mul3A_557 = vector.broadcast %mul3A_556 : f32 to vector<16xf32>
        %mul3A_558 = arith.mulf %get3A_549, %mul3A_557 : vector<16xf32>
        %convert_element_type3A_559 = arith.fptosi %mul3A_558 : vector<16xf32> to vector<16xi32>
        %mul3A_560 = arith.constant 2.560000e+02 : f32
        %mul3A_561 = vector.broadcast %mul3A_560 : f32 to vector<16xf32>
        %mul3A_562 = arith.mulf %get3A_551, %mul3A_561 : vector<16xf32>
        %convert_element_type3A_563 = arith.fptosi %mul3A_562 : vector<16xf32> to vector<16xi32>
        %mul3A_564 = arith.constant 65536 : i32
        %mul3A_565 = vector.broadcast %mul3A_564 : i32 to vector<16xi32>
        %mul3A_566 = arith.muli %convert_element_type3A_555, %mul3A_565 : vector<16xi32>
        %mul3A_567 = arith.constant 256 : i32
        %mul3A_568 = vector.broadcast %mul3A_567 : i32 to vector<16xi32>
        %mul3A_569 = arith.muli %convert_element_type3A_559, %mul3A_568 : vector<16xi32>
        %add3A_570 = arith.addi %mul3A_566, %mul3A_569 : vector<16xi32>
        %add3A_571 = arith.addi %add3A_570, %convert_element_type3A_563 : vector<16xi32>
        %lt3A_572 = arith.constant 9.99999974E-6 : f32
        %lt3A_573 = vector.broadcast %lt3A_572 : f32 to vector<16xf32>
        %lt3A_574 = arith.cmpf olt, %get3A_547, %lt3A_573 : vector<16xf32>
        %ge3A = arith.constant 0.999989986 : f32
        %ge3A_575 = vector.broadcast %ge3A : f32 to vector<16xf32>
        %ge3A_576 = arith.cmpf oge, %get3A_547, %ge3A_575 : vector<16xf32>
        %or3A = arith.ori %lt3A_574, %ge3A_576 : vector<16xi1>
        %lt3A_577 = arith.constant 9.99999974E-6 : f32
        %lt3A_578 = vector.broadcast %lt3A_577 : f32 to vector<16xf32>
        %lt3A_579 = arith.cmpf olt, %get3A_549, %lt3A_578 : vector<16xf32>
        %or3A_580 = arith.ori %or3A, %lt3A_579 : vector<16xi1>
        %ge3A_581 = arith.constant 0.999989986 : f32
        %ge3A_582 = vector.broadcast %ge3A_581 : f32 to vector<16xf32>
        %ge3A_583 = arith.cmpf oge, %get3A_549, %ge3A_582 : vector<16xf32>
        %or3A_584 = arith.ori %or3A_580, %ge3A_583 : vector<16xi1>
        %lt3A_585 = arith.constant 9.99999974E-6 : f32
        %lt3A_586 = vector.broadcast %lt3A_585 : f32 to vector<16xf32>
        %lt3A_587 = arith.cmpf olt, %get3A_551, %lt3A_586 : vector<16xf32>
        %or3A_588 = arith.ori %or3A_584, %lt3A_587 : vector<16xi1>
        %ge3A_589 = arith.constant 0.999989986 : f32
        %ge3A_590 = vector.broadcast %ge3A_589 : f32 to vector<16xf32>
        %ge3A_591 = arith.cmpf oge, %get3A_551, %ge3A_590 : vector<16xf32>
        %or3A_592 = arith.ori %or3A_588, %ge3A_591 : vector<16xi1>
        %jit3A_593 = arith.constant 16777216 : i32
        %broadcast_in_dim3A = vector.broadcast %jit3A_593 : i32 to vector<16xi32>
        %select_n3A_594 = arith.select %or3A_592, %broadcast_in_dim3A, %add3A_571 : vector<16xi1>, vector<16xi32>
        %swap3A = arith.index_cast %mul3A_546 : i32 to index
        %swap3A_595 = tpu.vector_load %arg14[%swap3A] {strides = array<i32>} : memref<8000xi32, #tpu.memory_space<vmem>>, vector<16xi32>,
        tpu.vector_store %arg14[%swap3A], %select_n3A_594 {strides = array<i32>} : memref<8000xi32, #tpu.memory_space<vmem>>, vector<16xi32>,
      }
      %scan3A_543 = arith.constant 500 : i32
    } else {
    }
    %gt3A_399 = arith.constant 10 : i32
    %gt3A_400 = arith.cmpi sgt, %select_n3A, %gt3A_399 : i32
    %convert_element_type3A_401 = arith.extui %gt3A_400 : i1 to i32
    %cond3A_402 = arith.constant 0 : i32
    %cond3A_403 = arith.cmpi ne, %convert_element_type3A_401, %cond3A_402 : i32
    scf.if %cond3A_403 {
      %dma_wait3A = arith.constant 0 : i32
      %dma_wait3A_539 = tpu.memref_slice %arg5[%dma_wait3A] : memref<16777217xi32, #tpu.memory_space<hbm>> -> memref<16777217xi32, #tpu.memory_space<hbm>>
      tpu.wait_indirect_dma semaphore(%arg19 : memref<!tpu.dma_semaphore, #tpu.memory_space<semaphore_mem>>) src(%dma_wait3A_539 : memref<16777217xi32, #tpu.memory_space<hbm>>) dst(%arg15 : memref<8000xi32, #tpu.memory_space<vmem>>)
      %dma_start3A = tpu.memref_slice %arg6[%mul3A_46] : memref<4000000xi32, #tpu.memory_space<hbm>> -> memref<8000xi32, #tpu.memory_space<hbm>>
      %dma_start3A_540 = tpu.memref_slice %arg6[%mul3A_46] : memref<4000000xi32, #tpu.memory_space<hbm>> -> memref<8000xi32, #tpu.memory_space<hbm>>
      tpu.enqueue_dma source(%arg15 : memref<8000xi32, #tpu.memory_space<vmem>>) target(%dma_start3A_540 : memref<8000xi32, #tpu.memory_space<hbm>>) target_semaphore(%arg21 : memref<!tpu.dma_semaphore, #tpu.memory_space<semaphore_mem>>)
    } else {
    }
    %gt3A_404 = arith.constant 9 : i32
    %gt3A_405 = arith.cmpi sgt, %select_n3A, %gt3A_404 : i32
    %convert_element_type3A_406 = arith.extui %gt3A_405 : i1 to i32
    %cond3A_407 = arith.constant 0 : i32
    %cond3A_408 = arith.cmpi ne, %convert_element_type3A_406, %cond3A_407 : i32
    scf.if %cond3A_408 {
      %dma_wait3A = tpu.memref_slice %arg6[%mul3A_42] : memref<4000000xi32, #tpu.memory_space<hbm>> -> memref<8000xi32, #tpu.memory_space<hbm>>
      %dma_wait3A_539 = tpu.memref_slice %arg6[%mul3A_42] : memref<4000000xi32, #tpu.memory_space<hbm>> -> memref<8000xi32, #tpu.memory_space<hbm>>
      tpu.wait_dma2 semaphore(%arg22 : memref<!tpu.dma_semaphore, #tpu.memory_space<semaphore_mem>>) src(%arg16 : memref<8000xi32, #tpu.memory_space<vmem>>) dst(%dma_wait3A_539 : memref<8000xi32, #tpu.memory_space<hbm>>)
    } else {
    }
    %gt3A_409 = arith.constant 11 : i32
    %gt3A_410 = arith.cmpi sgt, %select_n3A, %gt3A_409 : i32
    %convert_element_type3A_411 = arith.extui %gt3A_410 : i1 to i32
    %cond3A_412 = arith.constant 0 : i32
    %cond3A_413 = arith.cmpi ne, %convert_element_type3A_411, %cond3A_412 : i32
    scf.if %cond3A_413 {
      %dma_start3A = arith.constant 0 : i32
      %dma_start3A_539 = tpu.memref_slice %arg5[%dma_start3A] : memref<16777217xi32, #tpu.memory_space<hbm>> -> memref<16777217xi32, #tpu.memory_space<hbm>>
      tpu.enqueue_indirect_dma source(%dma_start3A_539 : memref<16777217xi32, #tpu.memory_space<hbm>>) target(%arg16 : memref<8000xi32, #tpu.memory_space<vmem>>) offsets(%arg14 : memref<8000xi32, #tpu.memory_space<vmem>>) semaphore(%arg20 : memref<!tpu.dma_semaphore, #tpu.memory_space<semaphore_mem>>)
    } else {
    }
    %gt3A_414 = arith.constant 12 : i32
    %gt3A_415 = arith.cmpi sgt, %select_n3A, %gt3A_414 : i32
    %convert_element_type3A_416 = arith.extui %gt3A_415 : i1 to i32
    %cond3A_417 = arith.constant 0 : i32
    %cond3A_418 = arith.cmpi ne, %convert_element_type3A_416, %cond3A_417 : i32
    scf.if %cond3A_418 {
      %dma_wait3A = tpu.memref_slice %arg2[%mul3A_54] : memref<4000000xf32, #tpu.memory_space<hbm>> -> memref<8000xf32, #tpu.memory_space<hbm>>
      %dma_wait3A_539 = tpu.memref_slice %arg2[%mul3A_54] : memref<4000000xf32, #tpu.memory_space<hbm>> -> memref<8000xf32, #tpu.memory_space<hbm>>
      tpu.wait_dma2 semaphore(%arg17 : memref<!tpu.dma_semaphore, #tpu.memory_space<semaphore_mem>>) src(%dma_wait3A_539 : memref<8000xf32, #tpu.memory_space<hbm>>) dst(%arg7 : memref<8000xf32, #tpu.memory_space<vmem>>)
      %dma_wait3A_540 = tpu.memref_slice %arg3[%mul3A_54] : memref<4000000xf32, #tpu.memory_space<hbm>> -> memref<8000xf32, #tpu.memory_space<hbm>>
      %dma_wait3A_541 = tpu.memref_slice %arg3[%mul3A_54] : memref<4000000xf32, #tpu.memory_space<hbm>> -> memref<8000xf32, #tpu.memory_space<hbm>>
      tpu.wait_dma2 semaphore(%arg17 : memref<!tpu.dma_semaphore, #tpu.memory_space<semaphore_mem>>) src(%dma_wait3A_541 : memref<8000xf32, #tpu.memory_space<hbm>>) dst(%arg8 : memref<8000xf32, #tpu.memory_space<vmem>>)
      %dma_wait3A_542 = tpu.memref_slice %arg4[%mul3A_54] : memref<4000000xf32, #tpu.memory_space<hbm>> -> memref<8000xf32, #tpu.memory_space<hbm>>
      %dma_wait3A_543 = tpu.memref_slice %arg4[%mul3A_54] : memref<4000000xf32, #tpu.memory_space<hbm>> -> memref<8000xf32, #tpu.memory_space<hbm>>
      tpu.wait_dma2 semaphore(%arg17 : memref<!tpu.dma_semaphore, #tpu.memory_space<semaphore_mem>>) src(%dma_wait3A_543 : memref<8000xf32, #tpu.memory_space<hbm>>) dst(%arg9 : memref<8000xf32, #tpu.memory_space<vmem>>)
    } else {
    }
    %gt3A_419 = arith.constant 13 : i32
    %gt3A_420 = arith.cmpi sgt, %select_n3A, %gt3A_419 : i32
    %convert_element_type3A_421 = arith.extui %gt3A_420 : i1 to i32
    %cond3A_422 = arith.constant 0 : i32
    %cond3A_423 = arith.cmpi ne, %convert_element_type3A_421, %cond3A_422 : i32
    scf.if %cond3A_423 {
      %dma_start3A = tpu.memref_slice %arg2[%mul3A_58] : memref<4000000xf32, #tpu.memory_space<hbm>> -> memref<8000xf32, #tpu.memory_space<hbm>>
      %dma_start3A_539 = tpu.memref_slice %arg2[%mul3A_58] : memref<4000000xf32, #tpu.memory_space<hbm>> -> memref<8000xf32, #tpu.memory_space<hbm>>
      tpu.enqueue_dma source(%dma_start3A_539 : memref<8000xf32, #tpu.memory_space<hbm>>) target(%arg10 : memref<8000xf32, #tpu.memory_space<vmem>>) target_semaphore(%arg18 : memref<!tpu.dma_semaphore, #tpu.memory_space<semaphore_mem>>)
      %dma_start3A_540 = tpu.memref_slice %arg3[%mul3A_58] : memref<4000000xf32, #tpu.memory_space<hbm>> -> memref<8000xf32, #tpu.memory_space<hbm>>
      %dma_start3A_541 = tpu.memref_slice %arg3[%mul3A_58] : memref<4000000xf32, #tpu.memory_space<hbm>> -> memref<8000xf32, #tpu.memory_space<hbm>>
      tpu.enqueue_dma source(%dma_start3A_541 : memref<8000xf32, #tpu.memory_space<hbm>>) target(%arg11 : memref<8000xf32, #tpu.memory_space<vmem>>) target_semaphore(%arg18 : memref<!tpu.dma_semaphore, #tpu.memory_space<semaphore_mem>>)
      %dma_start3A_542 = tpu.memref_slice %arg4[%mul3A_58] : memref<4000000xf32, #tpu.memory_space<hbm>> -> memref<8000xf32, #tpu.memory_space<hbm>>
      %dma_start3A_543 = tpu.memref_slice %arg4[%mul3A_58] : memref<4000000xf32, #tpu.memory_space<hbm>> -> memref<8000xf32, #tpu.memory_space<hbm>>
      tpu.enqueue_dma source(%dma_start3A_543 : memref<8000xf32, #tpu.memory_space<hbm>>) target(%arg12 : memref<8000xf32, #tpu.memory_space<vmem>>) target_semaphore(%arg18 : memref<!tpu.dma_semaphore, #tpu.memory_space<semaphore_mem>>)
    } else {
    }
    %gt3A_424 = arith.constant 12 : i32
    %gt3A_425 = arith.cmpi sgt, %select_n3A, %gt3A_424 : i32
    %convert_element_type3A_426 = arith.extui %gt3A_425 : i1 to i32
    %cond3A_427 = arith.constant 0 : i32
    %cond3A_428 = arith.cmpi ne, %convert_element_type3A_426, %cond3A_427 : i32
    scf.if %cond3A_428 {
      %scan3A = arith.constant 0 : i32
      %scan3A_539 = arith.constant 0 : i32
      %scan3A_540 = arith.constant 500 : i32
      %scan3A_541 = arith.addi %scan3A_539, %scan3A_540 : i32
      %scan3A_542 = arith.constant 1 : i32
      scf.for %scan3A_544 = %scan3A_539 to %scan3A_541 step %scan3A_542  : i32 {
        %mul3A_545 = arith.constant 16 : i32
        %mul3A_546 = arith.muli %scan3A_544, %mul3A_545 : i32
        %get3A = arith.index_cast %mul3A_546 : i32 to index
        %get3A_547 = tpu.vector_load %arg7[%get3A] {strides = array<i32>} : memref<8000xf32, #tpu.memory_space<vmem>>, vector<16xf32>,
        %get3A_548 = arith.index_cast %mul3A_546 : i32 to index
        %get3A_549 = tpu.vector_load %arg8[%get3A_548] {strides = array<i32>} : memref<8000xf32, #tpu.memory_space<vmem>>, vector<16xf32>,
        %get3A_550 = arith.index_cast %mul3A_546 : i32 to index
        %get3A_551 = tpu.vector_load %arg9[%get3A_550] {strides = array<i32>} : memref<8000xf32, #tpu.memory_space<vmem>>, vector<16xf32>,
        %mul3A_552 = arith.constant 2.560000e+02 : f32
        %mul3A_553 = vector.broadcast %mul3A_552 : f32 to vector<16xf32>
        %mul3A_554 = arith.mulf %get3A_547, %mul3A_553 : vector<16xf32>
        %convert_element_type3A_555 = arith.fptosi %mul3A_554 : vector<16xf32> to vector<16xi32>
        %mul3A_556 = arith.constant 2.560000e+02 : f32
        %mul3A_557 = vector.broadcast %mul3A_556 : f32 to vector<16xf32>
        %mul3A_558 = arith.mulf %get3A_549, %mul3A_557 : vector<16xf32>
        %convert_element_type3A_559 = arith.fptosi %mul3A_558 : vector<16xf32> to vector<16xi32>
        %mul3A_560 = arith.constant 2.560000e+02 : f32
        %mul3A_561 = vector.broadcast %mul3A_560 : f32 to vector<16xf32>
        %mul3A_562 = arith.mulf %get3A_551, %mul3A_561 : vector<16xf32>
        %convert_element_type3A_563 = arith.fptosi %mul3A_562 : vector<16xf32> to vector<16xi32>
        %mul3A_564 = arith.constant 65536 : i32
        %mul3A_565 = vector.broadcast %mul3A_564 : i32 to vector<16xi32>
        %mul3A_566 = arith.muli %convert_element_type3A_555, %mul3A_565 : vector<16xi32>
        %mul3A_567 = arith.constant 256 : i32
        %mul3A_568 = vector.broadcast %mul3A_567 : i32 to vector<16xi32>
        %mul3A_569 = arith.muli %convert_element_type3A_559, %mul3A_568 : vector<16xi32>
        %add3A_570 = arith.addi %mul3A_566, %mul3A_569 : vector<16xi32>
        %add3A_571 = arith.addi %add3A_570, %convert_element_type3A_563 : vector<16xi32>
        %lt3A_572 = arith.constant 9.99999974E-6 : f32
        %lt3A_573 = vector.broadcast %lt3A_572 : f32 to vector<16xf32>
        %lt3A_574 = arith.cmpf olt, %get3A_547, %lt3A_573 : vector<16xf32>
        %ge3A = arith.constant 0.999989986 : f32
        %ge3A_575 = vector.broadcast %ge3A : f32 to vector<16xf32>
        %ge3A_576 = arith.cmpf oge, %get3A_547, %ge3A_575 : vector<16xf32>
        %or3A = arith.ori %lt3A_574, %ge3A_576 : vector<16xi1>
        %lt3A_577 = arith.constant 9.99999974E-6 : f32
        %lt3A_578 = vector.broadcast %lt3A_577 : f32 to vector<16xf32>
        %lt3A_579 = arith.cmpf olt, %get3A_549, %lt3A_578 : vector<16xf32>
        %or3A_580 = arith.ori %or3A, %lt3A_579 : vector<16xi1>
        %ge3A_581 = arith.constant 0.999989986 : f32
        %ge3A_582 = vector.broadcast %ge3A_581 : f32 to vector<16xf32>
        %ge3A_583 = arith.cmpf oge, %get3A_549, %ge3A_582 : vector<16xf32>
        %or3A_584 = arith.ori %or3A_580, %ge3A_583 : vector<16xi1>
        %lt3A_585 = arith.constant 9.99999974E-6 : f32
        %lt3A_586 = vector.broadcast %lt3A_585 : f32 to vector<16xf32>
        %lt3A_587 = arith.cmpf olt, %get3A_551, %lt3A_586 : vector<16xf32>
        %or3A_588 = arith.ori %or3A_584, %lt3A_587 : vector<16xi1>
        %ge3A_589 = arith.constant 0.999989986 : f32
        %ge3A_590 = vector.broadcast %ge3A_589 : f32 to vector<16xf32>
        %ge3A_591 = arith.cmpf oge, %get3A_551, %ge3A_590 : vector<16xf32>
        %or3A_592 = arith.ori %or3A_588, %ge3A_591 : vector<16xi1>
        %jit3A_593 = arith.constant 16777216 : i32
        %broadcast_in_dim3A = vector.broadcast %jit3A_593 : i32 to vector<16xi32>
        %select_n3A_594 = arith.select %or3A_592, %broadcast_in_dim3A, %add3A_571 : vector<16xi1>, vector<16xi32>
        %swap3A = arith.index_cast %mul3A_546 : i32 to index
        %swap3A_595 = tpu.vector_load %arg13[%swap3A] {strides = array<i32>} : memref<8000xi32, #tpu.memory_space<vmem>>, vector<16xi32>,
        tpu.vector_store %arg13[%swap3A], %select_n3A_594 {strides = array<i32>} : memref<8000xi32, #tpu.memory_space<vmem>>, vector<16xi32>,
      }
      %scan3A_543 = arith.constant 500 : i32
    } else {
    }
    %gt3A_429 = arith.constant 11 : i32
    %gt3A_430 = arith.cmpi sgt, %select_n3A, %gt3A_429 : i32
    %convert_element_type3A_431 = arith.extui %gt3A_430 : i1 to i32
    %cond3A_432 = arith.constant 0 : i32
    %cond3A_433 = arith.cmpi ne, %convert_element_type3A_431, %cond3A_432 : i32
    scf.if %cond3A_433 {
      %dma_wait3A = arith.constant 0 : i32
      %dma_wait3A_539 = tpu.memref_slice %arg5[%dma_wait3A] : memref<16777217xi32, #tpu.memory_space<hbm>> -> memref<16777217xi32, #tpu.memory_space<hbm>>
      tpu.wait_indirect_dma semaphore(%arg20 : memref<!tpu.dma_semaphore, #tpu.memory_space<semaphore_mem>>) src(%dma_wait3A_539 : memref<16777217xi32, #tpu.memory_space<hbm>>) dst(%arg16 : memref<8000xi32, #tpu.memory_space<vmem>>)
      %dma_start3A = tpu.memref_slice %arg6[%mul3A_50] : memref<4000000xi32, #tpu.memory_space<hbm>> -> memref<8000xi32, #tpu.memory_space<hbm>>
      %dma_start3A_540 = tpu.memref_slice %arg6[%mul3A_50] : memref<4000000xi32, #tpu.memory_space<hbm>> -> memref<8000xi32, #tpu.memory_space<hbm>>
      tpu.enqueue_dma source(%arg16 : memref<8000xi32, #tpu.memory_space<vmem>>) target(%dma_start3A_540 : memref<8000xi32, #tpu.memory_space<hbm>>) target_semaphore(%arg22 : memref<!tpu.dma_semaphore, #tpu.memory_space<semaphore_mem>>)
    } else {
    }
    %gt3A_434 = arith.constant 10 : i32
    %gt3A_435 = arith.cmpi sgt, %select_n3A, %gt3A_434 : i32
    %convert_element_type3A_436 = arith.extui %gt3A_435 : i1 to i32
    %cond3A_437 = arith.constant 0 : i32
    %cond3A_438 = arith.cmpi ne, %convert_element_type3A_436, %cond3A_437 : i32
    scf.if %cond3A_438 {
      %dma_wait3A = tpu.memref_slice %arg6[%mul3A_46] : memref<4000000xi32, #tpu.memory_space<hbm>> -> memref<8000xi32, #tpu.memory_space<hbm>>
      %dma_wait3A_539 = tpu.memref_slice %arg6[%mul3A_46] : memref<4000000xi32, #tpu.memory_space<hbm>> -> memref<8000xi32, #tpu.memory_space<hbm>>
      tpu.wait_dma2 semaphore(%arg21 : memref<!tpu.dma_semaphore, #tpu.memory_space<semaphore_mem>>) src(%arg15 : memref<8000xi32, #tpu.memory_space<vmem>>) dst(%dma_wait3A_539 : memref<8000xi32, #tpu.memory_space<hbm>>)
    } else {
    }
    %gt3A_439 = arith.constant 12 : i32
    %gt3A_440 = arith.cmpi sgt, %select_n3A, %gt3A_439 : i32
    %convert_element_type3A_441 = arith.extui %gt3A_440 : i1 to i32
    %cond3A_442 = arith.constant 0 : i32
    %cond3A_443 = arith.cmpi ne, %convert_element_type3A_441, %cond3A_442 : i32
    scf.if %cond3A_443 {
      %dma_start3A = arith.constant 0 : i32
      %dma_start3A_539 = tpu.memref_slice %arg5[%dma_start3A] : memref<16777217xi32, #tpu.memory_space<hbm>> -> memref<16777217xi32, #tpu.memory_space<hbm>>
      tpu.enqueue_indirect_dma source(%dma_start3A_539 : memref<16777217xi32, #tpu.memory_space<hbm>>) target(%arg15 : memref<8000xi32, #tpu.memory_space<vmem>>) offsets(%arg13 : memref<8000xi32, #tpu.memory_space<vmem>>) semaphore(%arg19 : memref<!tpu.dma_semaphore, #tpu.memory_space<semaphore_mem>>)
    } else {
    }
    %gt3A_444 = arith.constant 13 : i32
    %gt3A_445 = arith.cmpi sgt, %select_n3A, %gt3A_444 : i32
    %convert_element_type3A_446 = arith.extui %gt3A_445 : i1 to i32
    %cond3A_447 = arith.constant 0 : i32
    %cond3A_448 = arith.cmpi ne, %convert_element_type3A_446, %cond3A_447 : i32
    scf.if %cond3A_448 {
      %dma_wait3A = tpu.memref_slice %arg2[%mul3A_58] : memref<4000000xf32, #tpu.memory_space<hbm>> -> memref<8000xf32, #tpu.memory_space<hbm>>
      %dma_wait3A_539 = tpu.memref_slice %arg2[%mul3A_58] : memref<4000000xf32, #tpu.memory_space<hbm>> -> memref<8000xf32, #tpu.memory_space<hbm>>
      tpu.wait_dma2 semaphore(%arg18 : memref<!tpu.dma_semaphore, #tpu.memory_space<semaphore_mem>>) src(%dma_wait3A_539 : memref<8000xf32, #tpu.memory_space<hbm>>) dst(%arg10 : memref<8000xf32, #tpu.memory_space<vmem>>)
      %dma_wait3A_540 = tpu.memref_slice %arg3[%mul3A_58] : memref<4000000xf32, #tpu.memory_space<hbm>> -> memref<8000xf32, #tpu.memory_space<hbm>>
      %dma_wait3A_541 = tpu.memref_slice %arg3[%mul3A_58] : memref<4000000xf32, #tpu.memory_space<hbm>> -> memref<8000xf32, #tpu.memory_space<hbm>>
      tpu.wait_dma2 semaphore(%arg18 : memref<!tpu.dma_semaphore, #tpu.memory_space<semaphore_mem>>) src(%dma_wait3A_541 : memref<8000xf32, #tpu.memory_space<hbm>>) dst(%arg11 : memref<8000xf32, #tpu.memory_space<vmem>>)
      %dma_wait3A_542 = tpu.memref_slice %arg4[%mul3A_58] : memref<4000000xf32, #tpu.memory_space<hbm>> -> memref<8000xf32, #tpu.memory_space<hbm>>
      %dma_wait3A_543 = tpu.memref_slice %arg4[%mul3A_58] : memref<4000000xf32, #tpu.memory_space<hbm>> -> memref<8000xf32, #tpu.memory_space<hbm>>
      tpu.wait_dma2 semaphore(%arg18 : memref<!tpu.dma_semaphore, #tpu.memory_space<semaphore_mem>>) src(%dma_wait3A_543 : memref<8000xf32, #tpu.memory_space<hbm>>) dst(%arg12 : memref<8000xf32, #tpu.memory_space<vmem>>)
    } else {
    }
    %gt3A_449 = arith.constant 14 : i32
    %gt3A_450 = arith.cmpi sgt, %select_n3A, %gt3A_449 : i32
    %convert_element_type3A_451 = arith.extui %gt3A_450 : i1 to i32
    %cond3A_452 = arith.constant 0 : i32
    %cond3A_453 = arith.cmpi ne, %convert_element_type3A_451, %cond3A_452 : i32
    scf.if %cond3A_453 {
      %dma_start3A = tpu.memref_slice %arg2[%mul3A_62] : memref<4000000xf32, #tpu.memory_space<hbm>> -> memref<8000xf32, #tpu.memory_space<hbm>>
      %dma_start3A_539 = tpu.memref_slice %arg2[%mul3A_62] : memref<4000000xf32, #tpu.memory_space<hbm>> -> memref<8000xf32, #tpu.memory_space<hbm>>
      tpu.enqueue_dma source(%dma_start3A_539 : memref<8000xf32, #tpu.memory_space<hbm>>) target(%arg7 : memref<8000xf32, #tpu.memory_space<vmem>>) target_semaphore(%arg17 : memref<!tpu.dma_semaphore, #tpu.memory_space<semaphore_mem>>)
      %dma_start3A_540 = tpu.memref_slice %arg3[%mul3A_62] : memref<4000000xf32, #tpu.memory_space<hbm>> -> memref<8000xf32, #tpu.memory_space<hbm>>
      %dma_start3A_541 = tpu.memref_slice %arg3[%mul3A_62] : memref<4000000xf32, #tpu.memory_space<hbm>> -> memref<8000xf32, #tpu.memory_space<hbm>>
      tpu.enqueue_dma source(%dma_start3A_541 : memref<8000xf32, #tpu.memory_space<hbm>>) target(%arg8 : memref<8000xf32, #tpu.memory_space<vmem>>) target_semaphore(%arg17 : memref<!tpu.dma_semaphore, #tpu.memory_space<semaphore_mem>>)
      %dma_start3A_542 = tpu.memref_slice %arg4[%mul3A_62] : memref<4000000xf32, #tpu.memory_space<hbm>> -> memref<8000xf32, #tpu.memory_space<hbm>>
      %dma_start3A_543 = tpu.memref_slice %arg4[%mul3A_62] : memref<4000000xf32, #tpu.memory_space<hbm>> -> memref<8000xf32, #tpu.memory_space<hbm>>
      tpu.enqueue_dma source(%dma_start3A_543 : memref<8000xf32, #tpu.memory_space<hbm>>) target(%arg9 : memref<8000xf32, #tpu.memory_space<vmem>>) target_semaphore(%arg17 : memref<!tpu.dma_semaphore, #tpu.memory_space<semaphore_mem>>)
    } else {
    }
    %gt3A_454 = arith.constant 13 : i32
    %gt3A_455 = arith.cmpi sgt, %select_n3A, %gt3A_454 : i32
    %convert_element_type3A_456 = arith.extui %gt3A_455 : i1 to i32
    %cond3A_457 = arith.constant 0 : i32
    %cond3A_458 = arith.cmpi ne, %convert_element_type3A_456, %cond3A_457 : i32
    scf.if %cond3A_458 {
      %scan3A = arith.constant 0 : i32
      %scan3A_539 = arith.constant 0 : i32
      %scan3A_540 = arith.constant 500 : i32
      %scan3A_541 = arith.addi %scan3A_539, %scan3A_540 : i32
      %scan3A_542 = arith.constant 1 : i32
      scf.for %scan3A_544 = %scan3A_539 to %scan3A_541 step %scan3A_542  : i32 {
        %mul3A_545 = arith.constant 16 : i32
        %mul3A_546 = arith.muli %scan3A_544, %mul3A_545 : i32
        %get3A = arith.index_cast %mul3A_546 : i32 to index
        %get3A_547 = tpu.vector_load %arg10[%get3A] {strides = array<i32>} : memref<8000xf32, #tpu.memory_space<vmem>>, vector<16xf32>,
        %get3A_548 = arith.index_cast %mul3A_546 : i32 to index
        %get3A_549 = tpu.vector_load %arg11[%get3A_548] {strides = array<i32>} : memref<8000xf32, #tpu.memory_space<vmem>>, vector<16xf32>,
        %get3A_550 = arith.index_cast %mul3A_546 : i32 to index
        %get3A_551 = tpu.vector_load %arg12[%get3A_550] {strides = array<i32>} : memref<8000xf32, #tpu.memory_space<vmem>>, vector<16xf32>,
        %mul3A_552 = arith.constant 2.560000e+02 : f32
        %mul3A_553 = vector.broadcast %mul3A_552 : f32 to vector<16xf32>
        %mul3A_554 = arith.mulf %get3A_547, %mul3A_553 : vector<16xf32>
        %convert_element_type3A_555 = arith.fptosi %mul3A_554 : vector<16xf32> to vector<16xi32>
        %mul3A_556 = arith.constant 2.560000e+02 : f32
        %mul3A_557 = vector.broadcast %mul3A_556 : f32 to vector<16xf32>
        %mul3A_558 = arith.mulf %get3A_549, %mul3A_557 : vector<16xf32>
        %convert_element_type3A_559 = arith.fptosi %mul3A_558 : vector<16xf32> to vector<16xi32>
        %mul3A_560 = arith.constant 2.560000e+02 : f32
        %mul3A_561 = vector.broadcast %mul3A_560 : f32 to vector<16xf32>
        %mul3A_562 = arith.mulf %get3A_551, %mul3A_561 : vector<16xf32>
        %convert_element_type3A_563 = arith.fptosi %mul3A_562 : vector<16xf32> to vector<16xi32>
        %mul3A_564 = arith.constant 65536 : i32
        %mul3A_565 = vector.broadcast %mul3A_564 : i32 to vector<16xi32>
        %mul3A_566 = arith.muli %convert_element_type3A_555, %mul3A_565 : vector<16xi32>
        %mul3A_567 = arith.constant 256 : i32
        %mul3A_568 = vector.broadcast %mul3A_567 : i32 to vector<16xi32>
        %mul3A_569 = arith.muli %convert_element_type3A_559, %mul3A_568 : vector<16xi32>
        %add3A_570 = arith.addi %mul3A_566, %mul3A_569 : vector<16xi32>
        %add3A_571 = arith.addi %add3A_570, %convert_element_type3A_563 : vector<16xi32>
        %lt3A_572 = arith.constant 9.99999974E-6 : f32
        %lt3A_573 = vector.broadcast %lt3A_572 : f32 to vector<16xf32>
        %lt3A_574 = arith.cmpf olt, %get3A_547, %lt3A_573 : vector<16xf32>
        %ge3A = arith.constant 0.999989986 : f32
        %ge3A_575 = vector.broadcast %ge3A : f32 to vector<16xf32>
        %ge3A_576 = arith.cmpf oge, %get3A_547, %ge3A_575 : vector<16xf32>
        %or3A = arith.ori %lt3A_574, %ge3A_576 : vector<16xi1>
        %lt3A_577 = arith.constant 9.99999974E-6 : f32
        %lt3A_578 = vector.broadcast %lt3A_577 : f32 to vector<16xf32>
        %lt3A_579 = arith.cmpf olt, %get3A_549, %lt3A_578 : vector<16xf32>
        %or3A_580 = arith.ori %or3A, %lt3A_579 : vector<16xi1>
        %ge3A_581 = arith.constant 0.999989986 : f32
        %ge3A_582 = vector.broadcast %ge3A_581 : f32 to vector<16xf32>
        %ge3A_583 = arith.cmpf oge, %get3A_549, %ge3A_582 : vector<16xf32>
        %or3A_584 = arith.ori %or3A_580, %ge3A_583 : vector<16xi1>
        %lt3A_585 = arith.constant 9.99999974E-6 : f32
        %lt3A_586 = vector.broadcast %lt3A_585 : f32 to vector<16xf32>
        %lt3A_587 = arith.cmpf olt, %get3A_551, %lt3A_586 : vector<16xf32>
        %or3A_588 = arith.ori %or3A_584, %lt3A_587 : vector<16xi1>
        %ge3A_589 = arith.constant 0.999989986 : f32
        %ge3A_590 = vector.broadcast %ge3A_589 : f32 to vector<16xf32>
        %ge3A_591 = arith.cmpf oge, %get3A_551, %ge3A_590 : vector<16xf32>
        %or3A_592 = arith.ori %or3A_588, %ge3A_591 : vector<16xi1>
        %jit3A_593 = arith.constant 16777216 : i32
        %broadcast_in_dim3A = vector.broadcast %jit3A_593 : i32 to vector<16xi32>
        %select_n3A_594 = arith.select %or3A_592, %broadcast_in_dim3A, %add3A_571 : vector<16xi1>, vector<16xi32>
        %swap3A = arith.index_cast %mul3A_546 : i32 to index
        %swap3A_595 = tpu.vector_load %arg14[%swap3A] {strides = array<i32>} : memref<8000xi32, #tpu.memory_space<vmem>>, vector<16xi32>,
        tpu.vector_store %arg14[%swap3A], %select_n3A_594 {strides = array<i32>} : memref<8000xi32, #tpu.memory_space<vmem>>, vector<16xi32>,
      }
      %scan3A_543 = arith.constant 500 : i32
    } else {
    }
    %gt3A_459 = arith.constant 12 : i32
    %gt3A_460 = arith.cmpi sgt, %select_n3A, %gt3A_459 : i32
    %convert_element_type3A_461 = arith.extui %gt3A_460 : i1 to i32
    %cond3A_462 = arith.constant 0 : i32
    %cond3A_463 = arith.cmpi ne, %convert_element_type3A_461, %cond3A_462 : i32
    scf.if %cond3A_463 {
      %dma_wait3A = arith.constant 0 : i32
      %dma_wait3A_539 = tpu.memref_slice %arg5[%dma_wait3A] : memref<16777217xi32, #tpu.memory_space<hbm>> -> memref<16777217xi32, #tpu.memory_space<hbm>>
      tpu.wait_indirect_dma semaphore(%arg19 : memref<!tpu.dma_semaphore, #tpu.memory_space<semaphore_mem>>) src(%dma_wait3A_539 : memref<16777217xi32, #tpu.memory_space<hbm>>) dst(%arg15 : memref<8000xi32, #tpu.memory_space<vmem>>)
      %dma_start3A = tpu.memref_slice %arg6[%mul3A_54] : memref<4000000xi32, #tpu.memory_space<hbm>> -> memref<8000xi32, #tpu.memory_space<hbm>>
      %dma_start3A_540 = tpu.memref_slice %arg6[%mul3A_54] : memref<4000000xi32, #tpu.memory_space<hbm>> -> memref<8000xi32, #tpu.memory_space<hbm>>
      tpu.enqueue_dma source(%arg15 : memref<8000xi32, #tpu.memory_space<vmem>>) target(%dma_start3A_540 : memref<8000xi32, #tpu.memory_space<hbm>>) target_semaphore(%arg21 : memref<!tpu.dma_semaphore, #tpu.memory_space<semaphore_mem>>)
    } else {
    }
    %gt3A_464 = arith.constant 11 : i32
    %gt3A_465 = arith.cmpi sgt, %select_n3A, %gt3A_464 : i32
    %convert_element_type3A_466 = arith.extui %gt3A_465 : i1 to i32
    %cond3A_467 = arith.constant 0 : i32
    %cond3A_468 = arith.cmpi ne, %convert_element_type3A_466, %cond3A_467 : i32
    scf.if %cond3A_468 {
      %dma_wait3A = tpu.memref_slice %arg6[%mul3A_50] : memref<4000000xi32, #tpu.memory_space<hbm>> -> memref<8000xi32, #tpu.memory_space<hbm>>
      %dma_wait3A_539 = tpu.memref_slice %arg6[%mul3A_50] : memref<4000000xi32, #tpu.memory_space<hbm>> -> memref<8000xi32, #tpu.memory_space<hbm>>
      tpu.wait_dma2 semaphore(%arg22 : memref<!tpu.dma_semaphore, #tpu.memory_space<semaphore_mem>>) src(%arg16 : memref<8000xi32, #tpu.memory_space<vmem>>) dst(%dma_wait3A_539 : memref<8000xi32, #tpu.memory_space<hbm>>)
    } else {
    }
    %gt3A_469 = arith.constant 13 : i32
    %gt3A_470 = arith.cmpi sgt, %select_n3A, %gt3A_469 : i32
    %convert_element_type3A_471 = arith.extui %gt3A_470 : i1 to i32
    %cond3A_472 = arith.constant 0 : i32
    %cond3A_473 = arith.cmpi ne, %convert_element_type3A_471, %cond3A_472 : i32
    scf.if %cond3A_473 {
      %dma_start3A = arith.constant 0 : i32
      %dma_start3A_539 = tpu.memref_slice %arg5[%dma_start3A] : memref<16777217xi32, #tpu.memory_space<hbm>> -> memref<16777217xi32, #tpu.memory_space<hbm>>
      tpu.enqueue_indirect_dma source(%dma_start3A_539 : memref<16777217xi32, #tpu.memory_space<hbm>>) target(%arg16 : memref<8000xi32, #tpu.memory_space<vmem>>) offsets(%arg14 : memref<8000xi32, #tpu.memory_space<vmem>>) semaphore(%arg20 : memref<!tpu.dma_semaphore, #tpu.memory_space<semaphore_mem>>)
    } else {
    }
    %gt3A_474 = arith.constant 14 : i32
    %gt3A_475 = arith.cmpi sgt, %select_n3A, %gt3A_474 : i32
    %convert_element_type3A_476 = arith.extui %gt3A_475 : i1 to i32
    %cond3A_477 = arith.constant 0 : i32
    %cond3A_478 = arith.cmpi ne, %convert_element_type3A_476, %cond3A_477 : i32
    scf.if %cond3A_478 {
      %dma_wait3A = tpu.memref_slice %arg2[%mul3A_62] : memref<4000000xf32, #tpu.memory_space<hbm>> -> memref<8000xf32, #tpu.memory_space<hbm>>
      %dma_wait3A_539 = tpu.memref_slice %arg2[%mul3A_62] : memref<4000000xf32, #tpu.memory_space<hbm>> -> memref<8000xf32, #tpu.memory_space<hbm>>
      tpu.wait_dma2 semaphore(%arg17 : memref<!tpu.dma_semaphore, #tpu.memory_space<semaphore_mem>>) src(%dma_wait3A_539 : memref<8000xf32, #tpu.memory_space<hbm>>) dst(%arg7 : memref<8000xf32, #tpu.memory_space<vmem>>)
      %dma_wait3A_540 = tpu.memref_slice %arg3[%mul3A_62] : memref<4000000xf32, #tpu.memory_space<hbm>> -> memref<8000xf32, #tpu.memory_space<hbm>>
      %dma_wait3A_541 = tpu.memref_slice %arg3[%mul3A_62] : memref<4000000xf32, #tpu.memory_space<hbm>> -> memref<8000xf32, #tpu.memory_space<hbm>>
      tpu.wait_dma2 semaphore(%arg17 : memref<!tpu.dma_semaphore, #tpu.memory_space<semaphore_mem>>) src(%dma_wait3A_541 : memref<8000xf32, #tpu.memory_space<hbm>>) dst(%arg8 : memref<8000xf32, #tpu.memory_space<vmem>>)
      %dma_wait3A_542 = tpu.memref_slice %arg4[%mul3A_62] : memref<4000000xf32, #tpu.memory_space<hbm>> -> memref<8000xf32, #tpu.memory_space<hbm>>
      %dma_wait3A_543 = tpu.memref_slice %arg4[%mul3A_62] : memref<4000000xf32, #tpu.memory_space<hbm>> -> memref<8000xf32, #tpu.memory_space<hbm>>
      tpu.wait_dma2 semaphore(%arg17 : memref<!tpu.dma_semaphore, #tpu.memory_space<semaphore_mem>>) src(%dma_wait3A_543 : memref<8000xf32, #tpu.memory_space<hbm>>) dst(%arg9 : memref<8000xf32, #tpu.memory_space<vmem>>)
    } else {
    }
    %gt3A_479 = arith.constant 15 : i32
    %gt3A_480 = arith.cmpi sgt, %select_n3A, %gt3A_479 : i32
    %convert_element_type3A_481 = arith.extui %gt3A_480 : i1 to i32
    %cond3A_482 = arith.constant 0 : i32
    %cond3A_483 = arith.cmpi ne, %convert_element_type3A_481, %cond3A_482 : i32
    scf.if %cond3A_483 {
      %dma_start3A = tpu.memref_slice %arg2[%mul3A_66] : memref<4000000xf32, #tpu.memory_space<hbm>> -> memref<8000xf32, #tpu.memory_space<hbm>>
      %dma_start3A_539 = tpu.memref_slice %arg2[%mul3A_66] : memref<4000000xf32, #tpu.memory_space<hbm>> -> memref<8000xf32, #tpu.memory_space<hbm>>
      tpu.enqueue_dma source(%dma_start3A_539 : memref<8000xf32, #tpu.memory_space<hbm>>) target(%arg10 : memref<8000xf32, #tpu.memory_space<vmem>>) target_semaphore(%arg18 : memref<!tpu.dma_semaphore, #tpu.memory_space<semaphore_mem>>)
      %dma_start3A_540 = tpu.memref_slice %arg3[%mul3A_66] : memref<4000000xf32, #tpu.memory_space<hbm>> -> memref<8000xf32, #tpu.memory_space<hbm>>
      %dma_start3A_541 = tpu.memref_slice %arg3[%mul3A_66] : memref<4000000xf32, #tpu.memory_space<hbm>> -> memref<8000xf32, #tpu.memory_space<hbm>>
      tpu.enqueue_dma source(%dma_start3A_541 : memref<8000xf32, #tpu.memory_space<hbm>>) target(%arg11 : memref<8000xf32, #tpu.memory_space<vmem>>) target_semaphore(%arg18 : memref<!tpu.dma_semaphore, #tpu.memory_space<semaphore_mem>>)
      %dma_start3A_542 = tpu.memref_slice %arg4[%mul3A_66] : memref<4000000xf32, #tpu.memory_space<hbm>> -> memref<8000xf32, #tpu.memory_space<hbm>>
      %dma_start3A_543 = tpu.memref_slice %arg4[%mul3A_66] : memref<4000000xf32, #tpu.memory_space<hbm>> -> memref<8000xf32, #tpu.memory_space<hbm>>
      tpu.enqueue_dma source(%dma_start3A_543 : memref<8000xf32, #tpu.memory_space<hbm>>) target(%arg12 : memref<8000xf32, #tpu.memory_space<vmem>>) target_semaphore(%arg18 : memref<!tpu.dma_semaphore, #tpu.memory_space<semaphore_mem>>)
    } else {
    }
    %gt3A_484 = arith.constant 14 : i32
    %gt3A_485 = arith.cmpi sgt, %select_n3A, %gt3A_484 : i32
    %convert_element_type3A_486 = arith.extui %gt3A_485 : i1 to i32
    %cond3A_487 = arith.constant 0 : i32
    %cond3A_488 = arith.cmpi ne, %convert_element_type3A_486, %cond3A_487 : i32
    scf.if %cond3A_488 {
      %scan3A = arith.constant 0 : i32
      %scan3A_539 = arith.constant 0 : i32
      %scan3A_540 = arith.constant 500 : i32
      %scan3A_541 = arith.addi %scan3A_539, %scan3A_540 : i32
      %scan3A_542 = arith.constant 1 : i32
      scf.for %scan3A_544 = %scan3A_539 to %scan3A_541 step %scan3A_542  : i32 {
        %mul3A_545 = arith.constant 16 : i32
        %mul3A_546 = arith.muli %scan3A_544, %mul3A_545 : i32
        %get3A = arith.index_cast %mul3A_546 : i32 to index
        %get3A_547 = tpu.vector_load %arg7[%get3A] {strides = array<i32>} : memref<8000xf32, #tpu.memory_space<vmem>>, vector<16xf32>,
        %get3A_548 = arith.index_cast %mul3A_546 : i32 to index
        %get3A_549 = tpu.vector_load %arg8[%get3A_548] {strides = array<i32>} : memref<8000xf32, #tpu.memory_space<vmem>>, vector<16xf32>,
        %get3A_550 = arith.index_cast %mul3A_546 : i32 to index
        %get3A_551 = tpu.vector_load %arg9[%get3A_550] {strides = array<i32>} : memref<8000xf32, #tpu.memory_space<vmem>>, vector<16xf32>,
        %mul3A_552 = arith.constant 2.560000e+02 : f32
        %mul3A_553 = vector.broadcast %mul3A_552 : f32 to vector<16xf32>
        %mul3A_554 = arith.mulf %get3A_547, %mul3A_553 : vector<16xf32>
        %convert_element_type3A_555 = arith.fptosi %mul3A_554 : vector<16xf32> to vector<16xi32>
        %mul3A_556 = arith.constant 2.560000e+02 : f32
        %mul3A_557 = vector.broadcast %mul3A_556 : f32 to vector<16xf32>
        %mul3A_558 = arith.mulf %get3A_549, %mul3A_557 : vector<16xf32>
        %convert_element_type3A_559 = arith.fptosi %mul3A_558 : vector<16xf32> to vector<16xi32>
        %mul3A_560 = arith.constant 2.560000e+02 : f32
        %mul3A_561 = vector.broadcast %mul3A_560 : f32 to vector<16xf32>
        %mul3A_562 = arith.mulf %get3A_551, %mul3A_561 : vector<16xf32>
        %convert_element_type3A_563 = arith.fptosi %mul3A_562 : vector<16xf32> to vector<16xi32>
        %mul3A_564 = arith.constant 65536 : i32
        %mul3A_565 = vector.broadcast %mul3A_564 : i32 to vector<16xi32>
        %mul3A_566 = arith.muli %convert_element_type3A_555, %mul3A_565 : vector<16xi32>
        %mul3A_567 = arith.constant 256 : i32
        %mul3A_568 = vector.broadcast %mul3A_567 : i32 to vector<16xi32>
        %mul3A_569 = arith.muli %convert_element_type3A_559, %mul3A_568 : vector<16xi32>
        %add3A_570 = arith.addi %mul3A_566, %mul3A_569 : vector<16xi32>
        %add3A_571 = arith.addi %add3A_570, %convert_element_type3A_563 : vector<16xi32>
        %lt3A_572 = arith.constant 9.99999974E-6 : f32
        %lt3A_573 = vector.broadcast %lt3A_572 : f32 to vector<16xf32>
        %lt3A_574 = arith.cmpf olt, %get3A_547, %lt3A_573 : vector<16xf32>
        %ge3A = arith.constant 0.999989986 : f32
        %ge3A_575 = vector.broadcast %ge3A : f32 to vector<16xf32>
        %ge3A_576 = arith.cmpf oge, %get3A_547, %ge3A_575 : vector<16xf32>
        %or3A = arith.ori %lt3A_574, %ge3A_576 : vector<16xi1>
        %lt3A_577 = arith.constant 9.99999974E-6 : f32
        %lt3A_578 = vector.broadcast %lt3A_577 : f32 to vector<16xf32>
        %lt3A_579 = arith.cmpf olt, %get3A_549, %lt3A_578 : vector<16xf32>
        %or3A_580 = arith.ori %or3A, %lt3A_579 : vector<16xi1>
        %ge3A_581 = arith.constant 0.999989986 : f32
        %ge3A_582 = vector.broadcast %ge3A_581 : f32 to vector<16xf32>
        %ge3A_583 = arith.cmpf oge, %get3A_549, %ge3A_582 : vector<16xf32>
        %or3A_584 = arith.ori %or3A_580, %ge3A_583 : vector<16xi1>
        %lt3A_585 = arith.constant 9.99999974E-6 : f32
        %lt3A_586 = vector.broadcast %lt3A_585 : f32 to vector<16xf32>
        %lt3A_587 = arith.cmpf olt, %get3A_551, %lt3A_586 : vector<16xf32>
        %or3A_588 = arith.ori %or3A_584, %lt3A_587 : vector<16xi1>
        %ge3A_589 = arith.constant 0.999989986 : f32
        %ge3A_590 = vector.broadcast %ge3A_589 : f32 to vector<16xf32>
        %ge3A_591 = arith.cmpf oge, %get3A_551, %ge3A_590 : vector<16xf32>
        %or3A_592 = arith.ori %or3A_588, %ge3A_591 : vector<16xi1>
        %jit3A_593 = arith.constant 16777216 : i32
        %broadcast_in_dim3A = vector.broadcast %jit3A_593 : i32 to vector<16xi32>
        %select_n3A_594 = arith.select %or3A_592, %broadcast_in_dim3A, %add3A_571 : vector<16xi1>, vector<16xi32>
        %swap3A = arith.index_cast %mul3A_546 : i32 to index
        %swap3A_595 = tpu.vector_load %arg13[%swap3A] {strides = array<i32>} : memref<8000xi32, #tpu.memory_space<vmem>>, vector<16xi32>,
        tpu.vector_store %arg13[%swap3A], %select_n3A_594 {strides = array<i32>} : memref<8000xi32, #tpu.memory_space<vmem>>, vector<16xi32>,
      }
      %scan3A_543 = arith.constant 500 : i32
    } else {
    }
    %gt3A_489 = arith.constant 13 : i32
    %gt3A_490 = arith.cmpi sgt, %select_n3A, %gt3A_489 : i32
    %convert_element_type3A_491 = arith.extui %gt3A_490 : i1 to i32
    %cond3A_492 = arith.constant 0 : i32
    %cond3A_493 = arith.cmpi ne, %convert_element_type3A_491, %cond3A_492 : i32
    scf.if %cond3A_493 {
      %dma_wait3A = arith.constant 0 : i32
      %dma_wait3A_539 = tpu.memref_slice %arg5[%dma_wait3A] : memref<16777217xi32, #tpu.memory_space<hbm>> -> memref<16777217xi32, #tpu.memory_space<hbm>>
      tpu.wait_indirect_dma semaphore(%arg20 : memref<!tpu.dma_semaphore, #tpu.memory_space<semaphore_mem>>) src(%dma_wait3A_539 : memref<16777217xi32, #tpu.memory_space<hbm>>) dst(%arg16 : memref<8000xi32, #tpu.memory_space<vmem>>)
      %dma_start3A = tpu.memref_slice %arg6[%mul3A_58] : memref<4000000xi32, #tpu.memory_space<hbm>> -> memref<8000xi32, #tpu.memory_space<hbm>>
      %dma_start3A_540 = tpu.memref_slice %arg6[%mul3A_58] : memref<4000000xi32, #tpu.memory_space<hbm>> -> memref<8000xi32, #tpu.memory_space<hbm>>
      tpu.enqueue_dma source(%arg16 : memref<8000xi32, #tpu.memory_space<vmem>>) target(%dma_start3A_540 : memref<8000xi32, #tpu.memory_space<hbm>>) target_semaphore(%arg22 : memref<!tpu.dma_semaphore, #tpu.memory_space<semaphore_mem>>)
    } else {
    }
    %gt3A_494 = arith.constant 12 : i32
    %gt3A_495 = arith.cmpi sgt, %select_n3A, %gt3A_494 : i32
    %convert_element_type3A_496 = arith.extui %gt3A_495 : i1 to i32
    %cond3A_497 = arith.constant 0 : i32
    %cond3A_498 = arith.cmpi ne, %convert_element_type3A_496, %cond3A_497 : i32
    scf.if %cond3A_498 {
      %dma_wait3A = tpu.memref_slice %arg6[%mul3A_54] : memref<4000000xi32, #tpu.memory_space<hbm>> -> memref<8000xi32, #tpu.memory_space<hbm>>
      %dma_wait3A_539 = tpu.memref_slice %arg6[%mul3A_54] : memref<4000000xi32, #tpu.memory_space<hbm>> -> memref<8000xi32, #tpu.memory_space<hbm>>
      tpu.wait_dma2 semaphore(%arg21 : memref<!tpu.dma_semaphore, #tpu.memory_space<semaphore_mem>>) src(%arg15 : memref<8000xi32, #tpu.memory_space<vmem>>) dst(%dma_wait3A_539 : memref<8000xi32, #tpu.memory_space<hbm>>)
    } else {
    }
    %gt3A_499 = arith.constant 14 : i32
    %gt3A_500 = arith.cmpi sgt, %select_n3A, %gt3A_499 : i32
    %convert_element_type3A_501 = arith.extui %gt3A_500 : i1 to i32
    %cond3A_502 = arith.constant 0 : i32
    %cond3A_503 = arith.cmpi ne, %convert_element_type3A_501, %cond3A_502 : i32
    scf.if %cond3A_503 {
      %dma_start3A = arith.constant 0 : i32
      %dma_start3A_539 = tpu.memref_slice %arg5[%dma_start3A] : memref<16777217xi32, #tpu.memory_space<hbm>> -> memref<16777217xi32, #tpu.memory_space<hbm>>
      tpu.enqueue_indirect_dma source(%dma_start3A_539 : memref<16777217xi32, #tpu.memory_space<hbm>>) target(%arg15 : memref<8000xi32, #tpu.memory_space<vmem>>) offsets(%arg13 : memref<8000xi32, #tpu.memory_space<vmem>>) semaphore(%arg19 : memref<!tpu.dma_semaphore, #tpu.memory_space<semaphore_mem>>)
    } else {
    }
    %gt3A_504 = arith.constant 15 : i32
    %gt3A_505 = arith.cmpi sgt, %select_n3A, %gt3A_504 : i32
    %convert_element_type3A_506 = arith.extui %gt3A_505 : i1 to i32
    %cond3A_507 = arith.constant 0 : i32
    %cond3A_508 = arith.cmpi ne, %convert_element_type3A_506, %cond3A_507 : i32
    scf.if %cond3A_508 {
      %dma_wait3A = tpu.memref_slice %arg2[%mul3A_66] : memref<4000000xf32, #tpu.memory_space<hbm>> -> memref<8000xf32, #tpu.memory_space<hbm>>
      %dma_wait3A_539 = tpu.memref_slice %arg2[%mul3A_66] : memref<4000000xf32, #tpu.memory_space<hbm>> -> memref<8000xf32, #tpu.memory_space<hbm>>
      tpu.wait_dma2 semaphore(%arg18 : memref<!tpu.dma_semaphore, #tpu.memory_space<semaphore_mem>>) src(%dma_wait3A_539 : memref<8000xf32, #tpu.memory_space<hbm>>) dst(%arg10 : memref<8000xf32, #tpu.memory_space<vmem>>)
      %dma_wait3A_540 = tpu.memref_slice %arg3[%mul3A_66] : memref<4000000xf32, #tpu.memory_space<hbm>> -> memref<8000xf32, #tpu.memory_space<hbm>>
      %dma_wait3A_541 = tpu.memref_slice %arg3[%mul3A_66] : memref<4000000xf32, #tpu.memory_space<hbm>> -> memref<8000xf32, #tpu.memory_space<hbm>>
      tpu.wait_dma2 semaphore(%arg18 : memref<!tpu.dma_semaphore, #tpu.memory_space<semaphore_mem>>) src(%dma_wait3A_541 : memref<8000xf32, #tpu.memory_space<hbm>>) dst(%arg11 : memref<8000xf32, #tpu.memory_space<vmem>>)
      %dma_wait3A_542 = tpu.memref_slice %arg4[%mul3A_66] : memref<4000000xf32, #tpu.memory_space<hbm>> -> memref<8000xf32, #tpu.memory_space<hbm>>
      %dma_wait3A_543 = tpu.memref_slice %arg4[%mul3A_66] : memref<4000000xf32, #tpu.memory_space<hbm>> -> memref<8000xf32, #tpu.memory_space<hbm>>
      tpu.wait_dma2 semaphore(%arg18 : memref<!tpu.dma_semaphore, #tpu.memory_space<semaphore_mem>>) src(%dma_wait3A_543 : memref<8000xf32, #tpu.memory_space<hbm>>) dst(%arg12 : memref<8000xf32, #tpu.memory_space<vmem>>)
    } else {
    }
    %gt3A_509 = arith.constant 15 : i32
    %gt3A_510 = arith.cmpi sgt, %select_n3A, %gt3A_509 : i32
    %convert_element_type3A_511 = arith.extui %gt3A_510 : i1 to i32
    %cond3A_512 = arith.constant 0 : i32
    %cond3A_513 = arith.cmpi ne, %convert_element_type3A_511, %cond3A_512 : i32
    scf.if %cond3A_513 {
      %scan3A = arith.constant 0 : i32
      %scan3A_539 = arith.constant 0 : i32
      %scan3A_540 = arith.constant 500 : i32
      %scan3A_541 = arith.addi %scan3A_539, %scan3A_540 : i32
      %scan3A_542 = arith.constant 1 : i32
      scf.for %scan3A_544 = %scan3A_539 to %scan3A_541 step %scan3A_542  : i32 {
        %mul3A_545 = arith.constant 16 : i32
        %mul3A_546 = arith.muli %scan3A_544, %mul3A_545 : i32
        %get3A = arith.index_cast %mul3A_546 : i32 to index
        %get3A_547 = tpu.vector_load %arg10[%get3A] {strides = array<i32>} : memref<8000xf32, #tpu.memory_space<vmem>>, vector<16xf32>,
        %get3A_548 = arith.index_cast %mul3A_546 : i32 to index
        %get3A_549 = tpu.vector_load %arg11[%get3A_548] {strides = array<i32>} : memref<8000xf32, #tpu.memory_space<vmem>>, vector<16xf32>,
        %get3A_550 = arith.index_cast %mul3A_546 : i32 to index
        %get3A_551 = tpu.vector_load %arg12[%get3A_550] {strides = array<i32>} : memref<8000xf32, #tpu.memory_space<vmem>>, vector<16xf32>,
        %mul3A_552 = arith.constant 2.560000e+02 : f32
        %mul3A_553 = vector.broadcast %mul3A_552 : f32 to vector<16xf32>
        %mul3A_554 = arith.mulf %get3A_547, %mul3A_553 : vector<16xf32>
        %convert_element_type3A_555 = arith.fptosi %mul3A_554 : vector<16xf32> to vector<16xi32>
        %mul3A_556 = arith.constant 2.560000e+02 : f32
        %mul3A_557 = vector.broadcast %mul3A_556 : f32 to vector<16xf32>
        %mul3A_558 = arith.mulf %get3A_549, %mul3A_557 : vector<16xf32>
        %convert_element_type3A_559 = arith.fptosi %mul3A_558 : vector<16xf32> to vector<16xi32>
        %mul3A_560 = arith.constant 2.560000e+02 : f32
        %mul3A_561 = vector.broadcast %mul3A_560 : f32 to vector<16xf32>
        %mul3A_562 = arith.mulf %get3A_551, %mul3A_561 : vector<16xf32>
        %convert_element_type3A_563 = arith.fptosi %mul3A_562 : vector<16xf32> to vector<16xi32>
        %mul3A_564 = arith.constant 65536 : i32
        %mul3A_565 = vector.broadcast %mul3A_564 : i32 to vector<16xi32>
        %mul3A_566 = arith.muli %convert_element_type3A_555, %mul3A_565 : vector<16xi32>
        %mul3A_567 = arith.constant 256 : i32
        %mul3A_568 = vector.broadcast %mul3A_567 : i32 to vector<16xi32>
        %mul3A_569 = arith.muli %convert_element_type3A_559, %mul3A_568 : vector<16xi32>
        %add3A_570 = arith.addi %mul3A_566, %mul3A_569 : vector<16xi32>
        %add3A_571 = arith.addi %add3A_570, %convert_element_type3A_563 : vector<16xi32>
        %lt3A_572 = arith.constant 9.99999974E-6 : f32
        %lt3A_573 = vector.broadcast %lt3A_572 : f32 to vector<16xf32>
        %lt3A_574 = arith.cmpf olt, %get3A_547, %lt3A_573 : vector<16xf32>
        %ge3A = arith.constant 0.999989986 : f32
        %ge3A_575 = vector.broadcast %ge3A : f32 to vector<16xf32>
        %ge3A_576 = arith.cmpf oge, %get3A_547, %ge3A_575 : vector<16xf32>
        %or3A = arith.ori %lt3A_574, %ge3A_576 : vector<16xi1>
        %lt3A_577 = arith.constant 9.99999974E-6 : f32
        %lt3A_578 = vector.broadcast %lt3A_577 : f32 to vector<16xf32>
        %lt3A_579 = arith.cmpf olt, %get3A_549, %lt3A_578 : vector<16xf32>
        %or3A_580 = arith.ori %or3A, %lt3A_579 : vector<16xi1>
        %ge3A_581 = arith.constant 0.999989986 : f32
        %ge3A_582 = vector.broadcast %ge3A_581 : f32 to vector<16xf32>
        %ge3A_583 = arith.cmpf oge, %get3A_549, %ge3A_582 : vector<16xf32>
        %or3A_584 = arith.ori %or3A_580, %ge3A_583 : vector<16xi1>
        %lt3A_585 = arith.constant 9.99999974E-6 : f32
        %lt3A_586 = vector.broadcast %lt3A_585 : f32 to vector<16xf32>
        %lt3A_587 = arith.cmpf olt, %get3A_551, %lt3A_586 : vector<16xf32>
        %or3A_588 = arith.ori %or3A_584, %lt3A_587 : vector<16xi1>
        %ge3A_589 = arith.constant 0.999989986 : f32
        %ge3A_590 = vector.broadcast %ge3A_589 : f32 to vector<16xf32>
        %ge3A_591 = arith.cmpf oge, %get3A_551, %ge3A_590 : vector<16xf32>
        %or3A_592 = arith.ori %or3A_588, %ge3A_591 : vector<16xi1>
        %jit3A_593 = arith.constant 16777216 : i32
        %broadcast_in_dim3A = vector.broadcast %jit3A_593 : i32 to vector<16xi32>
        %select_n3A_594 = arith.select %or3A_592, %broadcast_in_dim3A, %add3A_571 : vector<16xi1>, vector<16xi32>
        %swap3A = arith.index_cast %mul3A_546 : i32 to index
        %swap3A_595 = tpu.vector_load %arg14[%swap3A] {strides = array<i32>} : memref<8000xi32, #tpu.memory_space<vmem>>, vector<16xi32>,
        tpu.vector_store %arg14[%swap3A], %select_n3A_594 {strides = array<i32>} : memref<8000xi32, #tpu.memory_space<vmem>>, vector<16xi32>,
      }
      %scan3A_543 = arith.constant 500 : i32
    } else {
    }
    %gt3A_514 = arith.constant 14 : i32
    %gt3A_515 = arith.cmpi sgt, %select_n3A, %gt3A_514 : i32
    %convert_element_type3A_516 = arith.extui %gt3A_515 : i1 to i32
    %cond3A_517 = arith.constant 0 : i32
    %cond3A_518 = arith.cmpi ne, %convert_element_type3A_516, %cond3A_517 : i32
    scf.if %cond3A_518 {
      %dma_wait3A = arith.constant 0 : i32
      %dma_wait3A_539 = tpu.memref_slice %arg5[%dma_wait3A] : memref<16777217xi32, #tpu.memory_space<hbm>> -> memref<16777217xi32, #tpu.memory_space<hbm>>
      tpu.wait_indirect_dma semaphore(%arg19 : memref<!tpu.dma_semaphore, #tpu.memory_space<semaphore_mem>>) src(%dma_wait3A_539 : memref<16777217xi32, #tpu.memory_space<hbm>>) dst(%arg15 : memref<8000xi32, #tpu.memory_space<vmem>>)
      %dma_start3A = tpu.memref_slice %arg6[%mul3A_62] : memref<4000000xi32, #tpu.memory_space<hbm>> -> memref<8000xi32, #tpu.memory_space<hbm>>
      %dma_start3A_540 = tpu.memref_slice %arg6[%mul3A_62] : memref<4000000xi32, #tpu.memory_space<hbm>> -> memref<8000xi32, #tpu.memory_space<hbm>>
      tpu.enqueue_dma source(%arg15 : memref<8000xi32, #tpu.memory_space<vmem>>) target(%dma_start3A_540 : memref<8000xi32, #tpu.memory_space<hbm>>) target_semaphore(%arg21 : memref<!tpu.dma_semaphore, #tpu.memory_space<semaphore_mem>>)
    } else {
    }
    %gt3A_519 = arith.constant 13 : i32
    %gt3A_520 = arith.cmpi sgt, %select_n3A, %gt3A_519 : i32
    %convert_element_type3A_521 = arith.extui %gt3A_520 : i1 to i32
    %cond3A_522 = arith.constant 0 : i32
    %cond3A_523 = arith.cmpi ne, %convert_element_type3A_521, %cond3A_522 : i32
    scf.if %cond3A_523 {
      %dma_wait3A = tpu.memref_slice %arg6[%mul3A_58] : memref<4000000xi32, #tpu.memory_space<hbm>> -> memref<8000xi32, #tpu.memory_space<hbm>>
      %dma_wait3A_539 = tpu.memref_slice %arg6[%mul3A_58] : memref<4000000xi32, #tpu.memory_space<hbm>> -> memref<8000xi32, #tpu.memory_space<hbm>>
      tpu.wait_dma2 semaphore(%arg22 : memref<!tpu.dma_semaphore, #tpu.memory_space<semaphore_mem>>) src(%arg16 : memref<8000xi32, #tpu.memory_space<vmem>>) dst(%dma_wait3A_539 : memref<8000xi32, #tpu.memory_space<hbm>>)
    } else {
    }
    %gt3A_524 = arith.constant 15 : i32
    %gt3A_525 = arith.cmpi sgt, %select_n3A, %gt3A_524 : i32
    %convert_element_type3A_526 = arith.extui %gt3A_525 : i1 to i32
    %cond3A_527 = arith.constant 0 : i32
    %cond3A_528 = arith.cmpi ne, %convert_element_type3A_526, %cond3A_527 : i32
    scf.if %cond3A_528 {
      %dma_start3A = arith.constant 0 : i32
      %dma_start3A_539 = tpu.memref_slice %arg5[%dma_start3A] : memref<16777217xi32, #tpu.memory_space<hbm>> -> memref<16777217xi32, #tpu.memory_space<hbm>>
      tpu.enqueue_indirect_dma source(%dma_start3A_539 : memref<16777217xi32, #tpu.memory_space<hbm>>) target(%arg16 : memref<8000xi32, #tpu.memory_space<vmem>>) offsets(%arg14 : memref<8000xi32, #tpu.memory_space<vmem>>) semaphore(%arg20 : memref<!tpu.dma_semaphore, #tpu.memory_space<semaphore_mem>>)
    } else {
    }
    %gt3A_529 = arith.constant 15 : i32
    %gt3A_530 = arith.cmpi sgt, %select_n3A, %gt3A_529 : i32
    %convert_element_type3A_531 = arith.extui %gt3A_530 : i1 to i32
    %cond3A_532 = arith.constant 0 : i32
    %cond3A_533 = arith.cmpi ne, %convert_element_type3A_531, %cond3A_532 : i32
    scf.if %cond3A_533 {
      %dma_wait3A = arith.constant 0 : i32
      %dma_wait3A_539 = tpu.memref_slice %arg5[%dma_wait3A] : memref<16777217xi32, #tpu.memory_space<hbm>> -> memref<16777217xi32, #tpu.memory_space<hbm>>
      tpu.wait_indirect_dma semaphore(%arg20 : memref<!tpu.dma_semaphore, #tpu.memory_space<semaphore_mem>>) src(%dma_wait3A_539 : memref<16777217xi32, #tpu.memory_space<hbm>>) dst(%arg16 : memref<8000xi32, #tpu.memory_space<vmem>>)
      %dma_start3A = tpu.memref_slice %arg6[%mul3A_66] : memref<4000000xi32, #tpu.memory_space<hbm>> -> memref<8000xi32, #tpu.memory_space<hbm>>
      %dma_start3A_540 = tpu.memref_slice %arg6[%mul3A_66] : memref<4000000xi32, #tpu.memory_space<hbm>> -> memref<8000xi32, #tpu.memory_space<hbm>>
      tpu.enqueue_dma source(%arg16 : memref<8000xi32, #tpu.memory_space<vmem>>) target(%dma_start3A_540 : memref<8000xi32, #tpu.memory_space<hbm>>) target_semaphore(%arg22 : memref<!tpu.dma_semaphore, #tpu.memory_space<semaphore_mem>>)
      %dma_wait3A_541 = tpu.memref_slice %arg6[%mul3A_66] : memref<4000000xi32, #tpu.memory_space<hbm>> -> memref<8000xi32, #tpu.memory_space<hbm>>
      %dma_wait3A_542 = tpu.memref_slice %arg6[%mul3A_66] : memref<4000000xi32, #tpu.memory_space<hbm>> -> memref<8000xi32, #tpu.memory_space<hbm>>
      tpu.wait_dma2 semaphore(%arg22 : memref<!tpu.dma_semaphore, #tpu.memory_space<semaphore_mem>>) src(%arg16 : memref<8000xi32, #tpu.memory_space<vmem>>) dst(%dma_wait3A_542 : memref<8000xi32, #tpu.memory_space<hbm>>)
    } else {
    }
    %gt3A_534 = arith.constant 14 : i32
    %gt3A_535 = arith.cmpi sgt, %select_n3A, %gt3A_534 : i32
    %convert_element_type3A_536 = arith.extui %gt3A_535 : i1 to i32
    %cond3A_537 = arith.constant 0 : i32
    %cond3A_538 = arith.cmpi ne, %convert_element_type3A_536, %cond3A_537 : i32
    scf.if %cond3A_538 {
      %dma_wait3A = tpu.memref_slice %arg6[%mul3A_62] : memref<4000000xi32, #tpu.memory_space<hbm>> -> memref<8000xi32, #tpu.memory_space<hbm>>
      %dma_wait3A_539 = tpu.memref_slice %arg6[%mul3A_62] : memref<4000000xi32, #tpu.memory_space<hbm>> -> memref<8000xi32, #tpu.memory_space<hbm>>
      tpu.wait_dma2 semaphore(%arg21 : memref<!tpu.dma_semaphore, #tpu.memory_space<semaphore_mem>>) src(%arg15 : memref<8000xi32, #tpu.memory_space<vmem>>) dst(%dma_wait3A_539 : memref<8000xi32, #tpu.memory_space<hbm>>)
    } else {
    }
    return
  }
}

</mosaic_0001>

<sc_bundles>
// kernel: _sc_call.3.cloned.1.call-start
scs
__scs_entry_jumppad:
0x0: {  	(pc) =	sbr.rel $0x88, $3  }
0x1: {  	(tag) =	ssettag $0x0;
	lr =	simm.s32 $0x1  }
0x2: {  	[smem:$0x3F9D] =	sst lr;
	_ =	strace $0xD0000000  }
0x3: {  	_ = 	snop  }
0x4: {  	_ = 	snop  }
0x5: {  	_ = 	snop  }
0x6: {  	_ = 	snop  }
0x7: {  	_ = 	snop  }
__scs_overlays_trampoline_lowered:
0x8: {  	[smem:$0x3FAC] =	sst s0  }
0x9: {  	[smem:$0x3FAD] =	sst s1  }
0xa: {  	[smem:$0x3FAE] =	sst s2  }
0xb: {  	[smem:$0x3FAF] =	sst s3  }
0xc: {  	[smem:$0x3FB0] =	sst s4  }
0xd: {  	[smem:$0x3FB1] =	sst s5  }
0xe: {  	[smem:$0x3FB2] =	sst s6  }
0xf: {  	[smem:$0x3FB3] =	sst s7  }
0x10: {  	[smem:$0x3FB4] =	sst s8  }
0x11: {  	[smem:$0x3FB5] =	sst s9;
	s0 =	simm.s32 @!p0 $0x0  }
0x12: {  	s1 =	sld [smem:$0x3F9B];
	s0 =	simm.s32 @p0 $0x1  }
0x13: {  	[smem:$0x3FB6] =	sst s0;
	s0 =	simm.s32 @!p1 $0x0  }
0x14: {  	s2 =	sld [smem:$0x3F9A];
	s0 =	simm.s32 @p1 $0x1  }
0x15: {  	[smem:$0x3FB7] =	sst s0;
	s0 =	simm.s32 @!p2 $0x0  }
0x16: {  	s3 =	sld [smem:$0x3FDB];
	s0 =	simm.s32 @p2 $0x1  }
0x17: {  	s4 =	simm.s32 $0x1BF5;
	[smem:$0x3FB9] =	sst s0  }
0x18: {  	s0 =	sld [smem:$0x3F9C];
	_ =	swait.ge [sflag:s4], $0x0  }
0x19: {  	s7 =	sld [smem:$0x3F9D]  }
0x1a: {  	s8 =	sadd.s32 $0xFFFFE003, lr  }
0x1b: {  	s9 =	sadd.s32 $0xFFFFFEF7, lr;
	s5 =	simm.s32 $0xFFFFFFFF;
	p2 =	slt.u32 s8, $0xFFFFF086  }
0x1c: {  	p1 =	slt.u32 s9, $0xF7A;
	s5 =	simm.s32 @!p2 $0x0  }
0x1d: {  	s5 =	simm.s32 @p1 $0x1;
	p0 =	seq.s32 s7, s2  }
0x1e: {  	s7 =	smul.u32 @!p0 $0xF7A, s2;
	p2 =	seq.s32 @!p0 s5, $0x0  }
0x1f: {  	s9 =	smul.u32 $0xF7A, s1;
	s8 =	simm.s32 @!p0 $0x1BF5;
	p2 =	por !p2, p0  }
0x20: {  	[sflag:s8] =	ssyncset.s32 @!p0 $0xFFFFF086;
	s6 =	sadd.s32 @!p0 s3, s7;
	s7 =	simm.s32 @!p0 $0x108  }
0x21: {  	s3 =	sadd.s32 s3, s9;
	s6 =	sadd.s32 @!p0 $0x88, s6;
	s7 =	simm.s32 @p2 $0x1082  }
0x22: {  	[simem:s7], [sflag:s8] =	dma.local @!p0 [hbm:s6], $0xF7A  }
0x23: {  	s9 =	sor.u32 $0xD0000000, s2;
	s6 =	simm.s32 $0x108;
	_ =	swait.ge @!p0 [sflag:s8], $0x0  }
0x24: {  	s3 =	sadd.s32 $0x88, s3;
	s6 =	simm.s32 @!p1 $0x1082;
	[sflag:s4] =	ssyncset.s32 $0xFFFFF086  }
0x25: {  	[simem:s6], [sflag:s4] =	dma.local [hbm:s3], $0xF7A  }
0x26: {  	[smem:$0x3F9D] =	sst s1;
	(tag) =	ssettag s2;
	_ =	strace s9  }
0x27: {  	s1 =	sld [smem:$0x3FAD]  }
0x28: {  	s2 =	sld [smem:$0x3FAE]  }
0x29: {  	s4 =	sld [smem:$0x3FB0]  }
0x2a: {  	p0 =	seq.s32 s5, $0x0;
	s5 =	sld [smem:$0x3FB1]  }
0x2b: {  	s6 =	sld [smem:$0x3FB2]  }
0x2c: {  	s7 =	sld [smem:$0x3FB3]  }
0x2d: {  	s3 =	simm.s32 $0x108;
	s8 =	sld [smem:$0x3FB4]  }
0x2e: {  	s3 =	simm.s32 @!p0 $0x1082;
	s9 =	sld [smem:$0x3FB5]  }
0x2f: {  	lr =	sadd.s32 s0, s3;
	s0 =	sld [smem:$0x3FAC]  }
0x30: {  	s3 =	sld [smem:$0x3FAF]  }
0x31: {  	[smem:$0x3FB8] =	sst s10  }
0x32: {  	s10 =	sld [smem:$0x3FB6];
	_ =	sdelay $0x3  }
0x33: {  	p0 =	seq.s32 s10, $0x1;
	s10 =	sld [smem:$0x3FB8];
	_ =	sdelay $0x3  }
0x34: {  	[smem:$0x3FB8] =	sst s10  }
0x35: {  	s10 =	sld [smem:$0x3FB7];
	_ =	sdelay $0x3  }
0x36: {  	p1 =	seq.s32 s10, $0x1;
	s10 =	sld [smem:$0x3FB8];
	_ =	sdelay $0x3  }
0x37: {  	[smem:$0x3FB8] =	sst s10  }
0x38: {  	s10 =	sld [smem:$0x3FB9]  }
0x39: {  	_ = 	snop;
	(pc) =	sbr.ind lr, $3  }
0x3a: {  	_ = 	snop  }
0x3b: {  	_ = 	snop  }
0x3c: {  	p2 =	seq.s32 s10, $0x1;
	s10 =	sld [smem:$0x3FB8]  }
0x3d: {  	_ =	shalt  }
0x3e: {  	_ =	shalt  }
0x3f: {  	_ =	shalt  }
0x40: {  	_ =	shalt  }
0x41: {  	_ =	shalt  }
0x42: {  	_ =	shalt  }
0x43: {  	_ =	shalt  }
0x44: {  	_ =	shalt  }
0x45: {  	_ =	shalt  }
0x46: {  	_ =	shalt  }
0x47: {  	_ =	shalt  }
0x48: {  	_ =	shalt  }
0x49: {  	_ =	shalt  }
0x4a: {  	_ =	shalt  }
0x4b: {  	_ =	shalt  }
0x4c: {  	_ =	shalt  }
0x4d: {  	_ =	shalt  }
0x4e: {  	_ =	shalt  }
0x4f: {  	_ =	shalt  }
0x50: {  	_ =	shalt  }
0x51: {  	_ =	shalt  }
0x52: {  	_ =	shalt  }
0x53: {  	_ =	shalt  }
0x54: {  	_ =	shalt  }
0x55: {  	_ =	shalt  }
0x56: {  	_ =	shalt  }
0x57: {  	_ =	shalt  }
0x58: {  	_ =	shalt  }
0x59: {  	_ =	shalt  }
0x5a: {  	_ =	shalt  }
0x5b: {  	_ =	shalt  }
0x5c: {  	_ =	shalt  }
0x5d: {  	_ =	shalt  }
0x5e: {  	_ =	shalt  }
0x5f: {  	_ =	shalt  }
0x60: {  	_ =	shalt  }
0x61: {  	_ =	shalt  }
0x62: {  	_ =	shalt  }
0x63: {  	_ =	shalt  }
0x64: {  	_ =	shalt  }
0x65: {  	_ =	shalt  }
0x66: {  	_ =	shalt  }
0x67: {  	_ =	shalt  }
0x68: {  	_ =	shalt  }
0x69: {  	_ =	shalt  }
0x6a: {  	_ =	shalt  }
0x6b: {  	_ =	shalt  }
0x6c: {  	_ =	shalt  }
0x6d: {  	_ =	shalt  }
0x6e: {  	_ =	shalt  }
0x6f: {  	_ =	shalt  }
0x70: {  	_ =	shalt  }
0x71: {  	_ =	shalt  }
0x72: {  	_ =	shalt  }
0x73: {  	_ =	shalt  }
0x74: {  	_ =	shalt  }
0x75: {  	_ =	shalt  }
0x76: {  	_ =	shalt  }
0x77: {  	_ =	shalt  }
0x78: {  	_ =	shalt  }
0x79: {  	_ =	shalt  }
0x7a: {  	_ =	shalt  }
0x7b: {  	_ =	shalt  }
0x7c: {  	_ =	shalt  }
0x7d: {  	_ =	shalt  }
0x7e: {  	_ =	shalt  }
0x7f: {  	_ =	shalt  }
0x80: {  	_ =	shalt  }
0x81: {  	_ =	shalt  }
0x82: {  	_ =	shalt  }
0x83: {  	_ =	shalt  }
0x84: {  	_ =	shalt  }
0x85: {  	_ =	shalt  }
0x86: {  	_ =	shalt  }
0x87: {  	_ =	shalt  }
.Lfunc_end0:
.L_simem_size_0:
called_computation_lowered:
.L_overlay_start_0:
0x88: {  	s2 =	sld [smem:$0x3FD9]  }
0x89: {  	s3 =	sld [smem:$0x3FFE];
	_ =	sdelay $0x1  }
0x8a: {  	s1 =	srdreg.scid  }
0x8b: {  	s0 =	sand.u32 $0x1, s1  }
0x8c: {  	s17 =	sshll.u32 s0, $0xA;
	s2 =	sadd.s32 s3, s2  }
0x8d: {  	s2 =	sadd.s32 s2, s17  }
0x8e: {  	[smem:$0x3FC4] =	sst s2  }
0x8f: {  	_ = 	snop  }
0x90: {  	s2 =	sld [smem:$0x3FC9]  }
0x91: {  	s18 =	sld [smem:$0x3FC8]  }
0x92: {  	s4 =	sld [smem:$0x3FC7];
	(tm) =	ssettm $0x1  }
0x93: {  	s5 =	sld [smem:$0x3FFB];
	_ =	sdelay $0x3  }
0x94: {  	_ =	strace s5  }
0x95: {  	s5 =	sld [smem:$0x3FFC];
	_ =	sdelay $0x3  }
0x96: {  	_ =	strace s5  }
0x97: {  	s5 =	sld [smem:$0x3FFD];
	_ =	sdelay $0x3  }
0x98: {  	_ =	strace s5  }
0x99: {  	_ =	strace $0x8FFFFFFF  }
0x9a: {  	s19 =	sld [smem:$0x3FDB];
	_ =	sdelay $0x1  }
0x9b: {  	s6 =	simm.s32 $_scs_section_size  }
0x9c: {  	s7 =	simm.s32 $_size__tile_overlayer_lowered;
	s8 =	simm.s32 $_tile_overlayer_lowered  }
0x9d: {  	s22 =	simm.s32 $0x1BFF;
	s21 =	sshll.u32 s8, $0x1;
	s5 =	sadd.s32 s6, s19  }
0x9e: {  	s9 =	simm.s32 $0x0;
	s20 =	sshll.u32 s7, $0x1;
	s7 =	sadd.s32 s21, s5  }
0x9f: {  	[timem:s9], [sflag:s22] =	dma.local [hbm:s7], s20  }
0xa0: {  	_ =	swait.ge [sflag:s22], s20  }
0xa1: {  	s6 =	ssub.s32 $0x0, s20;
	[sflag:s22] =	ssyncset.done $0x0  }
0xa2: {  	[sflag:s22] =	ssyncadd.s32 s6;
	_ =	sdelay $0x1  }
0xa3: {  	s23 =	simm.s32 $0x1B8B  }
0xa4: {  	_ =	swait.ge [sflag:s23], $0x1  }
0xa5: {  	[sflag:s23] =	ssyncset.done $0x0  }
0xa6: {  	s25 =	simm.s32 $0x1B8E;
	s24 =	sld [smem:$0x3FFE];
	[sflag:s23] =	ssyncadd.s32 $0xFFFFFFFF  }
0xa7: {  	s26 =	simm.s32 $execute0_lowered;
	[smem:$0x3FD2] =	sst s25  }
0xa8: {  	s7 =	sshll.u32 s26, $0x1;
	_ =	strace $0x80000046;
	[dreg:$0x1] =	wrdreg $0xFFFFFFFF  }
0xa9: {  	s28 =	simm.s32 $_size_execute0_lowered;
	s5 =	sadd.s32 s5, s7;
	[dreg:$0x0] =	wrdreg $0x0  }
0xaa: {  	s7 =	sshll.u32 s28, $0x1;
	[dreg:$0x2] =	wrdreg s5  }
0xab: {  	[dreg:$0x3] =	wrdreg s7  }
0xac: {  	[dreg:$0x4] =	wrdreg $0xC0  }
0xad: {  	_ =	task [dreg:s9], $0x5FFFF  }
0xae: {  	[dreg:$0x1] =	wrdreg $0xFFFFFFFF  }
0xaf: {  	[dreg:$0x0] =	wrdreg $0x60  }
0xb0: {  	[dreg:$0x2] =	wrdreg s2  }
0xb1: {  	[dreg:$0x3] =	wrdreg s18  }
0xb2: {  	[dreg:$0x4] =	wrdreg s4  }
0xb3: {  	[dreg:$0x5] =	wrdreg s24  }
0xb4: {  	[dreg:$0x6] =	wrdreg $0x9  }
0xb5: {  	_ =	task.clear_ibuf [dreg:s9], $0x7FFFF;
	_ =	strace $0x90000046  }
0xb6: {  	s29 =	simm.s32 $0x9;
	_ =	strace $0x80000048  }
0xb7: {  	_ =	swait.ge [sflag:s29], $0x1  }
0xb8: {  	[sflag:s29] =	ssyncadd.s32 $0xFFFFFFFF  }
0xb9: {  	_ =	strace $0x90000048  }
0xba: {  	_ =	sfence  }
0xbb: {  	s30 =	sld [smem:$0x0];
	_ =	sdelay $0x2  }
0xbc: {  	s31 =	sshll.u32 s1, $0xD;
	s1 =	sshrl.u32 s1, $0x2  }
0xbd: {  	s3 =	sand.u32 $0x4000, s31;
	s1 =	sadd.s32 s1, s30  }
0xbe: {  	s0 =	sor.u32 s3, s0;
	s1 =	sshll.u32 s1, $0x11  }
0xbf: {  	s0 =	sor.u32 s1, s0  }
0xc0: {  	s0 =	sadd.s32 $0x8F2B, s0  }
0xc1: {  	[sflag:s0] =	ssyncadd.remote.s32 $0x1  }
0xc2: {  	_ =	sfence.sel $0xFFFF  }
0xc3: {  	[dreg:$0x0] =	wrdreg $0xFFFFFFFF;
	(pc) =	sbr.abs _section_cstart, $3  }
0xc4: {  	[dreg:$0x1] =	wrdreg $0xFFFFFFFF  }
0xc5: {  	_ =	task.clear_ibuf [dreg:s9], $0x2FFFF;
	_ =	strace $0x9FFFFFFF  }
0xc6: {  	(tm) =	ssettm $0x7FFFFFFF  }
0xc7: {  	_ =	shalt  }
tec
execute0_lowered:
.L_overlay_start_1:
0x0: {  	(tag) =	ssettag $0x1  }
0x1: {  	s1 =	srdreg.scid;
	s11 =	stileid.u32  }
0x2: {  	s4 =	sand.u32 $0x1, s1;
	s17 =	sshll.u32 s11, $0x1  }
0x3: {  	s1 =	sor.u32 s4, s17  }
0x4: {  	s0 =	rddreg [dreg:$0x0];
	s6 =	smul.u32 $0x1F40, s1  }
0x5: {  	s3 =	rddreg [dreg:$0x1]  }
0x6: {  	s2 =	rddreg [dreg:$0x2];
	s8 =	ssub.s32 $0x2, s4;
	s4 =	sshrl.u32 s6, $0x3  }
0x7: {  	s5 =	rddreg [dreg:$0x3];
	s1 =	simm.s32 $0x0;
	s9 =	sadd.s32 $0x7D00, s4  }
0x8: {  	[smem:$0x7FF] =	sst s1;
	s19 =	sadd.s32 s0, s9  }
0x9: {  	s20 =	sadd.s32 s3, s9;
	[dreg:$0x5] =	wrdreg s19  }
0xa: {  	s22 =	sadd.s32 $0xFA00, s4;
	s21 =	sadd.s32 s2, s9;
	[dreg:$0x6] =	wrdreg s20  }
0xb: {  	s10 =	sadd.s32 s0, s22;
	[dreg:$0x7] =	wrdreg s21  }
0xc: {  	s23 =	sadd.s32 s3, s22;
	[dreg:$0x8] =	wrdreg s10  }
0xd: {  	s24 =	sadd.s32 $0x17700, s4;
	s12 =	sadd.s32 s2, s22;
	[dreg:$0x9] =	wrdreg s23  }
0xe: {  	s25 =	sadd.s32 s0, s24;
	[dreg:$0xa] =	wrdreg s12  }
0xf: {  	s26 =	sadd.s32 s3, s24;
	[dreg:$0xb] =	wrdreg s25  }
0x10: {  	s7 =	sadd.s32 $0x200600, s5;
	s13 =	sadd.s32 s2, s24;
	[dreg:$0xc] =	wrdreg s26  }
0x11: {  	s14 =	sadd.s32 $0x1F400, s4;
	s9 =	sadd.s32 s7, s9;
	[dreg:$0xd] =	wrdreg s13  }
0x12: {  	s15 =	sadd.s32 s0, s14;
	[dreg:$0xe] =	wrdreg s9  }
0x13: {  	s16 =	sadd.s32 s3, s14;
	[dreg:$0xf] =	wrdreg s15  }
0x14: {  	s18 =	sshrl.u32 s8, $0x1;
	s17 =	sadd.s32 s2, s14;
	[dreg:$0x10] =	wrdreg s16  }
0x15: {  	s6 =	ssub.s32 s8, s18;
	s8 =	sadd.s32 s7, s22;
	[dreg:$0x11] =	wrdreg s17  }
0x16: {  	[dreg:$0x12] =	wrdreg s8;
	s10 =	sadd.s32 s7, s24  }
0x17: {  	s18 =	sadd.s32 $0x27100, s4;
	s9 =	sadd.s32 s7, s14;
	[dreg:$0x13] =	wrdreg s10  }
0x18: {  	s19 =	sadd.s32 s0, s18;
	[dreg:$0x14] =	wrdreg s9  }
0x19: {  	s20 =	sadd.s32 s3, s18;
	[dreg:$0x15] =	wrdreg s19  }
0x1a: {  	s21 =	sadd.s32 s2, s18;
	[dreg:$0x16] =	wrdreg s20  }
0x1b: {  	s22 =	sadd.s32 $0x2EE00, s4;
	s8 =	sadd.s32 s7, s18;
	[dreg:$0x17] =	wrdreg s21  }
0x1c: {  	s23 =	sadd.s32 s0, s22;
	[dreg:$0x18] =	wrdreg s8  }
0x1d: {  	s24 =	sadd.s32 s3, s22;
	[dreg:$0x19] =	wrdreg s23  }
0x1e: {  	s26 =	sadd.s32 s2, s22;
	[dreg:$0x1a] =	wrdreg s24  }
0x1f: {  	s25 =	sadd.s32 $0x36B00, s4;
	[dreg:$0x1b] =	wrdreg s26;
	s8 =	sadd.s32 s7, s22  }
0x20: {  	s10 =	sadd.s32 s0, s25;
	[dreg:$0x1c] =	wrdreg s8  }
0x21: {  	s12 =	sadd.s32 s3, s25;
	[dreg:$0x1d] =	wrdreg s10  }
0x22: {  	s13 =	sadd.s32 s2, s25;
	[dreg:$0x1e] =	wrdreg s12  }
0x23: {  	s14 =	sadd.s32 $0x3E800, s4;
	s9 =	sadd.s32 s7, s25;
	[dreg:$0x1f] =	wrdreg s13  }
0x24: {  	s15 =	sadd.s32 s0, s14;
	[smem:$0x7E1] =	sst s9  }
0x25: {  	s16 =	sadd.s32 s3, s14;
	[smem:$0x7E2] =	sst s15  }
0x26: {  	s18 =	sadd.s32 $0x46500, s4;
	s17 =	sadd.s32 s2, s14;
	[smem:$0x7E3] =	sst s16  }
0x27: {  	s19 =	sadd.s32 s0, s18;
	[smem:$0x7E4] =	sst s17  }
0x28: {  	s20 =	sadd.s32 s3, s18;
	[smem:$0x7E6] =	sst s19  }
0x29: {  	s22 =	sadd.s32 s2, s18;
	[smem:$0x7E7] =	sst s20  }
0x2a: {  	s21 =	sadd.s32 $0x4E200, s4;
	s8 =	sadd.s32 s7, s14;
	[smem:$0x7E8] =	sst s22  }
0x2b: {  	s5 =	sadd.s32 $0x400, s5;
	s23 =	sadd.s32 s0, s21;
	[smem:$0x7E5] =	sst s8  }
0x2c: {  	p0 =	sgt.u32 s11, $0x9;
	s24 =	sadd.s32 s3, s21;
	[smem:$0x7EA] =	sst s23  }
0x2d: {  	s11 =	simm.s32 $0x7E00;
	s25 =	sadd.s32 s2, s21;
	[smem:$0x7EB] =	sst s24  }
0x2e: {  	s26 =	sadd.s32 $0x55F00, s4;
	s9 =	sadd.s32 s7, s21;
	[smem:$0x7EC] =	sst s25  }
0x2f: {  	s6 =	smax.u32 s6, $0x1;
	s10 =	sadd.s32 s0, s26;
	[smem:$0x7ED] =	sst s9  }
0x30: {  	s12 =	sadd.s32 s3, s26;
	s13 =	sadd.s32 s2, s26;
	[smem:$0x7EE] =	sst s10  }
0x31: {  	s14 =	sadd.s32 $0x5DC00, s4;
	s19 =	sadd.s32 s3, s4;
	[smem:$0x7EF] =	sst s12  }
0x32: {  	s20 =	sadd.s32 s2, s4;
	s21 =	sadd.s32 s7, s4;
	[smem:$0x7F0] =	sst s13  }
0x33: {  	s22 =	sadd.s32 $0x65900, s4;
	s8 =	sadd.s32 s7, s18;
	[smem:$0x7F7] =	sst s19  }
0x34: {  	s15 =	sadd.s32 s0, s14;
	s16 =	sadd.s32 s3, s14;
	[smem:$0x7F8] =	sst s20  }
0x35: {  	s17 =	sadd.s32 s2, s14;
	s18 =	sadd.s32 s0, s4;
	[smem:$0x7F9] =	sst s21  }
0x36: {  	s23 =	sadd.s32 $0x6D600, s4;
	s24 =	sadd.s32 $0x75300, s4;
	s25 =	sadd.s32 s0, s22  }
0x37: {  	s28 =	sadd.s32 s3, s22;
	s31 =	sadd.s32 s2, s22;
	[smem:$0x7E9] =	sst s8  }
0x38: {  	s9 =	simm.s32 $0x1;
	s10 =	simm.s32 $0x5E80;
	[smem:$0x7F2] =	sst s15  }
0x39: {  	s12 =	simm.s32 $0x9D80;
	s13 =	simm.s32 $0x1F40;
	[smem:$0x7F3] =	sst s16  }
0x3a: {  	s19 =	simm.s32 $0x11B80;
	s20 =	simm.s32 $0x4;
	[smem:$0x7F4] =	sst s17  }
0x3b: {  	s21 =	simm.s32 $0x5;
	s8 =	sadd.s32 s7, s26;
	[smem:$0x7F6] =	sst s18  }
0x3c: {  	[smem:$0x7FA] =	sst s25;
	s26 =	sadd.s32 s0, s23;
	s0 =	sadd.s32 s0, s24  }
0x3d: {  	s29 =	sadd.s32 s3, s23;
	s30 =	sadd.s32 s3, s24;
	s3 =	sadd.s32 s7, s22  }
0x3e: {  	s4 =	sadd.s32 s7, s23;
	s15 =	simm.s32 $0xFC00;
	s16 =	simm.s32 $0x2  }
0x3f: {  	s17 =	simm.s32 $0x3;
	s18 =	simm.s32 $0xDC80;
	[smem:$0x7F1] =	sst s8  }
.Ltmp0:
0x40: {  	s22 =	simm.s32 $0x6;
	[smem:$0x7FB] =	sst s26;
	(pc) =	sbr.rel .LBB2_1-.Ltmp0, $4  }
0x41: {  	s8 =	sadd.s32 s7, s14;
	[smem:$0x7FC] =	sst s0;
	s0 =	sadd.s32 s2, s23  }
0x42: {  	s2 =	sadd.s32 s2, s24;
	s7 =	sadd.s32 s7, s24;
	[smem:$0x7F5] =	sst s8  }
0x43: {  	s14 =	simm.s32 $0xBD00;
	s23 =	simm.s32 $0x0;
	[smem:$0x7FD] =	sst s7  }
0x44: {  	s7 =	simm.s32 $0x1F80;
	s8 =	simm.s32 $0x3F00;
	_ =	strace $0x80000047  }
.LBB2_35:
0x45: {  	_ =	swait.ge [sflag:s17], $0x1F40  }
0x46: {  	[sflag:s17] =	ssyncset.done $0x0  }
0x47: {  	[sflag:s17] =	ssyncadd.s32 $0xFFFFE0C0  }
0x48: {  	[hbm4b:s4+s1] =	stream.linear.scatter [tilespmem:s15], [sflag:$0x5], $0x1F40, $0x38;
	[tilespmem:$0x13B00] =	vst v63  }
.LBB2_36:
0x49: {  	s23 =	sadd.s32 $0x1, s23  }
0x4a: {  	_ =	swait.ge [sflag:s22], $0x1F40;
	p1 =	sne.s32 s23, s6  }
.Ltmp1:
0x4b: {  	[sflag:s22] =	ssyncset.done $0x0;
	(pc) =	sbr.rel @!p1 .LBB2_37-.Ltmp1, $4  }
0x4c: {  	[sflag:s22] =	ssyncadd.s32 $0xFFFFE0C0  }
0x4d: {  	_ =	swait.ge [sflag:s21], $0x1F40  }
0x4e: {  	[sflag:s21] =	ssyncset.done $0x0  }
0x4f: {  	[sflag:s21] =	ssyncadd.s32 $0xFFFFE0C0  }
.LBB2_1:
0x50: {  	s24 =	sld [smem:$0x7F6];
	_ =	sdelay $0x1  }
0x51: {  	s26 =	sld [smem:$0x7F7]  }
0x52: {  	[tilespmem:s1], [sflag:$0x1] =	stream.linear.gather [hbm4b:s24+s1], $0x1F40, $0x38;
	[tilespmem:$0x13B00] =	vst v63  }
0x53: {  	s25 =	sld [smem:$0x7F8]  }
0x54: {  	[tilespmem:s7], [sflag:$0x1] =	stream.linear.gather [hbm4b:s26+s1], $0x1F40, $0x38;
	[tilespmem:$0x13B00] =	vst v63  }
0x55: {  	_ = 	snop  }
0x56: {  	[tilespmem:s8], [sflag:$0x1] =	stream.linear.gather [hbm4b:s25+s1], $0x1F40, $0x38;
	[tilespmem:$0x13B00] =	vst v63  }
0x57: {  	_ =	swait.ge [sflag:s9], $0x1F40  }
0x58: {  	[sflag:s9] =	ssyncset.done $0x0  }
0x59: {  	[sflag:s9] =	ssyncadd.s32 $0xFFFFE0C0  }
0x5a: {  	_ =	swait.ge [sflag:s9], $0x1F40  }
0x5b: {  	[sflag:s9] =	ssyncset.done $0x0  }
0x5c: {  	[sflag:s9] =	ssyncadd.s32 $0xFFFFE0C0  }
0x5d: {  	_ =	swait.ge [sflag:s9], $0x1F40  }
0x5e: {  	[sflag:s9] =	ssyncset.done $0x0  }
0x5f: {  	s26 =	rddreg [dreg:$0x5];
	[sflag:s9] =	ssyncadd.s32 $0xFFFFE0C0  }
0x60: {  	[tilespmem:s10], [sflag:$0x2] =	stream.linear.gather [hbm4b:s26+s1], $0x1F40, $0x38;
	[tilespmem:$0x13B00] =	vst v63  }
0x61: {  	s25 =	rddreg [dreg:$0x6]  }
0x62: {  	[tilespmem:s11], [sflag:$0x2] =	stream.linear.gather [hbm4b:s25+s1], $0x1F40, $0x38;
	[tilespmem:$0x13B00] =	vst v63  }
0x63: {  	s24 =	simm.s32 $0x0;
	s26 =	rddreg [dreg:$0x7]  }
0x64: {  	[tilespmem:s12], [sflag:$0x2] =	stream.linear.gather [hbm4b:s26+s1], $0x1F40, $0x38;
	[tilespmem:$0x13B00] =	vst v63  }
0x65: {  	v1 =	vld [tilespmem:s24+$0x3F00]  }
0x66: {  	v0 =	vld [tilespmem:s24+$0x0]  }
0x67: {  	v2 =	vld [tilespmem:s24+$0x1F80];
	_ =	sdelay $0x3  }
0x68: {  	v3 =	vmul.f32 $2.560000000e+02, v1  }
0x69: {  	v5 =	vmul.f32 $2.560000000e+02, v0;
	v6 =	vmul.f32 $2.560000000e+02, v2;
	vm0 =	vlt.f32 v1, $9.999999740e-06  }
0x6a: {  	s25 =	simm.s32 $0x10;
	vm2 =	vlt.f32 v0, $9.999999740e-06;
	vm1 =	vge.f32 v0, $9.999899860e-01;
	v4 =	vtrunc.f32 v3  }
0x6b: {  	v0 =	vld [tilespmem:s25+$0x3F00];
	vm3 =	vlt.f32 v2, $9.999999740e-06;
	v5 =	vtrunc.f32 v5;
	v6 =	vtrunc.f32 v6  }
0x6c: {  	s26 =	simm.s32 $0x80;
	vm2 =	vmor vm2, vm3;
	v3 =	vld [tilespmem:s25+$0x0];
	v5 =	vcvt.f32.s32 v5;
	v6 =	vcvt.f32.s32 v6  }
.LBB2_2:
0x6d: {  	p1 =	sne.s32 s26, $0x7CC0;
	v4 =	vcvt.f32.s32 v4;
	vm1 =	vmor vm2, vm1;
	vm2 =	vge.f32 v2, $9.999899860e-01;
	v2 =	vld [tilespmem:s25+$0x1F80]  }
0x6e: {  	v5 =	vshll.u32 v5, $0x10;
	v6 =	vshll.u32 v6, $0x8;
	vm1 =	vmor vm2, vm1  }
0x6f: {  	v5 =	vadd.s32 v5, v6;
	vm0 =	vmor vm0, vm1;
	vm1 =	vge.f32 v1, $9.999899860e-01  }
0x70: {  	v4 =	vadd.s32 v4, v5;
	vm0 =	vmor vm1, vm0;
	v1 =	vmov v0  }
.Ltmp2:
0x71: {  	v0 =	vmul.f32 $2.560000000e+02, v1;
	v4 =	vsel vm0, $0x1000000, v4;
	(pc) =	sbr.rel @p1 .LBB2_2-.Ltmp2, $4  }
0x72: {  	v5 =	vmul.f32 $2.560000000e+02, v3;
	vm0 =	vlt.f32 v1, $9.999999740e-06;
	v6 =	vmul.f32 $2.560000000e+02, v2;
	[tilespmem:s24+$0xBD00] =	vst v4;
	s24 =	smov.u32 s25  }
0x73: {  	vm2 =	vlt.f32 v3, $9.999999740e-06;
	vm1 =	vge.f32 v3, $9.999899860e-01;
	s25 =	sshra.s32 s26, $0x2;
	v4 =	vtrunc.f32 v0  }
0x74: {  	vm3 =	vlt.f32 v2, $9.999999740e-06;
	v5 =	vtrunc.f32 v5;
	v0 =	vld [tilespmem:s25+$0x3F00];
	v6 =	vtrunc.f32 v6  }
0x75: {  	s26 =	sadd.s32 $0x40, s26;
	vm2 =	vmor vm2, vm3;
	v5 =	vcvt.f32.s32 v5;
	v3 =	vld [tilespmem:s25+$0x0];
	v6 =	vcvt.f32.s32 v6  }
0x76: {  	v7 =	vld [tilespmem:s25+$0x1F80]  }
0x77: {  	v4 =	vcvt.f32.s32 v4;
	vm1 =	vmor vm2, vm1;
	vm2 =	vge.f32 v2, $9.999899860e-01  }
0x78: {  	v2 =	vshll.u32 v5, $0x10;
	v5 =	vshll.u32 v6, $0x8;
	vm1 =	vmor vm2, vm1  }
0x79: {  	v2 =	vadd.s32 v2, v5;
	vm0 =	vmor vm0, vm1;
	vm1 =	vge.f32 v1, $9.999899860e-01  }
0x7a: {  	v1 =	vadd.s32 v4, v2;
	vm0 =	vmor vm1, vm0;
	v2 =	vmul.f32 $2.560000000e+02, v0  }
0x7b: {  	vm1 =	vlt.f32 v0, $9.999999740e-06;
	v4 =	vmul.f32 $2.560000000e+02, v3;
	v5 =	vmul.f32 $2.560000000e+02, v7  }
0x7c: {  	vm2 =	vlt.f32 v3, $9.999999740e-06;
	v2 =	vtrunc.f32 v2;
	vm3 =	vlt.f32 v7, $9.999999740e-06  }
0x7d: {  	v4 =	vtrunc.f32 v4;
	vm2 =	vmor vm2, vm3;
	v5 =	vtrunc.f32 v5  }
0x7e: {  	vm3 =	vge.f32 v3, $9.999899860e-01;
	v3 =	vcvt.f32.s32 v4;
	v4 =	vcvt.f32.s32 v5  }
0x7f: {  	v2 =	vcvt.f32.s32 v2;
	vm2 =	vmor vm2, vm3;
	vm3 =	vge.f32 v7, $9.999899860e-01  }
0x80: {  	vm2 =	vmor vm3, vm2;
	v3 =	vshll.u32 v3, $0x10;
	v4 =	vshll.u32 v4, $0x8  }
0x81: {  	vm1 =	vmor vm1, vm2;
	vm2 =	vge.f32 v0, $9.999899860e-01;
	v3 =	vadd.s32 v3, v4  }
0x82: {  	v0 =	vsel vm0, $0x1000000, v1;
	vm0 =	vmor vm2, vm1;
	v1 =	vadd.s32 v2, v3  }
0x83: {  	[tilespmem:s24+$0xBD00] =	vst v0;
	v0 =	vsel vm0, $0x1000000, v1  }
0x84: {  	[tilespmem:s25+$0xBD00] =	vst v0  }
0x85: {  	[tilespmem:s15], [sflag:$0x3] =	stream.indirect.gather [hbm4b:s5+s13], $0x1, s14, s13, $0xb8;
	[tilespmem:$0x13B00] =	vst v63  }
0x86: {  	_ =	swait.ge [sflag:s16], $0x1F40  }
0x87: {  	[sflag:s16] =	ssyncset.done $0x0  }
0x88: {  	[sflag:s16] =	ssyncadd.s32 $0xFFFFE0C0  }
0x89: {  	_ =	swait.ge [sflag:s16], $0x1F40  }
0x8a: {  	[sflag:s16] =	ssyncset.done $0x0  }
0x8b: {  	[sflag:s16] =	ssyncadd.s32 $0xFFFFE0C0  }
0x8c: {  	_ =	swait.ge [sflag:s16], $0x1F40  }
0x8d: {  	[sflag:s16] =	ssyncset.done $0x0  }
0x8e: {  	s24 =	simm.s32 $0x0;
	s26 =	rddreg [dreg:$0x8];
	[sflag:s16] =	ssyncadd.s32 $0xFFFFE0C0  }
0x8f: {  	[tilespmem:s24], [sflag:$0x1] =	stream.linear.gather [hbm4b:s26+s24], $0x1F40, $0x38;
	[tilespmem:$0x13B00] =	vst v63  }
0x90: {  	s26 =	rddreg [dreg:$0x9]  }
0x91: {  	[tilespmem:s7], [sflag:$0x1] =	stream.linear.gather [hbm4b:s26+s24], $0x1F40, $0x38;
	[tilespmem:$0x13B00] =	vst v63  }
0x92: {  	s26 =	rddreg [dreg:$0xa]  }
0x93: {  	[tilespmem:s8], [sflag:$0x1] =	stream.linear.gather [hbm4b:s26+s24], $0x1F40, $0x38;
	[tilespmem:$0x13B00] =	vst v63  }
0x94: {  	s24 =	simm.s32 $0x0  }
0x95: {  	v1 =	vld [tilespmem:s24+$0x9D80]  }
0x96: {  	v0 =	vld [tilespmem:s24+$0x5E80]  }
0x97: {  	v2 =	vld [tilespmem:s24+$0x7E00];
	_ =	sdelay $0x3  }
0x98: {  	v3 =	vmul.f32 $2.560000000e+02, v1  }
0x99: {  	v5 =	vmul.f32 $2.560000000e+02, v0;
	v6 =	vmul.f32 $2.560000000e+02, v2;
	vm0 =	vlt.f32 v1, $9.999999740e-06  }
0x9a: {  	s25 =	simm.s32 $0x10;
	vm2 =	vlt.f32 v0, $9.999999740e-06;
	vm1 =	vge.f32 v0, $9.999899860e-01;
	v4 =	vtrunc.f32 v3  }
0x9b: {  	v0 =	vld [tilespmem:s25+$0x9D80];
	vm3 =	vlt.f32 v2, $9.999999740e-06;
	v5 =	vtrunc.f32 v5;
	v6 =	vtrunc.f32 v6  }
0x9c: {  	s26 =	simm.s32 $0x80;
	vm2 =	vmor vm2, vm3;
	v3 =	vld [tilespmem:s25+$0x5E80];
	v5 =	vcvt.f32.s32 v5;
	v6 =	vcvt.f32.s32 v6  }
.LBB2_4:
0x9d: {  	p1 =	sne.s32 s26, $0x7CC0;
	v4 =	vcvt.f32.s32 v4;
	vm1 =	vmor vm2, vm1;
	vm2 =	vge.f32 v2, $9.999899860e-01;
	v2 =	vld [tilespmem:s25+$0x7E00]  }
0x9e: {  	v5 =	vshll.u32 v5, $0x10;
	v6 =	vshll.u32 v6, $0x8;
	vm1 =	vmor vm2, vm1  }
0x9f: {  	v5 =	vadd.s32 v5, v6;
	vm0 =	vmor vm0, vm1;
	vm1 =	vge.f32 v1, $9.999899860e-01  }
0xa0: {  	v4 =	vadd.s32 v4, v5;
	vm0 =	vmor vm1, vm0;
	v1 =	vmov v0  }
.Ltmp3:
0xa1: {  	v0 =	vmul.f32 $2.560000000e+02, v1;
	v4 =	vsel vm0, $0x1000000, v4;
	(pc) =	sbr.rel @p1 .LBB2_4-.Ltmp3, $4  }
0xa2: {  	v5 =	vmul.f32 $2.560000000e+02, v3;
	vm0 =	vlt.f32 v1, $9.999999740e-06;
	v6 =	vmul.f32 $2.560000000e+02, v2;
	[tilespmem:s24+$0xDC80] =	vst v4;
	s24 =	smov.u32 s25  }
0xa3: {  	vm2 =	vlt.f32 v3, $9.999999740e-06;
	vm1 =	vge.f32 v3, $9.999899860e-01;
	s25 =	sshra.s32 s26, $0x2;
	v4 =	vtrunc.f32 v0  }
0xa4: {  	vm3 =	vlt.f32 v2, $9.999999740e-06;
	v5 =	vtrunc.f32 v5;
	v0 =	vld [tilespmem:s25+$0x9D80];
	v6 =	vtrunc.f32 v6  }
0xa5: {  	s26 =	sadd.s32 $0x40, s26;
	vm2 =	vmor vm2, vm3;
	v5 =	vcvt.f32.s32 v5;
	v3 =	vld [tilespmem:s25+$0x5E80];
	v6 =	vcvt.f32.s32 v6  }
0xa6: {  	v7 =	vld [tilespmem:s25+$0x7E00]  }
0xa7: {  	v4 =	vcvt.f32.s32 v4;
	vm1 =	vmor vm2, vm1;
	vm2 =	vge.f32 v2, $9.999899860e-01  }
0xa8: {  	v2 =	vshll.u32 v5, $0x10;
	v5 =	vshll.u32 v6, $0x8;
	vm1 =	vmor vm2, vm1  }
0xa9: {  	v2 =	vadd.s32 v2, v5;
	vm0 =	vmor vm0, vm1;
	vm1 =	vge.f32 v1, $9.999899860e-01  }
0xaa: {  	v1 =	vadd.s32 v4, v2;
	vm0 =	vmor vm1, vm0;
	v2 =	vmul.f32 $2.560000000e+02, v0  }
0xab: {  	vm1 =	vlt.f32 v0, $9.999999740e-06;
	v4 =	vmul.f32 $2.560000000e+02, v3;
	v5 =	vmul.f32 $2.560000000e+02, v7  }
0xac: {  	vm2 =	vlt.f32 v3, $9.999999740e-06;
	v2 =	vtrunc.f32 v2;
	vm3 =	vlt.f32 v7, $9.999999740e-06  }
0xad: {  	v4 =	vtrunc.f32 v4;
	vm2 =	vmor vm2, vm3;
	v5 =	vtrunc.f32 v5  }
0xae: {  	vm3 =	vge.f32 v3, $9.999899860e-01;
	v3 =	vcvt.f32.s32 v4;
	v4 =	vcvt.f32.s32 v5  }
0xaf: {  	v2 =	vcvt.f32.s32 v2;
	vm2 =	vmor vm2, vm3;
	vm3 =	vge.f32 v7, $9.999899860e-01  }
0xb0: {  	vm2 =	vmor vm3, vm2;
	v3 =	vshll.u32 v3, $0x10;
	v4 =	vshll.u32 v4, $0x8  }
0xb1: {  	vm1 =	vmor vm1, vm2;
	vm2 =	vge.f32 v0, $9.999899860e-01;
	v3 =	vadd.s32 v3, v4  }
0xb2: {  	v0 =	vsel vm0, $0x1000000, v1;
	vm0 =	vmor vm2, vm1;
	v1 =	vadd.s32 v2, v3  }
0xb3: {  	[tilespmem:s24+$0xDC80] =	vst v0;
	v0 =	vsel vm0, $0x1000000, v1  }
0xb4: {  	[tilespmem:s25+$0xDC80] =	vst v0  }
0xb5: {  	_ =	swait.ge [sflag:s17], $0x1F40  }
0xb6: {  	s26 =	sld [smem:$0x7F9]  }
0xb7: {  	[sflag:s17] =	ssyncset.done $0x0  }
0xb8: {  	s24 =	simm.s32 $0x0;
	[sflag:s17] =	ssyncadd.s32 $0xFFFFE0C0  }
0xb9: {  	[hbm4b:s26+s24] =	stream.linear.scatter [tilespmem:s15], [sflag:$0x5], $0x1F40, $0x38;
	[tilespmem:$0x13B00] =	vst v63  }
0xba: {  	_ = 	snop  }
0xbb: {  	[tilespmem:s19], [sflag:$0x4] =	stream.indirect.gather [hbm4b:s5+s13], $0x1, s18, s13, $0xb8;
	[tilespmem:$0x13B00] =	vst v63  }
0xbc: {  	_ =	swait.ge [sflag:s9], $0x1F40  }
0xbd: {  	[sflag:s9] =	ssyncset.done $0x0  }
0xbe: {  	[sflag:s9] =	ssyncadd.s32 $0xFFFFE0C0  }
0xbf: {  	_ =	swait.ge [sflag:s9], $0x1F40  }
0xc0: {  	[sflag:s9] =	ssyncset.done $0x0  }
0xc1: {  	[sflag:s9] =	ssyncadd.s32 $0xFFFFE0C0  }
0xc2: {  	_ =	swait.ge [sflag:s9], $0x1F40  }
0xc3: {  	[sflag:s9] =	ssyncset.done $0x0  }
0xc4: {  	s26 =	rddreg [dreg:$0xb];
	[sflag:s9] =	ssyncadd.s32 $0xFFFFE0C0  }
0xc5: {  	[tilespmem:s10], [sflag:$0x2] =	stream.linear.gather [hbm4b:s26+s24], $0x1F40, $0x38;
	[tilespmem:$0x13B00] =	vst v63  }
0xc6: {  	s26 =	rddreg [dreg:$0xc]  }
0xc7: {  	[tilespmem:s11], [sflag:$0x2] =	stream.linear.gather [hbm4b:s26+s24], $0x1F40, $0x38;
	[tilespmem:$0x13B00] =	vst v63  }
0xc8: {  	s26 =	rddreg [dreg:$0xd]  }
0xc9: {  	[tilespmem:s12], [sflag:$0x2] =	stream.linear.gather [hbm4b:s26+s24], $0x1F40, $0x38;
	[tilespmem:$0x13B00] =	vst v63  }
0xca: {  	s24 =	simm.s32 $0x0  }
0xcb: {  	v1 =	vld [tilespmem:s24+$0x3F00]  }
0xcc: {  	v0 =	vld [tilespmem:s24+$0x0]  }
0xcd: {  	v2 =	vld [tilespmem:s24+$0x1F80];
	_ =	sdelay $0x3  }
0xce: {  	v3 =	vmul.f32 $2.560000000e+02, v1  }
0xcf: {  	v5 =	vmul.f32 $2.560000000e+02, v0;
	v6 =	vmul.f32 $2.560000000e+02, v2;
	vm0 =	vlt.f32 v1, $9.999999740e-06  }
0xd0: {  	s25 =	simm.s32 $0x10;
	vm2 =	vlt.f32 v0, $9.999999740e-06;
	vm1 =	vge.f32 v0, $9.999899860e-01;
	v4 =	vtrunc.f32 v3  }
0xd1: {  	v0 =	vld [tilespmem:s25+$0x3F00];
	vm3 =	vlt.f32 v2, $9.999999740e-06;
	v5 =	vtrunc.f32 v5;
	v6 =	vtrunc.f32 v6  }
0xd2: {  	s26 =	simm.s32 $0x80;
	vm2 =	vmor vm2, vm3;
	v3 =	vld [tilespmem:s25+$0x0];
	v5 =	vcvt.f32.s32 v5;
	v6 =	vcvt.f32.s32 v6  }
.LBB2_6:
0xd3: {  	p1 =	sne.s32 s26, $0x7CC0;
	v4 =	vcvt.f32.s32 v4;
	vm1 =	vmor vm2, vm1;
	vm2 =	vge.f32 v2, $9.999899860e-01;
	v2 =	vld [tilespmem:s25+$0x1F80]  }
0xd4: {  	v5 =	vshll.u32 v5, $0x10;
	v6 =	vshll.u32 v6, $0x8;
	vm1 =	vmor vm2, vm1  }
0xd5: {  	v5 =	vadd.s32 v5, v6;
	vm0 =	vmor vm0, vm1;
	vm1 =	vge.f32 v1, $9.999899860e-01  }
0xd6: {  	v4 =	vadd.s32 v4, v5;
	vm0 =	vmor vm1, vm0;
	v1 =	vmov v0  }
.Ltmp4:
0xd7: {  	v0 =	vmul.f32 $2.560000000e+02, v1;
	v4 =	vsel vm0, $0x1000000, v4;
	(pc) =	sbr.rel @p1 .LBB2_6-.Ltmp4, $4  }
0xd8: {  	v5 =	vmul.f32 $2.560000000e+02, v3;
	vm0 =	vlt.f32 v1, $9.999999740e-06;
	v6 =	vmul.f32 $2.560000000e+02, v2;
	[tilespmem:s24+$0xBD00] =	vst v4;
	s24 =	smov.u32 s25  }
0xd9: {  	vm2 =	vlt.f32 v3, $9.999999740e-06;
	vm1 =	vge.f32 v3, $9.999899860e-01;
	s25 =	sshra.s32 s26, $0x2;
	v4 =	vtrunc.f32 v0  }
0xda: {  	vm3 =	vlt.f32 v2, $9.999999740e-06;
	v5 =	vtrunc.f32 v5;
	v0 =	vld [tilespmem:s25+$0x3F00];
	v6 =	vtrunc.f32 v6  }
0xdb: {  	s26 =	sadd.s32 $0x40, s26;
	vm2 =	vmor vm2, vm3;
	v5 =	vcvt.f32.s32 v5;
	v3 =	vld [tilespmem:s25+$0x0];
	v6 =	vcvt.f32.s32 v6  }
0xdc: {  	v7 =	vld [tilespmem:s25+$0x1F80]  }
0xdd: {  	v4 =	vcvt.f32.s32 v4;
	vm1 =	vmor vm2, vm1;
	vm2 =	vge.f32 v2, $9.999899860e-01  }
0xde: {  	v2 =	vshll.u32 v5, $0x10;
	v5 =	vshll.u32 v6, $0x8;
	vm1 =	vmor vm2, vm1  }
0xdf: {  	v2 =	vadd.s32 v2, v5;
	vm0 =	vmor vm0, vm1;
	vm1 =	vge.f32 v1, $9.999899860e-01  }
0xe0: {  	v1 =	vadd.s32 v4, v2;
	vm0 =	vmor vm1, vm0;
	v2 =	vmul.f32 $2.560000000e+02, v0  }
0xe1: {  	vm1 =	vlt.f32 v0, $9.999999740e-06;
	v4 =	vmul.f32 $2.560000000e+02, v3;
	v5 =	vmul.f32 $2.560000000e+02, v7  }
0xe2: {  	vm2 =	vlt.f32 v3, $9.999999740e-06;
	v2 =	vtrunc.f32 v2;
	vm3 =	vlt.f32 v7, $9.999999740e-06  }
0xe3: {  	v4 =	vtrunc.f32 v4;
	vm2 =	vmor vm2, vm3;
	v5 =	vtrunc.f32 v5  }
0xe4: {  	vm3 =	vge.f32 v3, $9.999899860e-01;
	v3 =	vcvt.f32.s32 v4;
	v4 =	vcvt.f32.s32 v5  }
0xe5: {  	v2 =	vcvt.f32.s32 v2;
	vm2 =	vmor vm2, vm3;
	vm3 =	vge.f32 v7, $9.999899860e-01  }
0xe6: {  	vm2 =	vmor vm3, vm2;
	v3 =	vshll.u32 v3, $0x10;
	v4 =	vshll.u32 v4, $0x8  }
0xe7: {  	vm1 =	vmor vm1, vm2;
	vm2 =	vge.f32 v0, $9.999899860e-01;
	v3 =	vadd.s32 v3, v4  }
0xe8: {  	v0 =	vsel vm0, $0x1000000, v1;
	vm0 =	vmor vm2, vm1;
	v1 =	vadd.s32 v2, v3  }
0xe9: {  	[tilespmem:s24+$0xBD00] =	vst v0;
	v0 =	vsel vm0, $0x1000000, v1  }
0xea: {  	[tilespmem:s25+$0xBD00] =	vst v0  }
0xeb: {  	_ =	swait.ge [sflag:s20], $0x1F40  }
0xec: {  	[sflag:s20] =	ssyncset.done $0x0  }
0xed: {  	s24 =	simm.s32 $0x0;
	s26 =	rddreg [dreg:$0xe];
	[sflag:s20] =	ssyncadd.s32 $0xFFFFE0C0  }
0xee: {  	[hbm4b:s26+s24] =	stream.linear.scatter [tilespmem:s19], [sflag:$0x6], $0x1F40, $0x38;
	[tilespmem:$0x13B00] =	vst v63  }
0xef: {  	_ =	swait.ge [sflag:s21], $0x1F40  }
0xf0: {  	[sflag:s21] =	ssyncset.done $0x0  }
0xf1: {  	[sflag:s21] =	ssyncadd.s32 $0xFFFFE0C0  }
0xf2: {  	[tilespmem:s15], [sflag:$0x3] =	stream.indirect.gather [hbm4b:s5+s13], $0x1, s14, s13, $0xb8;
	[tilespmem:$0x13B00] =	vst v63  }
0xf3: {  	_ =	swait.ge [sflag:s16], $0x1F40  }
0xf4: {  	[sflag:s16] =	ssyncset.done $0x0  }
0xf5: {  	[sflag:s16] =	ssyncadd.s32 $0xFFFFE0C0  }
0xf6: {  	_ =	swait.ge [sflag:s16], $0x1F40  }
0xf7: {  	[sflag:s16] =	ssyncset.done $0x0  }
0xf8: {  	[sflag:s16] =	ssyncadd.s32 $0xFFFFE0C0  }
0xf9: {  	_ =	swait.ge [sflag:s16], $0x1F40  }
0xfa: {  	[sflag:s16] =	ssyncset.done $0x0  }
0xfb: {  	s26 =	rddreg [dreg:$0xf];
	[sflag:s16] =	ssyncadd.s32 $0xFFFFE0C0  }
0xfc: {  	[tilespmem:s24], [sflag:$0x1] =	stream.linear.gather [hbm4b:s26+s24], $0x1F40, $0x38;
	[tilespmem:$0x13B00] =	vst v63  }
0xfd: {  	s26 =	rddreg [dreg:$0x10]  }
0xfe: {  	[tilespmem:s7], [sflag:$0x1] =	stream.linear.gather [hbm4b:s26+s24], $0x1F40, $0x38;
	[tilespmem:$0x13B00] =	vst v63  }
0xff: {  	s26 =	rddreg [dreg:$0x11]  }
0x100: {  	[tilespmem:s8], [sflag:$0x1] =	stream.linear.gather [hbm4b:s26+s24], $0x1F40, $0x38;
	[tilespmem:$0x13B00] =	vst v63  }
0x101: {  	s24 =	simm.s32 $0x0  }
0x102: {  	v1 =	vld [tilespmem:s24+$0x9D80]  }
0x103: {  	v0 =	vld [tilespmem:s24+$0x5E80]  }
0x104: {  	v2 =	vld [tilespmem:s24+$0x7E00];
	_ =	sdelay $0x3  }
0x105: {  	v3 =	vmul.f32 $2.560000000e+02, v1  }
0x106: {  	v5 =	vmul.f32 $2.560000000e+02, v0;
	v6 =	vmul.f32 $2.560000000e+02, v2;
	vm0 =	vlt.f32 v1, $9.999999740e-06  }
0x107: {  	s25 =	simm.s32 $0x10;
	vm2 =	vlt.f32 v0, $9.999999740e-06;
	vm1 =	vge.f32 v0, $9.999899860e-01;
	v4 =	vtrunc.f32 v3  }
0x108: {  	v0 =	vld [tilespmem:s25+$0x9D80];
	vm3 =	vlt.f32 v2, $9.999999740e-06;
	v5 =	vtrunc.f32 v5;
	v6 =	vtrunc.f32 v6  }
0x109: {  	s26 =	simm.s32 $0x80;
	vm2 =	vmor vm2, vm3;
	v3 =	vld [tilespmem:s25+$0x5E80];
	v5 =	vcvt.f32.s32 v5;
	v6 =	vcvt.f32.s32 v6  }
.LBB2_8:
0x10a: {  	p1 =	sne.s32 s26, $0x7CC0;
	v4 =	vcvt.f32.s32 v4;
	vm1 =	vmor vm2, vm1;
	vm2 =	vge.f32 v2, $9.999899860e-01;
	v2 =	vld [tilespmem:s25+$0x7E00]  }
0x10b: {  	v5 =	vshll.u32 v5, $0x10;
	v6 =	vshll.u32 v6, $0x8;
	vm1 =	vmor vm2, vm1  }
0x10c: {  	v5 =	vadd.s32 v5, v6;
	vm0 =	vmor vm0, vm1;
	vm1 =	vge.f32 v1, $9.999899860e-01  }
0x10d: {  	v4 =	vadd.s32 v4, v5;
	vm0 =	vmor vm1, vm0;
	v1 =	vmov v0  }
.Ltmp5:
0x10e: {  	v0 =	vmul.f32 $2.560000000e+02, v1;
	v4 =	vsel vm0, $0x1000000, v4;
	(pc) =	sbr.rel @p1 .LBB2_8-.Ltmp5, $4  }
0x10f: {  	v5 =	vmul.f32 $2.560000000e+02, v3;
	vm0 =	vlt.f32 v1, $9.999999740e-06;
	v6 =	vmul.f32 $2.560000000e+02, v2;
	[tilespmem:s24+$0xDC80] =	vst v4;
	s24 =	smov.u32 s25  }
0x110: {  	vm2 =	vlt.f32 v3, $9.999999740e-06;
	vm1 =	vge.f32 v3, $9.999899860e-01;
	s25 =	sshra.s32 s26, $0x2;
	v4 =	vtrunc.f32 v0  }
0x111: {  	vm3 =	vlt.f32 v2, $9.999999740e-06;
	v5 =	vtrunc.f32 v5;
	v0 =	vld [tilespmem:s25+$0x9D80];
	v6 =	vtrunc.f32 v6  }
0x112: {  	s26 =	sadd.s32 $0x40, s26;
	vm2 =	vmor vm2, vm3;
	v5 =	vcvt.f32.s32 v5;
	v3 =	vld [tilespmem:s25+$0x5E80];
	v6 =	vcvt.f32.s32 v6  }
0x113: {  	v7 =	vld [tilespmem:s25+$0x7E00]  }
0x114: {  	v4 =	vcvt.f32.s32 v4;
	vm1 =	vmor vm2, vm1;
	vm2 =	vge.f32 v2, $9.999899860e-01  }
0x115: {  	v2 =	vshll.u32 v5, $0x10;
	v5 =	vshll.u32 v6, $0x8;
	vm1 =	vmor vm2, vm1  }
0x116: {  	v2 =	vadd.s32 v2, v5;
	vm0 =	vmor vm0, vm1;
	vm1 =	vge.f32 v1, $9.999899860e-01  }
0x117: {  	v1 =	vadd.s32 v4, v2;
	vm0 =	vmor vm1, vm0;
	v2 =	vmul.f32 $2.560000000e+02, v0  }
0x118: {  	vm1 =	vlt.f32 v0, $9.999999740e-06;
	v4 =	vmul.f32 $2.560000000e+02, v3;
	v5 =	vmul.f32 $2.560000000e+02, v7  }
0x119: {  	vm2 =	vlt.f32 v3, $9.999999740e-06;
	v2 =	vtrunc.f32 v2;
	vm3 =	vlt.f32 v7, $9.999999740e-06  }
0x11a: {  	v4 =	vtrunc.f32 v4;
	vm2 =	vmor vm2, vm3;
	v5 =	vtrunc.f32 v5  }
0x11b: {  	vm3 =	vge.f32 v3, $9.999899860e-01;
	v3 =	vcvt.f32.s32 v4;
	v4 =	vcvt.f32.s32 v5  }
0x11c: {  	v2 =	vcvt.f32.s32 v2;
	vm2 =	vmor vm2, vm3;
	vm3 =	vge.f32 v7, $9.999899860e-01  }
0x11d: {  	vm2 =	vmor vm3, vm2;
	v3 =	vshll.u32 v3, $0x10;
	v4 =	vshll.u32 v4, $0x8  }
0x11e: {  	vm1 =	vmor vm1, vm2;
	vm2 =	vge.f32 v0, $9.999899860e-01;
	v3 =	vadd.s32 v3, v4  }
0x11f: {  	v0 =	vsel vm0, $0x1000000, v1;
	vm0 =	vmor vm2, vm1;
	v1 =	vadd.s32 v2, v3  }
0x120: {  	[tilespmem:s24+$0xDC80] =	vst v0;
	v0 =	vsel vm0, $0x1000000, v1  }
0x121: {  	[tilespmem:s25+$0xDC80] =	vst v0  }
0x122: {  	_ =	swait.ge [sflag:s17], $0x1F40  }
0x123: {  	[sflag:s17] =	ssyncset.done $0x0  }
0x124: {  	s24 =	simm.s32 $0x0;
	s26 =	rddreg [dreg:$0x12];
	[sflag:s17] =	ssyncadd.s32 $0xFFFFE0C0  }
0x125: {  	[hbm4b:s26+s24] =	stream.linear.scatter [tilespmem:s15], [sflag:$0x5], $0x1F40, $0x38;
	[tilespmem:$0x13B00] =	vst v63  }
0x126: {  	_ =	swait.ge [sflag:s22], $0x1F40  }
0x127: {  	[sflag:s22] =	ssyncset.done $0x0  }
0x128: {  	[sflag:s22] =	ssyncadd.s32 $0xFFFFE0C0  }
0x129: {  	[tilespmem:s19], [sflag:$0x4] =	stream.indirect.gather [hbm4b:s5+s13], $0x1, s18, s13, $0xb8;
	[tilespmem:$0x13B00] =	vst v63  }
0x12a: {  	_ =	swait.ge [sflag:s9], $0x1F40  }
0x12b: {  	[sflag:s9] =	ssyncset.done $0x0  }
0x12c: {  	[sflag:s9] =	ssyncadd.s32 $0xFFFFE0C0  }
0x12d: {  	_ =	swait.ge [sflag:s9], $0x1F40  }
0x12e: {  	[sflag:s9] =	ssyncset.done $0x0  }
0x12f: {  	[sflag:s9] =	ssyncadd.s32 $0xFFFFE0C0  }
0x130: {  	_ =	swait.ge [sflag:s9], $0x1F40  }
0x131: {  	[sflag:s9] =	ssyncset.done $0x0  }
0x132: {  	s26 =	rddreg [dreg:$0x15];
	[sflag:s9] =	ssyncadd.s32 $0xFFFFE0C0  }
0x133: {  	[tilespmem:s10], [sflag:$0x2] =	stream.linear.gather [hbm4b:s26+s24], $0x1F40, $0x38;
	[tilespmem:$0x13B00] =	vst v63  }
0x134: {  	s26 =	rddreg [dreg:$0x16]  }
0x135: {  	[tilespmem:s11], [sflag:$0x2] =	stream.linear.gather [hbm4b:s26+s24], $0x1F40, $0x38;
	[tilespmem:$0x13B00] =	vst v63  }
0x136: {  	s26 =	rddreg [dreg:$0x17]  }
0x137: {  	[tilespmem:s12], [sflag:$0x2] =	stream.linear.gather [hbm4b:s26+s24], $0x1F40, $0x38;
	[tilespmem:$0x13B00] =	vst v63  }
0x138: {  	s24 =	simm.s32 $0x0  }
0x139: {  	v1 =	vld [tilespmem:s24+$0x3F00]  }
0x13a: {  	v0 =	vld [tilespmem:s24+$0x0]  }
0x13b: {  	v2 =	vld [tilespmem:s24+$0x1F80];
	_ =	sdelay $0x3  }
0x13c: {  	v3 =	vmul.f32 $2.560000000e+02, v1  }
0x13d: {  	v5 =	vmul.f32 $2.560000000e+02, v0;
	v6 =	vmul.f32 $2.560000000e+02, v2;
	vm0 =	vlt.f32 v1, $9.999999740e-06  }
0x13e: {  	s25 =	simm.s32 $0x10;
	vm2 =	vlt.f32 v0, $9.999999740e-06;
	vm1 =	vge.f32 v0, $9.999899860e-01;
	v4 =	vtrunc.f32 v3  }
0x13f: {  	v0 =	vld [tilespmem:s25+$0x3F00];
	vm3 =	vlt.f32 v2, $9.999999740e-06;
	v5 =	vtrunc.f32 v5;
	v6 =	vtrunc.f32 v6  }
0x140: {  	s26 =	simm.s32 $0x80;
	vm2 =	vmor vm2, vm3;
	v3 =	vld [tilespmem:s25+$0x0];
	v5 =	vcvt.f32.s32 v5;
	v6 =	vcvt.f32.s32 v6  }
.LBB2_10:
0x141: {  	p1 =	sne.s32 s26, $0x7CC0;
	v4 =	vcvt.f32.s32 v4;
	vm1 =	vmor vm2, vm1;
	vm2 =	vge.f32 v2, $9.999899860e-01;
	v2 =	vld [tilespmem:s25+$0x1F80]  }
0x142: {  	v5 =	vshll.u32 v5, $0x10;
	v6 =	vshll.u32 v6, $0x8;
	vm1 =	vmor vm2, vm1  }
0x143: {  	v5 =	vadd.s32 v5, v6;
	vm0 =	vmor vm0, vm1;
	vm1 =	vge.f32 v1, $9.999899860e-01  }
0x144: {  	v4 =	vadd.s32 v4, v5;
	vm0 =	vmor vm1, vm0;
	v1 =	vmov v0  }
.Ltmp6:
0x145: {  	v0 =	vmul.f32 $2.560000000e+02, v1;
	v4 =	vsel vm0, $0x1000000, v4;
	(pc) =	sbr.rel @p1 .LBB2_10-.Ltmp6, $4  }
0x146: {  	v5 =	vmul.f32 $2.560000000e+02, v3;
	vm0 =	vlt.f32 v1, $9.999999740e-06;
	v6 =	vmul.f32 $2.560000000e+02, v2;
	[tilespmem:s24+$0xBD00] =	vst v4;
	s24 =	smov.u32 s25  }
0x147: {  	vm2 =	vlt.f32 v3, $9.999999740e-06;
	vm1 =	vge.f32 v3, $9.999899860e-01;
	s25 =	sshra.s32 s26, $0x2;
	v4 =	vtrunc.f32 v0  }
0x148: {  	vm3 =	vlt.f32 v2, $9.999999740e-06;
	v5 =	vtrunc.f32 v5;
	v0 =	vld [tilespmem:s25+$0x3F00];
	v6 =	vtrunc.f32 v6  }
0x149: {  	s26 =	sadd.s32 $0x40, s26;
	vm2 =	vmor vm2, vm3;
	v5 =	vcvt.f32.s32 v5;
	v3 =	vld [tilespmem:s25+$0x0];
	v6 =	vcvt.f32.s32 v6  }
0x14a: {  	v7 =	vld [tilespmem:s25+$0x1F80]  }
0x14b: {  	v4 =	vcvt.f32.s32 v4;
	vm1 =	vmor vm2, vm1;
	vm2 =	vge.f32 v2, $9.999899860e-01  }
0x14c: {  	v2 =	vshll.u32 v5, $0x10;
	v5 =	vshll.u32 v6, $0x8;
	vm1 =	vmor vm2, vm1  }
0x14d: {  	v2 =	vadd.s32 v2, v5;
	vm0 =	vmor vm0, vm1;
	vm1 =	vge.f32 v1, $9.999899860e-01  }
0x14e: {  	v1 =	vadd.s32 v4, v2;
	vm0 =	vmor vm1, vm0;
	v2 =	vmul.f32 $2.560000000e+02, v0  }
0x14f: {  	vm1 =	vlt.f32 v0, $9.999999740e-06;
	v4 =	vmul.f32 $2.560000000e+02, v3;
	v5 =	vmul.f32 $2.560000000e+02, v7  }
0x150: {  	vm2 =	vlt.f32 v3, $9.999999740e-06;
	v2 =	vtrunc.f32 v2;
	vm3 =	vlt.f32 v7, $9.999999740e-06  }
0x151: {  	v4 =	vtrunc.f32 v4;
	vm2 =	vmor vm2, vm3;
	v5 =	vtrunc.f32 v5  }
0x152: {  	vm3 =	vge.f32 v3, $9.999899860e-01;
	v3 =	vcvt.f32.s32 v4;
	v4 =	vcvt.f32.s32 v5  }
0x153: {  	v2 =	vcvt.f32.s32 v2;
	vm2 =	vmor vm2, vm3;
	vm3 =	vge.f32 v7, $9.999899860e-01  }
0x154: {  	vm2 =	vmor vm3, vm2;
	v3 =	vshll.u32 v3, $0x10;
	v4 =	vshll.u32 v4, $0x8  }
0x155: {  	vm1 =	vmor vm1, vm2;
	vm2 =	vge.f32 v0, $9.999899860e-01;
	v3 =	vadd.s32 v3, v4  }
0x156: {  	v0 =	vsel vm0, $0x1000000, v1;
	vm0 =	vmor vm2, vm1;
	v1 =	vadd.s32 v2, v3  }
0x157: {  	[tilespmem:s24+$0xBD00] =	vst v0;
	v0 =	vsel vm0, $0x1000000, v1  }
0x158: {  	[tilespmem:s25+$0xBD00] =	vst v0  }
0x159: {  	_ =	swait.ge [sflag:s20], $0x1F40  }
0x15a: {  	[sflag:s20] =	ssyncset.done $0x0  }
0x15b: {  	s24 =	simm.s32 $0x0;
	s26 =	rddreg [dreg:$0x13];
	[sflag:s20] =	ssyncadd.s32 $0xFFFFE0C0  }
0x15c: {  	[hbm4b:s26+s24] =	stream.linear.scatter [tilespmem:s19], [sflag:$0x6], $0x1F40, $0x38;
	[tilespmem:$0x13B00] =	vst v63  }
0x15d: {  	_ =	swait.ge [sflag:s21], $0x1F40  }
0x15e: {  	[sflag:s21] =	ssyncset.done $0x0  }
0x15f: {  	[sflag:s21] =	ssyncadd.s32 $0xFFFFE0C0  }
0x160: {  	[tilespmem:s15], [sflag:$0x3] =	stream.indirect.gather [hbm4b:s5+s13], $0x1, s14, s13, $0xb8;
	[tilespmem:$0x13B00] =	vst v63  }
0x161: {  	_ =	swait.ge [sflag:s16], $0x1F40  }
0x162: {  	[sflag:s16] =	ssyncset.done $0x0  }
0x163: {  	[sflag:s16] =	ssyncadd.s32 $0xFFFFE0C0  }
0x164: {  	_ =	swait.ge [sflag:s16], $0x1F40  }
0x165: {  	[sflag:s16] =	ssyncset.done $0x0  }
0x166: {  	[sflag:s16] =	ssyncadd.s32 $0xFFFFE0C0  }
0x167: {  	_ =	swait.ge [sflag:s16], $0x1F40  }
0x168: {  	[sflag:s16] =	ssyncset.done $0x0  }
0x169: {  	s26 =	rddreg [dreg:$0x19];
	[sflag:s16] =	ssyncadd.s32 $0xFFFFE0C0  }
0x16a: {  	[tilespmem:s24], [sflag:$0x1] =	stream.linear.gather [hbm4b:s26+s24], $0x1F40, $0x38;
	[tilespmem:$0x13B00] =	vst v63  }
0x16b: {  	s26 =	rddreg [dreg:$0x1a]  }
0x16c: {  	[tilespmem:s7], [sflag:$0x1] =	stream.linear.gather [hbm4b:s26+s24], $0x1F40, $0x38;
	[tilespmem:$0x13B00] =	vst v63  }
0x16d: {  	s26 =	rddreg [dreg:$0x1b]  }
0x16e: {  	[tilespmem:s8], [sflag:$0x1] =	stream.linear.gather [hbm4b:s26+s24], $0x1F40, $0x38;
	[tilespmem:$0x13B00] =	vst v63  }
0x16f: {  	s24 =	simm.s32 $0x0  }
0x170: {  	v1 =	vld [tilespmem:s24+$0x9D80]  }
0x171: {  	v0 =	vld [tilespmem:s24+$0x5E80]  }
0x172: {  	v2 =	vld [tilespmem:s24+$0x7E00];
	_ =	sdelay $0x3  }
0x173: {  	v3 =	vmul.f32 $2.560000000e+02, v1  }
0x174: {  	v5 =	vmul.f32 $2.560000000e+02, v0;
	v6 =	vmul.f32 $2.560000000e+02, v2;
	vm0 =	vlt.f32 v1, $9.999999740e-06  }
0x175: {  	s25 =	simm.s32 $0x10;
	vm2 =	vlt.f32 v0, $9.999999740e-06;
	vm1 =	vge.f32 v0, $9.999899860e-01;
	v4 =	vtrunc.f32 v3  }
0x176: {  	v0 =	vld [tilespmem:s25+$0x9D80];
	vm3 =	vlt.f32 v2, $9.999999740e-06;
	v5 =	vtrunc.f32 v5;
	v6 =	vtrunc.f32 v6  }
0x177: {  	s26 =	simm.s32 $0x80;
	vm2 =	vmor vm2, vm3;
	v3 =	vld [tilespmem:s25+$0x5E80];
	v5 =	vcvt.f32.s32 v5;
	v6 =	vcvt.f32.s32 v6  }
.LBB2_12:
0x178: {  	p1 =	sne.s32 s26, $0x7CC0;
	v4 =	vcvt.f32.s32 v4;
	vm1 =	vmor vm2, vm1;
	vm2 =	vge.f32 v2, $9.999899860e-01;
	v2 =	vld [tilespmem:s25+$0x7E00]  }
0x179: {  	v5 =	vshll.u32 v5, $0x10;
	v6 =	vshll.u32 v6, $0x8;
	vm1 =	vmor vm2, vm1  }
0x17a: {  	v5 =	vadd.s32 v5, v6;
	vm0 =	vmor vm0, vm1;
	vm1 =	vge.f32 v1, $9.999899860e-01  }
0x17b: {  	v4 =	vadd.s32 v4, v5;
	vm0 =	vmor vm1, vm0;
	v1 =	vmov v0  }
.Ltmp7:
0x17c: {  	v0 =	vmul.f32 $2.560000000e+02, v1;
	v4 =	vsel vm0, $0x1000000, v4;
	(pc) =	sbr.rel @p1 .LBB2_12-.Ltmp7, $4  }
0x17d: {  	v5 =	vmul.f32 $2.560000000e+02, v3;
	vm0 =	vlt.f32 v1, $9.999999740e-06;
	v6 =	vmul.f32 $2.560000000e+02, v2;
	[tilespmem:s24+$0xDC80] =	vst v4;
	s24 =	smov.u32 s25  }
0x17e: {  	vm2 =	vlt.f32 v3, $9.999999740e-06;
	vm1 =	vge.f32 v3, $9.999899860e-01;
	s25 =	sshra.s32 s26, $0x2;
	v4 =	vtrunc.f32 v0  }
0x17f: {  	vm3 =	vlt.f32 v2, $9.999999740e-06;
	v5 =	vtrunc.f32 v5;
	v0 =	vld [tilespmem:s25+$0x9D80];
	v6 =	vtrunc.f32 v6  }
0x180: {  	s26 =	sadd.s32 $0x40, s26;
	vm2 =	vmor vm2, vm3;
	v5 =	vcvt.f32.s32 v5;
	v3 =	vld [tilespmem:s25+$0x5E80];
	v6 =	vcvt.f32.s32 v6  }
0x181: {  	v7 =	vld [tilespmem:s25+$0x7E00]  }
0x182: {  	v4 =	vcvt.f32.s32 v4;
	vm1 =	vmor vm2, vm1;
	vm2 =	vge.f32 v2, $9.999899860e-01  }
0x183: {  	v2 =	vshll.u32 v5, $0x10;
	v5 =	vshll.u32 v6, $0x8;
	vm1 =	vmor vm2, vm1  }
0x184: {  	v2 =	vadd.s32 v2, v5;
	vm0 =	vmor vm0, vm1;
	vm1 =	vge.f32 v1, $9.999899860e-01  }
0x185: {  	v1 =	vadd.s32 v4, v2;
	vm0 =	vmor vm1, vm0;
	v2 =	vmul.f32 $2.560000000e+02, v0  }
0x186: {  	vm1 =	vlt.f32 v0, $9.999999740e-06;
	v4 =	vmul.f32 $2.560000000e+02, v3;
	v5 =	vmul.f32 $2.560000000e+02, v7  }
0x187: {  	vm2 =	vlt.f32 v3, $9.999999740e-06;
	v2 =	vtrunc.f32 v2;
	vm3 =	vlt.f32 v7, $9.999999740e-06  }
0x188: {  	v4 =	vtrunc.f32 v4;
	vm2 =	vmor vm2, vm3;
	v5 =	vtrunc.f32 v5  }
0x189: {  	vm3 =	vge.f32 v3, $9.999899860e-01;
	v3 =	vcvt.f32.s32 v4;
	v4 =	vcvt.f32.s32 v5  }
0x18a: {  	v2 =	vcvt.f32.s32 v2;
	vm2 =	vmor vm2, vm3;
	vm3 =	vge.f32 v7, $9.999899860e-01  }
0x18b: {  	vm2 =	vmor vm3, vm2;
	v3 =	vshll.u32 v3, $0x10;
	v4 =	vshll.u32 v4, $0x8  }
0x18c: {  	vm1 =	vmor vm1, vm2;
	vm2 =	vge.f32 v0, $9.999899860e-01;
	v3 =	vadd.s32 v3, v4  }
0x18d: {  	v0 =	vsel vm0, $0x1000000, v1;
	vm0 =	vmor vm2, vm1;
	v1 =	vadd.s32 v2, v3  }
0x18e: {  	[tilespmem:s24+$0xDC80] =	vst v0;
	v0 =	vsel vm0, $0x1000000, v1  }
0x18f: {  	[tilespmem:s25+$0xDC80] =	vst v0  }
0x190: {  	_ =	swait.ge [sflag:s17], $0x1F40  }
0x191: {  	[sflag:s17] =	ssyncset.done $0x0  }
0x192: {  	s24 =	simm.s32 $0x0;
	s26 =	rddreg [dreg:$0x14];
	[sflag:s17] =	ssyncadd.s32 $0xFFFFE0C0  }
0x193: {  	[hbm4b:s26+s24] =	stream.linear.scatter [tilespmem:s15], [sflag:$0x5], $0x1F40, $0x38;
	[tilespmem:$0x13B00] =	vst v63  }
0x194: {  	_ =	swait.ge [sflag:s22], $0x1F40  }
0x195: {  	[sflag:s22] =	ssyncset.done $0x0  }
0x196: {  	[sflag:s22] =	ssyncadd.s32 $0xFFFFE0C0  }
0x197: {  	[tilespmem:s19], [sflag:$0x4] =	stream.indirect.gather [hbm4b:s5+s13], $0x1, s18, s13, $0xb8;
	[tilespmem:$0x13B00] =	vst v63  }
0x198: {  	_ =	swait.ge [sflag:s9], $0x1F40  }
0x199: {  	[sflag:s9] =	ssyncset.done $0x0  }
0x19a: {  	[sflag:s9] =	ssyncadd.s32 $0xFFFFE0C0  }
0x19b: {  	_ =	swait.ge [sflag:s9], $0x1F40  }
0x19c: {  	[sflag:s9] =	ssyncset.done $0x0  }
0x19d: {  	[sflag:s9] =	ssyncadd.s32 $0xFFFFE0C0  }
0x19e: {  	_ =	swait.ge [sflag:s9], $0x1F40  }
0x19f: {  	[sflag:s9] =	ssyncset.done $0x0  }
0x1a0: {  	s26 =	rddreg [dreg:$0x1d];
	[sflag:s9] =	ssyncadd.s32 $0xFFFFE0C0  }
0x1a1: {  	[tilespmem:s10], [sflag:$0x2] =	stream.linear.gather [hbm4b:s26+s24], $0x1F40, $0x38;
	[tilespmem:$0x13B00] =	vst v63  }
0x1a2: {  	s26 =	rddreg [dreg:$0x1e]  }
0x1a3: {  	[tilespmem:s11], [sflag:$0x2] =	stream.linear.gather [hbm4b:s26+s24], $0x1F40, $0x38;
	[tilespmem:$0x13B00] =	vst v63  }
0x1a4: {  	s26 =	rddreg [dreg:$0x1f]  }
0x1a5: {  	[tilespmem:s12], [sflag:$0x2] =	stream.linear.gather [hbm4b:s26+s24], $0x1F40, $0x38;
	[tilespmem:$0x13B00] =	vst v63  }
0x1a6: {  	s24 =	simm.s32 $0x0  }
0x1a7: {  	v1 =	vld [tilespmem:s24+$0x3F00]  }
0x1a8: {  	v0 =	vld [tilespmem:s24+$0x0]  }
0x1a9: {  	v2 =	vld [tilespmem:s24+$0x1F80];
	_ =	sdelay $0x3  }
0x1aa: {  	v3 =	vmul.f32 $2.560000000e+02, v1  }
0x1ab: {  	v5 =	vmul.f32 $2.560000000e+02, v0;
	v6 =	vmul.f32 $2.560000000e+02, v2;
	vm0 =	vlt.f32 v1, $9.999999740e-06  }
0x1ac: {  	s25 =	simm.s32 $0x10;
	vm2 =	vlt.f32 v0, $9.999999740e-06;
	vm1 =	vge.f32 v0, $9.999899860e-01;
	v4 =	vtrunc.f32 v3  }
0x1ad: {  	v0 =	vld [tilespmem:s25+$0x3F00];
	vm3 =	vlt.f32 v2, $9.999999740e-06;
	v5 =	vtrunc.f32 v5;
	v6 =	vtrunc.f32 v6  }
0x1ae: {  	s26 =	simm.s32 $0x80;
	vm2 =	vmor vm2, vm3;
	v3 =	vld [tilespmem:s25+$0x0];
	v5 =	vcvt.f32.s32 v5;
	v6 =	vcvt.f32.s32 v6  }
.LBB2_14:
0x1af: {  	p1 =	sne.s32 s26, $0x7CC0;
	v4 =	vcvt.f32.s32 v4;
	vm1 =	vmor vm2, vm1;
	vm2 =	vge.f32 v2, $9.999899860e-01;
	v2 =	vld [tilespmem:s25+$0x1F80]  }
0x1b0: {  	v5 =	vshll.u32 v5, $0x10;
	v6 =	vshll.u32 v6, $0x8;
	vm1 =	vmor vm2, vm1  }
0x1b1: {  	v5 =	vadd.s32 v5, v6;
	vm0 =	vmor vm0, vm1;
	vm1 =	vge.f32 v1, $9.999899860e-01  }
0x1b2: {  	v4 =	vadd.s32 v4, v5;
	vm0 =	vmor vm1, vm0;
	v1 =	vmov v0  }
.Ltmp8:
0x1b3: {  	v0 =	vmul.f32 $2.560000000e+02, v1;
	v4 =	vsel vm0, $0x1000000, v4;
	(pc) =	sbr.rel @p1 .LBB2_14-.Ltmp8, $4  }
0x1b4: {  	v5 =	vmul.f32 $2.560000000e+02, v3;
	vm0 =	vlt.f32 v1, $9.999999740e-06;
	v6 =	vmul.f32 $2.560000000e+02, v2;
	[tilespmem:s24+$0xBD00] =	vst v4;
	s24 =	smov.u32 s25  }
0x1b5: {  	vm2 =	vlt.f32 v3, $9.999999740e-06;
	vm1 =	vge.f32 v3, $9.999899860e-01;
	s25 =	sshra.s32 s26, $0x2;
	v4 =	vtrunc.f32 v0  }
0x1b6: {  	vm3 =	vlt.f32 v2, $9.999999740e-06;
	v5 =	vtrunc.f32 v5;
	v0 =	vld [tilespmem:s25+$0x3F00];
	v6 =	vtrunc.f32 v6  }
0x1b7: {  	s26 =	sadd.s32 $0x40, s26;
	vm2 =	vmor vm2, vm3;
	v5 =	vcvt.f32.s32 v5;
	v3 =	vld [tilespmem:s25+$0x0];
	v6 =	vcvt.f32.s32 v6  }
0x1b8: {  	v7 =	vld [tilespmem:s25+$0x1F80]  }
0x1b9: {  	v4 =	vcvt.f32.s32 v4;
	vm1 =	vmor vm2, vm1;
	vm2 =	vge.f32 v2, $9.999899860e-01  }
0x1ba: {  	v2 =	vshll.u32 v5, $0x10;
	v5 =	vshll.u32 v6, $0x8;
	vm1 =	vmor vm2, vm1  }
0x1bb: {  	v2 =	vadd.s32 v2, v5;
	vm0 =	vmor vm0, vm1;
	vm1 =	vge.f32 v1, $9.999899860e-01  }
0x1bc: {  	v1 =	vadd.s32 v4, v2;
	vm0 =	vmor vm1, vm0;
	v2 =	vmul.f32 $2.560000000e+02, v0  }
0x1bd: {  	vm1 =	vlt.f32 v0, $9.999999740e-06;
	v4 =	vmul.f32 $2.560000000e+02, v3;
	v5 =	vmul.f32 $2.560000000e+02, v7  }
0x1be: {  	vm2 =	vlt.f32 v3, $9.999999740e-06;
	v2 =	vtrunc.f32 v2;
	vm3 =	vlt.f32 v7, $9.999999740e-06  }
0x1bf: {  	v4 =	vtrunc.f32 v4;
	vm2 =	vmor vm2, vm3;
	v5 =	vtrunc.f32 v5  }
0x1c0: {  	vm3 =	vge.f32 v3, $9.999899860e-01;
	v3 =	vcvt.f32.s32 v4;
	v4 =	vcvt.f32.s32 v5  }
0x1c1: {  	v2 =	vcvt.f32.s32 v2;
	vm2 =	vmor vm2, vm3;
	vm3 =	vge.f32 v7, $9.999899860e-01  }
0x1c2: {  	vm2 =	vmor vm3, vm2;
	v3 =	vshll.u32 v3, $0x10;
	v4 =	vshll.u32 v4, $0x8  }
0x1c3: {  	vm1 =	vmor vm1, vm2;
	vm2 =	vge.f32 v0, $9.999899860e-01;
	v3 =	vadd.s32 v3, v4  }
0x1c4: {  	v0 =	vsel vm0, $0x1000000, v1;
	vm0 =	vmor vm2, vm1;
	v1 =	vadd.s32 v2, v3  }
0x1c5: {  	[tilespmem:s24+$0xBD00] =	vst v0;
	v0 =	vsel vm0, $0x1000000, v1  }
0x1c6: {  	[tilespmem:s25+$0xBD00] =	vst v0  }
0x1c7: {  	_ =	swait.ge [sflag:s20], $0x1F40  }
0x1c8: {  	[sflag:s20] =	ssyncset.done $0x0  }
0x1c9: {  	s24 =	simm.s32 $0x0;
	s26 =	rddreg [dreg:$0x18];
	[sflag:s20] =	ssyncadd.s32 $0xFFFFE0C0  }
0x1ca: {  	[hbm4b:s26+s24] =	stream.linear.scatter [tilespmem:s19], [sflag:$0x6], $0x1F40, $0x38;
	[tilespmem:$0x13B00] =	vst v63  }
0x1cb: {  	_ =	swait.ge [sflag:s21], $0x1F40  }
0x1cc: {  	[sflag:s21] =	ssyncset.done $0x0  }
0x1cd: {  	[sflag:s21] =	ssyncadd.s32 $0xFFFFE0C0  }
0x1ce: {  	[tilespmem:s15], [sflag:$0x3] =	stream.indirect.gather [hbm4b:s5+s13], $0x1, s14, s13, $0xb8;
	[tilespmem:$0x13B00] =	vst v63  }
0x1cf: {  	_ =	swait.ge [sflag:s16], $0x1F40  }
0x1d0: {  	[sflag:s16] =	ssyncset.done $0x0  }
0x1d1: {  	[sflag:s16] =	ssyncadd.s32 $0xFFFFE0C0  }
0x1d2: {  	_ =	swait.ge [sflag:s16], $0x1F40  }
0x1d3: {  	[sflag:s16] =	ssyncset.done $0x0  }
0x1d4: {  	[sflag:s16] =	ssyncadd.s32 $0xFFFFE0C0  }
0x1d5: {  	_ =	swait.ge [sflag:s16], $0x1F40  }
0x1d6: {  	s26 =	sld [smem:$0x7E2]  }
0x1d7: {  	[sflag:s16] =	ssyncset.done $0x0  }
0x1d8: {  	[sflag:s16] =	ssyncadd.s32 $0xFFFFE0C0  }
0x1d9: {  	[tilespmem:s24], [sflag:$0x1] =	stream.linear.gather [hbm4b:s26+s24], $0x1F40, $0x38;
	[tilespmem:$0x13B00] =	vst v63  }
0x1da: {  	s26 =	sld [smem:$0x7E3];
	_ =	sdelay $0x2  }
0x1db: {  	[tilespmem:s7], [sflag:$0x1] =	stream.linear.gather [hbm4b:s26+s24], $0x1F40, $0x38;
	[tilespmem:$0x13B00] =	vst v63  }
0x1dc: {  	s26 =	sld [smem:$0x7E4];
	_ =	sdelay $0x2  }
0x1dd: {  	[tilespmem:s8], [sflag:$0x1] =	stream.linear.gather [hbm4b:s26+s24], $0x1F40, $0x38;
	[tilespmem:$0x13B00] =	vst v63  }
0x1de: {  	s24 =	simm.s32 $0x0  }
0x1df: {  	v1 =	vld [tilespmem:s24+$0x9D80]  }
0x1e0: {  	v0 =	vld [tilespmem:s24+$0x5E80]  }
0x1e1: {  	v2 =	vld [tilespmem:s24+$0x7E00];
	_ =	sdelay $0x3  }
0x1e2: {  	v3 =	vmul.f32 $2.560000000e+02, v1  }
0x1e3: {  	v5 =	vmul.f32 $2.560000000e+02, v0;
	v6 =	vmul.f32 $2.560000000e+02, v2;
	vm0 =	vlt.f32 v1, $9.999999740e-06  }
0x1e4: {  	s25 =	simm.s32 $0x10;
	vm2 =	vlt.f32 v0, $9.999999740e-06;
	vm1 =	vge.f32 v0, $9.999899860e-01;
	v4 =	vtrunc.f32 v3  }
0x1e5: {  	v0 =	vld [tilespmem:s25+$0x9D80];
	vm3 =	vlt.f32 v2, $9.999999740e-06;
	v5 =	vtrunc.f32 v5;
	v6 =	vtrunc.f32 v6  }
0x1e6: {  	s26 =	simm.s32 $0x80;
	vm2 =	vmor vm2, vm3;
	v3 =	vld [tilespmem:s25+$0x5E80];
	v5 =	vcvt.f32.s32 v5;
	v6 =	vcvt.f32.s32 v6  }
.LBB2_16:
0x1e7: {  	p1 =	sne.s32 s26, $0x7CC0;
	v4 =	vcvt.f32.s32 v4;
	vm1 =	vmor vm2, vm1;
	vm2 =	vge.f32 v2, $9.999899860e-01;
	v2 =	vld [tilespmem:s25+$0x7E00]  }
0x1e8: {  	v5 =	vshll.u32 v5, $0x10;
	v6 =	vshll.u32 v6, $0x8;
	vm1 =	vmor vm2, vm1  }
0x1e9: {  	v5 =	vadd.s32 v5, v6;
	vm0 =	vmor vm0, vm1;
	vm1 =	vge.f32 v1, $9.999899860e-01  }
0x1ea: {  	v4 =	vadd.s32 v4, v5;
	vm0 =	vmor vm1, vm0;
	v1 =	vmov v0  }
.Ltmp9:
0x1eb: {  	v0 =	vmul.f32 $2.560000000e+02, v1;
	v4 =	vsel vm0, $0x1000000, v4;
	(pc) =	sbr.rel @p1 .LBB2_16-.Ltmp9, $4  }
0x1ec: {  	v5 =	vmul.f32 $2.560000000e+02, v3;
	vm0 =	vlt.f32 v1, $9.999999740e-06;
	v6 =	vmul.f32 $2.560000000e+02, v2;
	[tilespmem:s24+$0xDC80] =	vst v4;
	s24 =	smov.u32 s25  }
0x1ed: {  	vm2 =	vlt.f32 v3, $9.999999740e-06;
	vm1 =	vge.f32 v3, $9.999899860e-01;
	s25 =	sshra.s32 s26, $0x2;
	v4 =	vtrunc.f32 v0  }
0x1ee: {  	vm3 =	vlt.f32 v2, $9.999999740e-06;
	v5 =	vtrunc.f32 v5;
	v0 =	vld [tilespmem:s25+$0x9D80];
	v6 =	vtrunc.f32 v6  }
0x1ef: {  	s26 =	sadd.s32 $0x40, s26;
	vm2 =	vmor vm2, vm3;
	v5 =	vcvt.f32.s32 v5;
	v3 =	vld [tilespmem:s25+$0x5E80];
	v6 =	vcvt.f32.s32 v6  }
0x1f0: {  	v7 =	vld [tilespmem:s25+$0x7E00]  }
0x1f1: {  	v4 =	vcvt.f32.s32 v4;
	vm1 =	vmor vm2, vm1;
	vm2 =	vge.f32 v2, $9.999899860e-01  }
0x1f2: {  	v2 =	vshll.u32 v5, $0x10;
	v5 =	vshll.u32 v6, $0x8;
	vm1 =	vmor vm2, vm1  }
0x1f3: {  	v2 =	vadd.s32 v2, v5;
	vm0 =	vmor vm0, vm1;
	vm1 =	vge.f32 v1, $9.999899860e-01  }
0x1f4: {  	v1 =	vadd.s32 v4, v2;
	vm0 =	vmor vm1, vm0;
	v2 =	vmul.f32 $2.560000000e+02, v0  }
0x1f5: {  	vm1 =	vlt.f32 v0, $9.999999740e-06;
	v4 =	vmul.f32 $2.560000000e+02, v3;
	v5 =	vmul.f32 $2.560000000e+02, v7  }
0x1f6: {  	vm2 =	vlt.f32 v3, $9.999999740e-06;
	v2 =	vtrunc.f32 v2;
	vm3 =	vlt.f32 v7, $9.999999740e-06  }
0x1f7: {  	v4 =	vtrunc.f32 v4;
	vm2 =	vmor vm2, vm3;
	v5 =	vtrunc.f32 v5  }
0x1f8: {  	vm3 =	vge.f32 v3, $9.999899860e-01;
	v3 =	vcvt.f32.s32 v4;
	v4 =	vcvt.f32.s32 v5  }
0x1f9: {  	v2 =	vcvt.f32.s32 v2;
	vm2 =	vmor vm2, vm3;
	vm3 =	vge.f32 v7, $9.999899860e-01  }
0x1fa: {  	vm2 =	vmor vm3, vm2;
	v3 =	vshll.u32 v3, $0x10;
	v4 =	vshll.u32 v4, $0x8  }
0x1fb: {  	vm1 =	vmor vm1, vm2;
	vm2 =	vge.f32 v0, $9.999899860e-01;
	v3 =	vadd.s32 v3, v4  }
0x1fc: {  	v0 =	vsel vm0, $0x1000000, v1;
	vm0 =	vmor vm2, vm1;
	v1 =	vadd.s32 v2, v3  }
0x1fd: {  	[tilespmem:s24+$0xDC80] =	vst v0;
	v0 =	vsel vm0, $0x1000000, v1  }
0x1fe: {  	[tilespmem:s25+$0xDC80] =	vst v0  }
0x1ff: {  	_ =	swait.ge [sflag:s17], $0x1F40  }
0x200: {  	[sflag:s17] =	ssyncset.done $0x0  }
0x201: {  	s24 =	simm.s32 $0x0;
	s26 =	rddreg [dreg:$0x1c];
	[sflag:s17] =	ssyncadd.s32 $0xFFFFE0C0  }
0x202: {  	[hbm4b:s26+s24] =	stream.linear.scatter [tilespmem:s15], [sflag:$0x5], $0x1F40, $0x38;
	[tilespmem:$0x13B00] =	vst v63  }
0x203: {  	_ =	swait.ge [sflag:s22], $0x1F40  }
0x204: {  	[sflag:s22] =	ssyncset.done $0x0  }
0x205: {  	[sflag:s22] =	ssyncadd.s32 $0xFFFFE0C0  }
0x206: {  	[tilespmem:s19], [sflag:$0x4] =	stream.indirect.gather [hbm4b:s5+s13], $0x1, s18, s13, $0xb8;
	[tilespmem:$0x13B00] =	vst v63  }
0x207: {  	_ =	swait.ge [sflag:s9], $0x1F40  }
0x208: {  	[sflag:s9] =	ssyncset.done $0x0  }
0x209: {  	[sflag:s9] =	ssyncadd.s32 $0xFFFFE0C0  }
0x20a: {  	_ =	swait.ge [sflag:s9], $0x1F40  }
0x20b: {  	[sflag:s9] =	ssyncset.done $0x0  }
0x20c: {  	[sflag:s9] =	ssyncadd.s32 $0xFFFFE0C0  }
0x20d: {  	_ =	swait.ge [sflag:s9], $0x1F40  }
0x20e: {  	s26 =	sld [smem:$0x7E6]  }
0x20f: {  	[sflag:s9] =	ssyncset.done $0x0  }
0x210: {  	[sflag:s9] =	ssyncadd.s32 $0xFFFFE0C0  }
0x211: {  	[tilespmem:s10], [sflag:$0x2] =	stream.linear.gather [hbm4b:s26+s24], $0x1F40, $0x38;
	[tilespmem:$0x13B00] =	vst v63  }
0x212: {  	s26 =	sld [smem:$0x7E7];
	_ =	sdelay $0x2  }
0x213: {  	[tilespmem:s11], [sflag:$0x2] =	stream.linear.gather [hbm4b:s26+s24], $0x1F40, $0x38;
	[tilespmem:$0x13B00] =	vst v63  }
0x214: {  	s26 =	sld [smem:$0x7E8];
	_ =	sdelay $0x2  }
0x215: {  	[tilespmem:s12], [sflag:$0x2] =	stream.linear.gather [hbm4b:s26+s24], $0x1F40, $0x38;
	[tilespmem:$0x13B00] =	vst v63  }
0x216: {  	s24 =	simm.s32 $0x0  }
0x217: {  	v1 =	vld [tilespmem:s24+$0x3F00]  }
0x218: {  	v0 =	vld [tilespmem:s24+$0x0]  }
0x219: {  	v2 =	vld [tilespmem:s24+$0x1F80];
	_ =	sdelay $0x3  }
0x21a: {  	v3 =	vmul.f32 $2.560000000e+02, v1  }
0x21b: {  	v5 =	vmul.f32 $2.560000000e+02, v0;
	v6 =	vmul.f32 $2.560000000e+02, v2;
	vm0 =	vlt.f32 v1, $9.999999740e-06  }
0x21c: {  	s25 =	simm.s32 $0x10;
	vm2 =	vlt.f32 v0, $9.999999740e-06;
	vm1 =	vge.f32 v0, $9.999899860e-01;
	v4 =	vtrunc.f32 v3  }
0x21d: {  	v0 =	vld [tilespmem:s25+$0x3F00];
	vm3 =	vlt.f32 v2, $9.999999740e-06;
	v5 =	vtrunc.f32 v5;
	v6 =	vtrunc.f32 v6  }
0x21e: {  	s26 =	simm.s32 $0x80;
	vm2 =	vmor vm2, vm3;
	v3 =	vld [tilespmem:s25+$0x0];
	v5 =	vcvt.f32.s32 v5;
	v6 =	vcvt.f32.s32 v6  }
.LBB2_18:
0x21f: {  	p1 =	sne.s32 s26, $0x7CC0;
	v4 =	vcvt.f32.s32 v4;
	vm1 =	vmor vm2, vm1;
	vm2 =	vge.f32 v2, $9.999899860e-01;
	v2 =	vld [tilespmem:s25+$0x1F80]  }
0x220: {  	v5 =	vshll.u32 v5, $0x10;
	v6 =	vshll.u32 v6, $0x8;
	vm1 =	vmor vm2, vm1  }
0x221: {  	v5 =	vadd.s32 v5, v6;
	vm0 =	vmor vm0, vm1;
	vm1 =	vge.f32 v1, $9.999899860e-01  }
0x222: {  	v4 =	vadd.s32 v4, v5;
	vm0 =	vmor vm1, vm0;
	v1 =	vmov v0  }
.Ltmp10:
0x223: {  	v0 =	vmul.f32 $2.560000000e+02, v1;
	v4 =	vsel vm0, $0x1000000, v4;
	(pc) =	sbr.rel @p1 .LBB2_18-.Ltmp10, $4  }
0x224: {  	v5 =	vmul.f32 $2.560000000e+02, v3;
	vm0 =	vlt.f32 v1, $9.999999740e-06;
	v6 =	vmul.f32 $2.560000000e+02, v2;
	[tilespmem:s24+$0xBD00] =	vst v4;
	s24 =	smov.u32 s25  }
0x225: {  	vm2 =	vlt.f32 v3, $9.999999740e-06;
	vm1 =	vge.f32 v3, $9.999899860e-01;
	s25 =	sshra.s32 s26, $0x2;
	v4 =	vtrunc.f32 v0  }
0x226: {  	vm3 =	vlt.f32 v2, $9.999999740e-06;
	v5 =	vtrunc.f32 v5;
	v0 =	vld [tilespmem:s25+$0x3F00];
	v6 =	vtrunc.f32 v6  }
0x227: {  	s26 =	sadd.s32 $0x40, s26;
	vm2 =	vmor vm2, vm3;
	v5 =	vcvt.f32.s32 v5;
	v3 =	vld [tilespmem:s25+$0x0];
	v6 =	vcvt.f32.s32 v6  }
0x228: {  	v7 =	vld [tilespmem:s25+$0x1F80]  }
0x229: {  	v4 =	vcvt.f32.s32 v4;
	vm1 =	vmor vm2, vm1;
	vm2 =	vge.f32 v2, $9.999899860e-01  }
0x22a: {  	v2 =	vshll.u32 v5, $0x10;
	v5 =	vshll.u32 v6, $0x8;
	vm1 =	vmor vm2, vm1  }
0x22b: {  	v2 =	vadd.s32 v2, v5;
	vm0 =	vmor vm0, vm1;
	vm1 =	vge.f32 v1, $9.999899860e-01  }
0x22c: {  	v1 =	vadd.s32 v4, v2;
	vm0 =	vmor vm1, vm0;
	v2 =	vmul.f32 $2.560000000e+02, v0  }
0x22d: {  	vm1 =	vlt.f32 v0, $9.999999740e-06;
	v4 =	vmul.f32 $2.560000000e+02, v3;
	v5 =	vmul.f32 $2.560000000e+02, v7  }
0x22e: {  	vm2 =	vlt.f32 v3, $9.999999740e-06;
	v2 =	vtrunc.f32 v2;
	vm3 =	vlt.f32 v7, $9.999999740e-06  }
0x22f: {  	v4 =	vtrunc.f32 v4;
	vm2 =	vmor vm2, vm3;
	v5 =	vtrunc.f32 v5  }
0x230: {  	vm3 =	vge.f32 v3, $9.999899860e-01;
	v3 =	vcvt.f32.s32 v4;
	v4 =	vcvt.f32.s32 v5  }
0x231: {  	v2 =	vcvt.f32.s32 v2;
	vm2 =	vmor vm2, vm3;
	vm3 =	vge.f32 v7, $9.999899860e-01  }
0x232: {  	vm2 =	vmor vm3, vm2;
	v3 =	vshll.u32 v3, $0x10;
	v4 =	vshll.u32 v4, $0x8  }
0x233: {  	vm1 =	vmor vm1, vm2;
	vm2 =	vge.f32 v0, $9.999899860e-01;
	v3 =	vadd.s32 v3, v4  }
0x234: {  	v0 =	vsel vm0, $0x1000000, v1;
	vm0 =	vmor vm2, vm1;
	v1 =	vadd.s32 v2, v3  }
0x235: {  	[tilespmem:s24+$0xBD00] =	vst v0;
	v0 =	vsel vm0, $0x1000000, v1  }
0x236: {  	[tilespmem:s25+$0xBD00] =	vst v0  }
0x237: {  	_ =	swait.ge [sflag:s20], $0x1F40  }
0x238: {  	s26 =	sld [smem:$0x7E1]  }
0x239: {  	[sflag:s20] =	ssyncset.done $0x0  }
0x23a: {  	s24 =	simm.s32 $0x0;
	[sflag:s20] =	ssyncadd.s32 $0xFFFFE0C0  }
0x23b: {  	[hbm4b:s26+s24] =	stream.linear.scatter [tilespmem:s19], [sflag:$0x6], $0x1F40, $0x38;
	[tilespmem:$0x13B00] =	vst v63  }
0x23c: {  	_ =	swait.ge [sflag:s21], $0x1F40  }
0x23d: {  	[sflag:s21] =	ssyncset.done $0x0  }
0x23e: {  	[sflag:s21] =	ssyncadd.s32 $0xFFFFE0C0  }
0x23f: {  	[tilespmem:s15], [sflag:$0x3] =	stream.indirect.gather [hbm4b:s5+s13], $0x1, s14, s13, $0xb8;
	[tilespmem:$0x13B00] =	vst v63  }
0x240: {  	_ =	swait.ge [sflag:s16], $0x1F40  }
0x241: {  	[sflag:s16] =	ssyncset.done $0x0  }
0x242: {  	[sflag:s16] =	ssyncadd.s32 $0xFFFFE0C0  }
0x243: {  	_ =	swait.ge [sflag:s16], $0x1F40  }
0x244: {  	[sflag:s16] =	ssyncset.done $0x0  }
0x245: {  	[sflag:s16] =	ssyncadd.s32 $0xFFFFE0C0  }
0x246: {  	_ =	swait.ge [sflag:s16], $0x1F40  }
0x247: {  	s26 =	sld [smem:$0x7EA]  }
0x248: {  	[sflag:s16] =	ssyncset.done $0x0  }
0x249: {  	[sflag:s16] =	ssyncadd.s32 $0xFFFFE0C0  }
0x24a: {  	[tilespmem:s24], [sflag:$0x1] =	stream.linear.gather [hbm4b:s26+s24], $0x1F40, $0x38;
	[tilespmem:$0x13B00] =	vst v63  }
0x24b: {  	s26 =	sld [smem:$0x7EB];
	_ =	sdelay $0x2  }
0x24c: {  	[tilespmem:s7], [sflag:$0x1] =	stream.linear.gather [hbm4b:s26+s24], $0x1F40, $0x38;
	[tilespmem:$0x13B00] =	vst v63  }
0x24d: {  	s26 =	sld [smem:$0x7EC];
	_ =	sdelay $0x2  }
0x24e: {  	[tilespmem:s8], [sflag:$0x1] =	stream.linear.gather [hbm4b:s26+s24], $0x1F40, $0x38;
	[tilespmem:$0x13B00] =	vst v63  }
0x24f: {  	s24 =	simm.s32 $0x0  }
0x250: {  	v1 =	vld [tilespmem:s24+$0x9D80]  }
0x251: {  	v0 =	vld [tilespmem:s24+$0x5E80]  }
0x252: {  	v2 =	vld [tilespmem:s24+$0x7E00];
	_ =	sdelay $0x3  }
0x253: {  	v3 =	vmul.f32 $2.560000000e+02, v1  }
0x254: {  	v5 =	vmul.f32 $2.560000000e+02, v0;
	v6 =	vmul.f32 $2.560000000e+02, v2;
	vm0 =	vlt.f32 v1, $9.999999740e-06  }
0x255: {  	s25 =	simm.s32 $0x10;
	vm2 =	vlt.f32 v0, $9.999999740e-06;
	vm1 =	vge.f32 v0, $9.999899860e-01;
	v4 =	vtrunc.f32 v3  }
0x256: {  	v0 =	vld [tilespmem:s25+$0x9D80];
	vm3 =	vlt.f32 v2, $9.999999740e-06;
	v5 =	vtrunc.f32 v5;
	v6 =	vtrunc.f32 v6  }
0x257: {  	s26 =	simm.s32 $0x80;
	vm2 =	vmor vm2, vm3;
	v3 =	vld [tilespmem:s25+$0x5E80];
	v5 =	vcvt.f32.s32 v5;
	v6 =	vcvt.f32.s32 v6  }
.LBB2_20:
0x258: {  	p1 =	sne.s32 s26, $0x7CC0;
	v4 =	vcvt.f32.s32 v4;
	vm1 =	vmor vm2, vm1;
	vm2 =	vge.f32 v2, $9.999899860e-01;
	v2 =	vld [tilespmem:s25+$0x7E00]  }
0x259: {  	v5 =	vshll.u32 v5, $0x10;
	v6 =	vshll.u32 v6, $0x8;
	vm1 =	vmor vm2, vm1  }
0x25a: {  	v5 =	vadd.s32 v5, v6;
	vm0 =	vmor vm0, vm1;
	vm1 =	vge.f32 v1, $9.999899860e-01  }
0x25b: {  	v4 =	vadd.s32 v4, v5;
	vm0 =	vmor vm1, vm0;
	v1 =	vmov v0  }
.Ltmp11:
0x25c: {  	v0 =	vmul.f32 $2.560000000e+02, v1;
	v4 =	vsel vm0, $0x1000000, v4;
	(pc) =	sbr.rel @p1 .LBB2_20-.Ltmp11, $4  }
0x25d: {  	v5 =	vmul.f32 $2.560000000e+02, v3;
	vm0 =	vlt.f32 v1, $9.999999740e-06;
	v6 =	vmul.f32 $2.560000000e+02, v2;
	[tilespmem:s24+$0xDC80] =	vst v4;
	s24 =	smov.u32 s25  }
0x25e: {  	vm2 =	vlt.f32 v3, $9.999999740e-06;
	vm1 =	vge.f32 v3, $9.999899860e-01;
	s25 =	sshra.s32 s26, $0x2;
	v4 =	vtrunc.f32 v0  }
0x25f: {  	vm3 =	vlt.f32 v2, $9.999999740e-06;
	v5 =	vtrunc.f32 v5;
	v0 =	vld [tilespmem:s25+$0x9D80];
	v6 =	vtrunc.f32 v6  }
0x260: {  	s26 =	sadd.s32 $0x40, s26;
	vm2 =	vmor vm2, vm3;
	v5 =	vcvt.f32.s32 v5;
	v3 =	vld [tilespmem:s25+$0x5E80];
	v6 =	vcvt.f32.s32 v6  }
0x261: {  	v7 =	vld [tilespmem:s25+$0x7E00]  }
0x262: {  	v4 =	vcvt.f32.s32 v4;
	vm1 =	vmor vm2, vm1;
	vm2 =	vge.f32 v2, $9.999899860e-01  }
0x263: {  	v2 =	vshll.u32 v5, $0x10;
	v5 =	vshll.u32 v6, $0x8;
	vm1 =	vmor vm2, vm1  }
0x264: {  	v2 =	vadd.s32 v2, v5;
	vm0 =	vmor vm0, vm1;
	vm1 =	vge.f32 v1, $9.999899860e-01  }
0x265: {  	v1 =	vadd.s32 v4, v2;
	vm0 =	vmor vm1, vm0;
	v2 =	vmul.f32 $2.560000000e+02, v0  }
0x266: {  	vm1 =	vlt.f32 v0, $9.999999740e-06;
	v4 =	vmul.f32 $2.560000000e+02, v3;
	v5 =	vmul.f32 $2.560000000e+02, v7  }
0x267: {  	vm2 =	vlt.f32 v3, $9.999999740e-06;
	v2 =	vtrunc.f32 v2;
	vm3 =	vlt.f32 v7, $9.999999740e-06  }
0x268: {  	v4 =	vtrunc.f32 v4;
	vm2 =	vmor vm2, vm3;
	v5 =	vtrunc.f32 v5  }
0x269: {  	vm3 =	vge.f32 v3, $9.999899860e-01;
	v3 =	vcvt.f32.s32 v4;
	v4 =	vcvt.f32.s32 v5  }
0x26a: {  	v2 =	vcvt.f32.s32 v2;
	vm2 =	vmor vm2, vm3;
	vm3 =	vge.f32 v7, $9.999899860e-01  }
0x26b: {  	vm2 =	vmor vm3, vm2;
	v3 =	vshll.u32 v3, $0x10;
	v4 =	vshll.u32 v4, $0x8  }
0x26c: {  	vm1 =	vmor vm1, vm2;
	vm2 =	vge.f32 v0, $9.999899860e-01;
	v3 =	vadd.s32 v3, v4  }
0x26d: {  	v0 =	vsel vm0, $0x1000000, v1;
	vm0 =	vmor vm2, vm1;
	v1 =	vadd.s32 v2, v3  }
0x26e: {  	[tilespmem:s24+$0xDC80] =	vst v0;
	v0 =	vsel vm0, $0x1000000, v1  }
0x26f: {  	[tilespmem:s25+$0xDC80] =	vst v0  }
0x270: {  	_ =	swait.ge [sflag:s17], $0x1F40  }
0x271: {  	s26 =	sld [smem:$0x7E5]  }
0x272: {  	[sflag:s17] =	ssyncset.done $0x0  }
0x273: {  	s24 =	simm.s32 $0x0;
	[sflag:s17] =	ssyncadd.s32 $0xFFFFE0C0  }
0x274: {  	[hbm4b:s26+s24] =	stream.linear.scatter [tilespmem:s15], [sflag:$0x5], $0x1F40, $0x38;
	[tilespmem:$0x13B00] =	vst v63  }
0x275: {  	_ =	swait.ge [sflag:s22], $0x1F40  }
0x276: {  	[sflag:s22] =	ssyncset.done $0x0  }
0x277: {  	[sflag:s22] =	ssyncadd.s32 $0xFFFFE0C0  }
0x278: {  	[tilespmem:s19], [sflag:$0x4] =	stream.indirect.gather [hbm4b:s5+s13], $0x1, s18, s13, $0xb8;
	[tilespmem:$0x13B00] =	vst v63  }
0x279: {  	_ =	swait.ge [sflag:s9], $0x1F40  }
0x27a: {  	[sflag:s9] =	ssyncset.done $0x0  }
0x27b: {  	[sflag:s9] =	ssyncadd.s32 $0xFFFFE0C0  }
0x27c: {  	_ =	swait.ge [sflag:s9], $0x1F40  }
0x27d: {  	[sflag:s9] =	ssyncset.done $0x0  }
0x27e: {  	[sflag:s9] =	ssyncadd.s32 $0xFFFFE0C0  }
0x27f: {  	_ =	swait.ge [sflag:s9], $0x1F40  }
0x280: {  	s26 =	sld [smem:$0x7EE]  }
0x281: {  	[sflag:s9] =	ssyncset.done $0x0  }
0x282: {  	[sflag:s9] =	ssyncadd.s32 $0xFFFFE0C0  }
0x283: {  	[tilespmem:s10], [sflag:$0x2] =	stream.linear.gather [hbm4b:s26+s24], $0x1F40, $0x38;
	[tilespmem:$0x13B00] =	vst v63  }
0x284: {  	s26 =	sld [smem:$0x7EF];
	_ =	sdelay $0x2  }
0x285: {  	[tilespmem:s11], [sflag:$0x2] =	stream.linear.gather [hbm4b:s26+s24], $0x1F40, $0x38;
	[tilespmem:$0x13B00] =	vst v63  }
0x286: {  	s26 =	sld [smem:$0x7F0];
	_ =	sdelay $0x2  }
0x287: {  	[tilespmem:s12], [sflag:$0x2] =	stream.linear.gather [hbm4b:s26+s24], $0x1F40, $0x38;
	[tilespmem:$0x13B00] =	vst v63  }
0x288: {  	s24 =	simm.s32 $0x0  }
0x289: {  	v1 =	vld [tilespmem:s24+$0x3F00]  }
0x28a: {  	v0 =	vld [tilespmem:s24+$0x0]  }
0x28b: {  	v2 =	vld [tilespmem:s24+$0x1F80];
	_ =	sdelay $0x3  }
0x28c: {  	v3 =	vmul.f32 $2.560000000e+02, v1  }
0x28d: {  	v5 =	vmul.f32 $2.560000000e+02, v0;
	v6 =	vmul.f32 $2.560000000e+02, v2;
	vm0 =	vlt.f32 v1, $9.999999740e-06  }
0x28e: {  	s25 =	simm.s32 $0x10;
	vm2 =	vlt.f32 v0, $9.999999740e-06;
	vm1 =	vge.f32 v0, $9.999899860e-01;
	v4 =	vtrunc.f32 v3  }
0x28f: {  	v0 =	vld [tilespmem:s25+$0x3F00];
	vm3 =	vlt.f32 v2, $9.999999740e-06;
	v5 =	vtrunc.f32 v5;
	v6 =	vtrunc.f32 v6  }
0x290: {  	s26 =	simm.s32 $0x80;
	vm2 =	vmor vm2, vm3;
	v3 =	vld [tilespmem:s25+$0x0];
	v5 =	vcvt.f32.s32 v5;
	v6 =	vcvt.f32.s32 v6  }
.LBB2_22:
0x291: {  	p1 =	sne.s32 s26, $0x7CC0;
	v4 =	vcvt.f32.s32 v4;
	vm1 =	vmor vm2, vm1;
	vm2 =	vge.f32 v2, $9.999899860e-01;
	v2 =	vld [tilespmem:s25+$0x1F80]  }
0x292: {  	v5 =	vshll.u32 v5, $0x10;
	v6 =	vshll.u32 v6, $0x8;
	vm1 =	vmor vm2, vm1  }
0x293: {  	v5 =	vadd.s32 v5, v6;
	vm0 =	vmor vm0, vm1;
	vm1 =	vge.f32 v1, $9.999899860e-01  }
0x294: {  	v4 =	vadd.s32 v4, v5;
	vm0 =	vmor vm1, vm0;
	v1 =	vmov v0  }
.Ltmp12:
0x295: {  	v0 =	vmul.f32 $2.560000000e+02, v1;
	v4 =	vsel vm0, $0x1000000, v4;
	(pc) =	sbr.rel @p1 .LBB2_22-.Ltmp12, $4  }
0x296: {  	v5 =	vmul.f32 $2.560000000e+02, v3;
	vm0 =	vlt.f32 v1, $9.999999740e-06;
	v6 =	vmul.f32 $2.560000000e+02, v2;
	[tilespmem:s24+$0xBD00] =	vst v4;
	s24 =	smov.u32 s25  }
0x297: {  	vm2 =	vlt.f32 v3, $9.999999740e-06;
	vm1 =	vge.f32 v3, $9.999899860e-01;
	s25 =	sshra.s32 s26, $0x2;
	v4 =	vtrunc.f32 v0  }
0x298: {  	vm3 =	vlt.f32 v2, $9.999999740e-06;
	v5 =	vtrunc.f32 v5;
	v0 =	vld [tilespmem:s25+$0x3F00];
	v6 =	vtrunc.f32 v6  }
0x299: {  	s26 =	sadd.s32 $0x40, s26;
	vm2 =	vmor vm2, vm3;
	v5 =	vcvt.f32.s32 v5;
	v3 =	vld [tilespmem:s25+$0x0];
	v6 =	vcvt.f32.s32 v6  }
0x29a: {  	v7 =	vld [tilespmem:s25+$0x1F80]  }
0x29b: {  	v4 =	vcvt.f32.s32 v4;
	vm1 =	vmor vm2, vm1;
	vm2 =	vge.f32 v2, $9.999899860e-01  }
0x29c: {  	v2 =	vshll.u32 v5, $0x10;
	v5 =	vshll.u32 v6, $0x8;
	vm1 =	vmor vm2, vm1  }
0x29d: {  	v2 =	vadd.s32 v2, v5;
	vm0 =	vmor vm0, vm1;
	vm1 =	vge.f32 v1, $9.999899860e-01  }
0x29e: {  	v1 =	vadd.s32 v4, v2;
	vm0 =	vmor vm1, vm0;
	v2 =	vmul.f32 $2.560000000e+02, v0  }
0x29f: {  	vm1 =	vlt.f32 v0, $9.999999740e-06;
	v4 =	vmul.f32 $2.560000000e+02, v3;
	v5 =	vmul.f32 $2.560000000e+02, v7  }
0x2a0: {  	vm2 =	vlt.f32 v3, $9.999999740e-06;
	v2 =	vtrunc.f32 v2;
	vm3 =	vlt.f32 v7, $9.999999740e-06  }
0x2a1: {  	v4 =	vtrunc.f32 v4;
	vm2 =	vmor vm2, vm3;
	v5 =	vtrunc.f32 v5  }
0x2a2: {  	vm3 =	vge.f32 v3, $9.999899860e-01;
	v3 =	vcvt.f32.s32 v4;
	v4 =	vcvt.f32.s32 v5  }
0x2a3: {  	v2 =	vcvt.f32.s32 v2;
	vm2 =	vmor vm2, vm3;
	vm3 =	vge.f32 v7, $9.999899860e-01  }
0x2a4: {  	vm2 =	vmor vm3, vm2;
	v3 =	vshll.u32 v3, $0x10;
	v4 =	vshll.u32 v4, $0x8  }
0x2a5: {  	vm1 =	vmor vm1, vm2;
	vm2 =	vge.f32 v0, $9.999899860e-01;
	v3 =	vadd.s32 v3, v4  }
0x2a6: {  	v0 =	vsel vm0, $0x1000000, v1;
	vm0 =	vmor vm2, vm1;
	v1 =	vadd.s32 v2, v3  }
0x2a7: {  	[tilespmem:s24+$0xBD00] =	vst v0;
	v0 =	vsel vm0, $0x1000000, v1  }
0x2a8: {  	[tilespmem:s25+$0xBD00] =	vst v0  }
0x2a9: {  	_ =	swait.ge [sflag:s20], $0x1F40  }
0x2aa: {  	s26 =	sld [smem:$0x7E9]  }
0x2ab: {  	[sflag:s20] =	ssyncset.done $0x0  }
0x2ac: {  	s24 =	simm.s32 $0x0;
	[sflag:s20] =	ssyncadd.s32 $0xFFFFE0C0  }
0x2ad: {  	[hbm4b:s26+s24] =	stream.linear.scatter [tilespmem:s19], [sflag:$0x6], $0x1F40, $0x38;
	[tilespmem:$0x13B00] =	vst v63  }
0x2ae: {  	_ =	swait.ge [sflag:s21], $0x1F40  }
0x2af: {  	[sflag:s21] =	ssyncset.done $0x0  }
0x2b0: {  	[sflag:s21] =	ssyncadd.s32 $0xFFFFE0C0  }
0x2b1: {  	[tilespmem:s15], [sflag:$0x3] =	stream.indirect.gather [hbm4b:s5+s13], $0x1, s14, s13, $0xb8;
	[tilespmem:$0x13B00] =	vst v63  }
0x2b2: {  	_ =	swait.ge [sflag:s16], $0x1F40  }
0x2b3: {  	[sflag:s16] =	ssyncset.done $0x0  }
0x2b4: {  	[sflag:s16] =	ssyncadd.s32 $0xFFFFE0C0  }
0x2b5: {  	_ =	swait.ge [sflag:s16], $0x1F40  }
0x2b6: {  	[sflag:s16] =	ssyncset.done $0x0  }
0x2b7: {  	[sflag:s16] =	ssyncadd.s32 $0xFFFFE0C0  }
0x2b8: {  	_ =	swait.ge [sflag:s16], $0x1F40  }
0x2b9: {  	s26 =	sld [smem:$0x7F2]  }
0x2ba: {  	[sflag:s16] =	ssyncset.done $0x0  }
0x2bb: {  	[sflag:s16] =	ssyncadd.s32 $0xFFFFE0C0  }
0x2bc: {  	[tilespmem:s24], [sflag:$0x1] =	stream.linear.gather [hbm4b:s26+s24], $0x1F40, $0x38;
	[tilespmem:$0x13B00] =	vst v63  }
0x2bd: {  	s26 =	sld [smem:$0x7F3];
	_ =	sdelay $0x2  }
0x2be: {  	[tilespmem:s7], [sflag:$0x1] =	stream.linear.gather [hbm4b:s26+s24], $0x1F40, $0x38;
	[tilespmem:$0x13B00] =	vst v63  }
0x2bf: {  	s26 =	sld [smem:$0x7F4];
	_ =	sdelay $0x2  }
0x2c0: {  	[tilespmem:s8], [sflag:$0x1] =	stream.linear.gather [hbm4b:s26+s24], $0x1F40, $0x38;
	[tilespmem:$0x13B00] =	vst v63  }
0x2c1: {  	s24 =	simm.s32 $0x0  }
0x2c2: {  	v1 =	vld [tilespmem:s24+$0x9D80]  }
0x2c3: {  	v0 =	vld [tilespmem:s24+$0x5E80]  }
0x2c4: {  	v2 =	vld [tilespmem:s24+$0x7E00];
	_ =	sdelay $0x3  }
0x2c5: {  	v3 =	vmul.f32 $2.560000000e+02, v1  }
0x2c6: {  	v5 =	vmul.f32 $2.560000000e+02, v0;
	v6 =	vmul.f32 $2.560000000e+02, v2;
	vm0 =	vlt.f32 v1, $9.999999740e-06  }
0x2c7: {  	s25 =	simm.s32 $0x10;
	vm2 =	vlt.f32 v0, $9.999999740e-06;
	vm1 =	vge.f32 v0, $9.999899860e-01;
	v4 =	vtrunc.f32 v3  }
0x2c8: {  	v0 =	vld [tilespmem:s25+$0x9D80];
	vm3 =	vlt.f32 v2, $9.999999740e-06;
	v5 =	vtrunc.f32 v5;
	v6 =	vtrunc.f32 v6  }
0x2c9: {  	s26 =	simm.s32 $0x80;
	vm2 =	vmor vm2, vm3;
	v3 =	vld [tilespmem:s25+$0x5E80];
	v5 =	vcvt.f32.s32 v5;
	v6 =	vcvt.f32.s32 v6  }
.LBB2_24:
0x2ca: {  	p1 =	sne.s32 s26, $0x7CC0;
	v4 =	vcvt.f32.s32 v4;
	vm1 =	vmor vm2, vm1;
	vm2 =	vge.f32 v2, $9.999899860e-01;
	v2 =	vld [tilespmem:s25+$0x7E00]  }
0x2cb: {  	v5 =	vshll.u32 v5, $0x10;
	v6 =	vshll.u32 v6, $0x8;
	vm1 =	vmor vm2, vm1  }
0x2cc: {  	v5 =	vadd.s32 v5, v6;
	vm0 =	vmor vm0, vm1;
	vm1 =	vge.f32 v1, $9.999899860e-01  }
0x2cd: {  	v4 =	vadd.s32 v4, v5;
	vm0 =	vmor vm1, vm0;
	v1 =	vmov v0  }
.Ltmp13:
0x2ce: {  	v0 =	vmul.f32 $2.560000000e+02, v1;
	v4 =	vsel vm0, $0x1000000, v4;
	(pc) =	sbr.rel @p1 .LBB2_24-.Ltmp13, $4  }
0x2cf: {  	v5 =	vmul.f32 $2.560000000e+02, v3;
	vm0 =	vlt.f32 v1, $9.999999740e-06;
	v6 =	vmul.f32 $2.560000000e+02, v2;
	[tilespmem:s24+$0xDC80] =	vst v4;
	s24 =	smov.u32 s25  }
0x2d0: {  	vm2 =	vlt.f32 v3, $9.999999740e-06;
	vm1 =	vge.f32 v3, $9.999899860e-01;
	s25 =	sshra.s32 s26, $0x2;
	v4 =	vtrunc.f32 v0  }
0x2d1: {  	vm3 =	vlt.f32 v2, $9.999999740e-06;
	v5 =	vtrunc.f32 v5;
	v0 =	vld [tilespmem:s25+$0x9D80];
	v6 =	vtrunc.f32 v6  }
0x2d2: {  	s26 =	sadd.s32 $0x40, s26;
	vm2 =	vmor vm2, vm3;
	v5 =	vcvt.f32.s32 v5;
	v3 =	vld [tilespmem:s25+$0x5E80];
	v6 =	vcvt.f32.s32 v6  }
0x2d3: {  	v7 =	vld [tilespmem:s25+$0x7E00]  }
0x2d4: {  	v4 =	vcvt.f32.s32 v4;
	vm1 =	vmor vm2, vm1;
	vm2 =	vge.f32 v2, $9.999899860e-01  }
0x2d5: {  	v2 =	vshll.u32 v5, $0x10;
	v5 =	vshll.u32 v6, $0x8;
	vm1 =	vmor vm2, vm1  }
0x2d6: {  	v2 =	vadd.s32 v2, v5;
	vm0 =	vmor vm0, vm1;
	vm1 =	vge.f32 v1, $9.999899860e-01  }
0x2d7: {  	v1 =	vadd.s32 v4, v2;
	vm0 =	vmor vm1, vm0;
	v2 =	vmul.f32 $2.560000000e+02, v0  }
0x2d8: {  	vm1 =	vlt.f32 v0, $9.999999740e-06;
	v4 =	vmul.f32 $2.560000000e+02, v3;
	v5 =	vmul.f32 $2.560000000e+02, v7  }
0x2d9: {  	vm2 =	vlt.f32 v3, $9.999999740e-06;
	v2 =	vtrunc.f32 v2;
	vm3 =	vlt.f32 v7, $9.999999740e-06  }
0x2da: {  	v4 =	vtrunc.f32 v4;
	vm2 =	vmor vm2, vm3;
	v5 =	vtrunc.f32 v5  }
0x2db: {  	vm3 =	vge.f32 v3, $9.999899860e-01;
	v3 =	vcvt.f32.s32 v4;
	v4 =	vcvt.f32.s32 v5  }
0x2dc: {  	v2 =	vcvt.f32.s32 v2;
	vm2 =	vmor vm2, vm3;
	vm3 =	vge.f32 v7, $9.999899860e-01  }
0x2dd: {  	vm2 =	vmor vm3, vm2;
	v3 =	vshll.u32 v3, $0x10;
	v4 =	vshll.u32 v4, $0x8  }
0x2de: {  	vm1 =	vmor vm1, vm2;
	vm2 =	vge.f32 v0, $9.999899860e-01;
	v3 =	vadd.s32 v3, v4  }
0x2df: {  	v0 =	vsel vm0, $0x1000000, v1;
	vm0 =	vmor vm2, vm1;
	v1 =	vadd.s32 v2, v3  }
0x2e0: {  	[tilespmem:s24+$0xDC80] =	vst v0;
	v0 =	vsel vm0, $0x1000000, v1  }
0x2e1: {  	[tilespmem:s25+$0xDC80] =	vst v0  }
0x2e2: {  	_ =	swait.ge [sflag:s17], $0x1F40  }
0x2e3: {  	s26 =	sld [smem:$0x7ED]  }
0x2e4: {  	[sflag:s17] =	ssyncset.done $0x0  }
0x2e5: {  	s24 =	simm.s32 $0x0;
	[sflag:s17] =	ssyncadd.s32 $0xFFFFE0C0  }
0x2e6: {  	[hbm4b:s26+s24] =	stream.linear.scatter [tilespmem:s15], [sflag:$0x5], $0x1F40, $0x38;
	[tilespmem:$0x13B00] =	vst v63  }
0x2e7: {  	_ =	swait.ge [sflag:s22], $0x1F40  }
0x2e8: {  	[sflag:s22] =	ssyncset.done $0x0  }
0x2e9: {  	[sflag:s22] =	ssyncadd.s32 $0xFFFFE0C0  }
0x2ea: {  	[tilespmem:s19], [sflag:$0x4] =	stream.indirect.gather [hbm4b:s5+s13], $0x1, s18, s13, $0xb8;
	[tilespmem:$0x13B00] =	vst v63  }
0x2eb: {  	_ =	swait.ge [sflag:s9], $0x1F40  }
0x2ec: {  	[sflag:s9] =	ssyncset.done $0x0  }
0x2ed: {  	[sflag:s9] =	ssyncadd.s32 $0xFFFFE0C0  }
0x2ee: {  	_ =	swait.ge [sflag:s9], $0x1F40  }
0x2ef: {  	[sflag:s9] =	ssyncset.done $0x0  }
0x2f0: {  	[sflag:s9] =	ssyncadd.s32 $0xFFFFE0C0  }
0x2f1: {  	_ =	swait.ge [sflag:s9], $0x1F40  }
0x2f2: {  	s26 =	sld [smem:$0x7FA]  }
0x2f3: {  	[sflag:s9] =	ssyncset.done $0x0  }
0x2f4: {  	[sflag:s9] =	ssyncadd.s32 $0xFFFFE0C0  }
0x2f5: {  	[tilespmem:s10], [sflag:$0x2] =	stream.linear.gather [hbm4b:s26+s24], $0x1F40, $0x38;
	[tilespmem:$0x13B00] =	vst v63  }
0x2f6: {  	_ = 	snop  }
0x2f7: {  	[tilespmem:s11], [sflag:$0x2] =	stream.linear.gather [hbm4b:s28+s24], $0x1F40, $0x38;
	[tilespmem:$0x13B00] =	vst v63  }
0x2f8: {  	_ = 	snop  }
0x2f9: {  	[tilespmem:s12], [sflag:$0x2] =	stream.linear.gather [hbm4b:s31+s24], $0x1F40, $0x38;
	[tilespmem:$0x13B00] =	vst v63  }
0x2fa: {  	s24 =	simm.s32 $0x0  }
0x2fb: {  	v1 =	vld [tilespmem:s24+$0x3F00]  }
0x2fc: {  	v0 =	vld [tilespmem:s24+$0x0]  }
0x2fd: {  	v2 =	vld [tilespmem:s24+$0x1F80];
	_ =	sdelay $0x3  }
0x2fe: {  	v3 =	vmul.f32 $2.560000000e+02, v1  }
0x2ff: {  	v5 =	vmul.f32 $2.560000000e+02, v0;
	v6 =	vmul.f32 $2.560000000e+02, v2;
	vm0 =	vlt.f32 v1, $9.999999740e-06  }
0x300: {  	s25 =	simm.s32 $0x10;
	vm2 =	vlt.f32 v0, $9.999999740e-06;
	vm1 =	vge.f32 v0, $9.999899860e-01;
	v4 =	vtrunc.f32 v3  }
0x301: {  	v0 =	vld [tilespmem:s25+$0x3F00];
	vm3 =	vlt.f32 v2, $9.999999740e-06;
	v5 =	vtrunc.f32 v5;
	v6 =	vtrunc.f32 v6  }
0x302: {  	s26 =	simm.s32 $0x80;
	vm2 =	vmor vm2, vm3;
	v3 =	vld [tilespmem:s25+$0x0];
	v5 =	vcvt.f32.s32 v5;
	v6 =	vcvt.f32.s32 v6  }
.LBB2_26:
0x303: {  	p1 =	sne.s32 s26, $0x7CC0;
	v4 =	vcvt.f32.s32 v4;
	vm1 =	vmor vm2, vm1;
	vm2 =	vge.f32 v2, $9.999899860e-01;
	v2 =	vld [tilespmem:s25+$0x1F80]  }
0x304: {  	v5 =	vshll.u32 v5, $0x10;
	v6 =	vshll.u32 v6, $0x8;
	vm1 =	vmor vm2, vm1  }
0x305: {  	v5 =	vadd.s32 v5, v6;
	vm0 =	vmor vm0, vm1;
	vm1 =	vge.f32 v1, $9.999899860e-01  }
0x306: {  	v4 =	vadd.s32 v4, v5;
	vm0 =	vmor vm1, vm0;
	v1 =	vmov v0  }
.Ltmp14:
0x307: {  	v0 =	vmul.f32 $2.560000000e+02, v1;
	v4 =	vsel vm0, $0x1000000, v4;
	(pc) =	sbr.rel @p1 .LBB2_26-.Ltmp14, $4  }
0x308: {  	v5 =	vmul.f32 $2.560000000e+02, v3;
	vm0 =	vlt.f32 v1, $9.999999740e-06;
	v6 =	vmul.f32 $2.560000000e+02, v2;
	[tilespmem:s24+$0xBD00] =	vst v4;
	s24 =	smov.u32 s25  }
0x309: {  	vm2 =	vlt.f32 v3, $9.999999740e-06;
	vm1 =	vge.f32 v3, $9.999899860e-01;
	s25 =	sshra.s32 s26, $0x2;
	v4 =	vtrunc.f32 v0  }
0x30a: {  	vm3 =	vlt.f32 v2, $9.999999740e-06;
	v5 =	vtrunc.f32 v5;
	v0 =	vld [tilespmem:s25+$0x3F00];
	v6 =	vtrunc.f32 v6  }
0x30b: {  	s26 =	sadd.s32 $0x40, s26;
	vm2 =	vmor vm2, vm3;
	v5 =	vcvt.f32.s32 v5;
	v3 =	vld [tilespmem:s25+$0x0];
	v6 =	vcvt.f32.s32 v6  }
0x30c: {  	v7 =	vld [tilespmem:s25+$0x1F80]  }
0x30d: {  	v4 =	vcvt.f32.s32 v4;
	vm1 =	vmor vm2, vm1;
	vm2 =	vge.f32 v2, $9.999899860e-01  }
0x30e: {  	v2 =	vshll.u32 v5, $0x10;
	v5 =	vshll.u32 v6, $0x8;
	vm1 =	vmor vm2, vm1  }
0x30f: {  	v2 =	vadd.s32 v2, v5;
	vm0 =	vmor vm0, vm1;
	vm1 =	vge.f32 v1, $9.999899860e-01  }
0x310: {  	v1 =	vadd.s32 v4, v2;
	vm0 =	vmor vm1, vm0;
	v2 =	vmul.f32 $2.560000000e+02, v0  }
0x311: {  	vm1 =	vlt.f32 v0, $9.999999740e-06;
	v4 =	vmul.f32 $2.560000000e+02, v3;
	v5 =	vmul.f32 $2.560000000e+02, v7  }
0x312: {  	vm2 =	vlt.f32 v3, $9.999999740e-06;
	v2 =	vtrunc.f32 v2;
	vm3 =	vlt.f32 v7, $9.999999740e-06  }
0x313: {  	v4 =	vtrunc.f32 v4;
	vm2 =	vmor vm2, vm3;
	v5 =	vtrunc.f32 v5  }
0x314: {  	vm3 =	vge.f32 v3, $9.999899860e-01;
	v3 =	vcvt.f32.s32 v4;
	v4 =	vcvt.f32.s32 v5  }
0x315: {  	v2 =	vcvt.f32.s32 v2;
	vm2 =	vmor vm2, vm3;
	vm3 =	vge.f32 v7, $9.999899860e-01  }
0x316: {  	vm2 =	vmor vm3, vm2;
	v3 =	vshll.u32 v3, $0x10;
	v4 =	vshll.u32 v4, $0x8  }
0x317: {  	vm1 =	vmor vm1, vm2;
	vm2 =	vge.f32 v0, $9.999899860e-01;
	v3 =	vadd.s32 v3, v4  }
0x318: {  	v0 =	vsel vm0, $0x1000000, v1;
	vm0 =	vmor vm2, vm1;
	v1 =	vadd.s32 v2, v3  }
0x319: {  	[tilespmem:s24+$0xBD00] =	vst v0;
	v0 =	vsel vm0, $0x1000000, v1  }
0x31a: {  	[tilespmem:s25+$0xBD00] =	vst v0  }
0x31b: {  	_ =	swait.ge [sflag:s20], $0x1F40  }
0x31c: {  	s26 =	sld [smem:$0x7F1]  }
0x31d: {  	[sflag:s20] =	ssyncset.done $0x0  }
0x31e: {  	s24 =	simm.s32 $0x0;
	[sflag:s20] =	ssyncadd.s32 $0xFFFFE0C0  }
0x31f: {  	[hbm4b:s26+s24] =	stream.linear.scatter [tilespmem:s19], [sflag:$0x6], $0x1F40, $0x38;
	[tilespmem:$0x13B00] =	vst v63  }
0x320: {  	_ =	swait.ge [sflag:s21], $0x1F40  }
0x321: {  	[sflag:s21] =	ssyncset.done $0x0  }
0x322: {  	[sflag:s21] =	ssyncadd.s32 $0xFFFFE0C0  }
0x323: {  	[tilespmem:s15], [sflag:$0x3] =	stream.indirect.gather [hbm4b:s5+s13], $0x1, s14, s13, $0xb8;
	[tilespmem:$0x13B00] =	vst v63  }
0x324: {  	_ =	swait.ge [sflag:s16], $0x1F40  }
0x325: {  	[sflag:s16] =	ssyncset.done $0x0  }
0x326: {  	[sflag:s16] =	ssyncadd.s32 $0xFFFFE0C0  }
0x327: {  	_ =	swait.ge [sflag:s16], $0x1F40  }
0x328: {  	[sflag:s16] =	ssyncset.done $0x0  }
0x329: {  	[sflag:s16] =	ssyncadd.s32 $0xFFFFE0C0  }
0x32a: {  	_ =	swait.ge [sflag:s16], $0x1F40  }
0x32b: {  	s26 =	sld [smem:$0x7FB]  }
0x32c: {  	[sflag:s16] =	ssyncset.done $0x0  }
0x32d: {  	[sflag:s16] =	ssyncadd.s32 $0xFFFFE0C0  }
0x32e: {  	[tilespmem:s24], [sflag:$0x1] =	stream.linear.gather [hbm4b:s26+s24], $0x1F40, $0x38;
	[tilespmem:$0x13B00] =	vst v63  }
0x32f: {  	_ = 	snop  }
0x330: {  	[tilespmem:s7], [sflag:$0x1] =	stream.linear.gather [hbm4b:s29+s24], $0x1F40, $0x38;
	[tilespmem:$0x13B00] =	vst v63  }
0x331: {  	_ = 	snop  }
0x332: {  	[tilespmem:s8], [sflag:$0x1] =	stream.linear.gather [hbm4b:s0+s24], $0x1F40, $0x38;
	[tilespmem:$0x13B00] =	vst v63  }
0x333: {  	s24 =	simm.s32 $0x0  }
0x334: {  	v1 =	vld [tilespmem:s24+$0x9D80]  }
0x335: {  	v0 =	vld [tilespmem:s24+$0x5E80]  }
0x336: {  	v2 =	vld [tilespmem:s24+$0x7E00];
	_ =	sdelay $0x3  }
0x337: {  	v3 =	vmul.f32 $2.560000000e+02, v1  }
0x338: {  	v5 =	vmul.f32 $2.560000000e+02, v0;
	v6 =	vmul.f32 $2.560000000e+02, v2;
	vm0 =	vlt.f32 v1, $9.999999740e-06  }
0x339: {  	s25 =	simm.s32 $0x10;
	vm2 =	vlt.f32 v0, $9.999999740e-06;
	vm1 =	vge.f32 v0, $9.999899860e-01;
	v4 =	vtrunc.f32 v3  }
0x33a: {  	v0 =	vld [tilespmem:s25+$0x9D80];
	vm3 =	vlt.f32 v2, $9.999999740e-06;
	v5 =	vtrunc.f32 v5;
	v6 =	vtrunc.f32 v6  }
0x33b: {  	s26 =	simm.s32 $0x80;
	vm2 =	vmor vm2, vm3;
	v3 =	vld [tilespmem:s25+$0x5E80];
	v5 =	vcvt.f32.s32 v5;
	v6 =	vcvt.f32.s32 v6  }
.LBB2_28:
0x33c: {  	p1 =	sne.s32 s26, $0x7CC0;
	v4 =	vcvt.f32.s32 v4;
	vm1 =	vmor vm2, vm1;
	vm2 =	vge.f32 v2, $9.999899860e-01;
	v2 =	vld [tilespmem:s25+$0x7E00]  }
0x33d: {  	v5 =	vshll.u32 v5, $0x10;
	v6 =	vshll.u32 v6, $0x8;
	vm1 =	vmor vm2, vm1  }
0x33e: {  	v5 =	vadd.s32 v5, v6;
	vm0 =	vmor vm0, vm1;
	vm1 =	vge.f32 v1, $9.999899860e-01  }
0x33f: {  	v4 =	vadd.s32 v4, v5;
	vm0 =	vmor vm1, vm0;
	v1 =	vmov v0  }
.Ltmp15:
0x340: {  	v0 =	vmul.f32 $2.560000000e+02, v1;
	v4 =	vsel vm0, $0x1000000, v4;
	(pc) =	sbr.rel @p1 .LBB2_28-.Ltmp15, $4  }
0x341: {  	v5 =	vmul.f32 $2.560000000e+02, v3;
	vm0 =	vlt.f32 v1, $9.999999740e-06;
	v6 =	vmul.f32 $2.560000000e+02, v2;
	[tilespmem:s24+$0xDC80] =	vst v4;
	s24 =	smov.u32 s25  }
0x342: {  	vm2 =	vlt.f32 v3, $9.999999740e-06;
	vm1 =	vge.f32 v3, $9.999899860e-01;
	s25 =	sshra.s32 s26, $0x2;
	v4 =	vtrunc.f32 v0  }
0x343: {  	vm3 =	vlt.f32 v2, $9.999999740e-06;
	v5 =	vtrunc.f32 v5;
	v0 =	vld [tilespmem:s25+$0x9D80];
	v6 =	vtrunc.f32 v6  }
0x344: {  	s26 =	sadd.s32 $0x40, s26;
	vm2 =	vmor vm2, vm3;
	v5 =	vcvt.f32.s32 v5;
	v3 =	vld [tilespmem:s25+$0x5E80];
	v6 =	vcvt.f32.s32 v6  }
0x345: {  	v7 =	vld [tilespmem:s25+$0x7E00]  }
0x346: {  	v4 =	vcvt.f32.s32 v4;
	vm1 =	vmor vm2, vm1;
	vm2 =	vge.f32 v2, $9.999899860e-01  }
0x347: {  	v2 =	vshll.u32 v5, $0x10;
	v5 =	vshll.u32 v6, $0x8;
	vm1 =	vmor vm2, vm1  }
0x348: {  	v2 =	vadd.s32 v2, v5;
	vm0 =	vmor vm0, vm1;
	vm1 =	vge.f32 v1, $9.999899860e-01  }
0x349: {  	v1 =	vadd.s32 v4, v2;
	vm0 =	vmor vm1, vm0;
	v2 =	vmul.f32 $2.560000000e+02, v0  }
0x34a: {  	vm1 =	vlt.f32 v0, $9.999999740e-06;
	v4 =	vmul.f32 $2.560000000e+02, v3;
	v5 =	vmul.f32 $2.560000000e+02, v7  }
0x34b: {  	vm2 =	vlt.f32 v3, $9.999999740e-06;
	v2 =	vtrunc.f32 v2;
	vm3 =	vlt.f32 v7, $9.999999740e-06  }
0x34c: {  	v4 =	vtrunc.f32 v4;
	vm2 =	vmor vm2, vm3;
	v5 =	vtrunc.f32 v5  }
0x34d: {  	vm3 =	vge.f32 v3, $9.999899860e-01;
	v3 =	vcvt.f32.s32 v4;
	v4 =	vcvt.f32.s32 v5  }
0x34e: {  	v2 =	vcvt.f32.s32 v2;
	vm2 =	vmor vm2, vm3;
	vm3 =	vge.f32 v7, $9.999899860e-01  }
0x34f: {  	vm2 =	vmor vm3, vm2;
	v3 =	vshll.u32 v3, $0x10;
	v4 =	vshll.u32 v4, $0x8  }
0x350: {  	vm1 =	vmor vm1, vm2;
	vm2 =	vge.f32 v0, $9.999899860e-01;
	v3 =	vadd.s32 v3, v4  }
0x351: {  	v0 =	vsel vm0, $0x1000000, v1;
	vm0 =	vmor vm2, vm1;
	v1 =	vadd.s32 v2, v3  }
0x352: {  	[tilespmem:s24+$0xDC80] =	vst v0;
	v0 =	vsel vm0, $0x1000000, v1  }
0x353: {  	[tilespmem:s25+$0xDC80] =	vst v0  }
0x354: {  	_ =	swait.ge [sflag:s17], $0x1F40  }
0x355: {  	s26 =	sld [smem:$0x7F5]  }
0x356: {  	[sflag:s17] =	ssyncset.done $0x0  }
0x357: {  	[sflag:s17] =	ssyncadd.s32 $0xFFFFE0C0  }
0x358: {  	[hbm4b:s26+s1] =	stream.linear.scatter [tilespmem:s15], [sflag:$0x5], $0x1F40, $0x38;
	[tilespmem:$0x13B00] =	vst v63  }
0x359: {  	_ =	swait.ge [sflag:s22], $0x1F40  }
0x35a: {  	[sflag:s22] =	ssyncset.done $0x0  }
0x35b: {  	[sflag:s22] =	ssyncadd.s32 $0xFFFFE0C0  }
0x35c: {  	[tilespmem:s19], [sflag:$0x4] =	stream.indirect.gather [hbm4b:s5+s13], $0x1, s18, s13, $0xb8;
	[tilespmem:$0x13B00] =	vst v63  }
0x35d: {  	_ =	swait.ge [sflag:s9], $0x1F40  }
0x35e: {  	[sflag:s9] =	ssyncset.done $0x0  }
0x35f: {  	[sflag:s9] =	ssyncadd.s32 $0xFFFFE0C0  }
0x360: {  	_ =	swait.ge [sflag:s9], $0x1F40  }
0x361: {  	[sflag:s9] =	ssyncset.done $0x0  }
0x362: {  	[sflag:s9] =	ssyncadd.s32 $0xFFFFE0C0  }
0x363: {  	_ =	swait.ge [sflag:s9], $0x1F40  }
0x364: {  	s26 =	sld [smem:$0x7FC]  }
0x365: {  	[sflag:s9] =	ssyncset.done $0x0  }
0x366: {  	s24 =	simm.s32 @!p0 $0x0;
	s25 =	simm.s32 @!p0 $0x5E80;
	[sflag:s9] =	ssyncadd.s32 $0xFFFFE0C0  }
0x367: {  	[tilespmem:s25], [sflag:$0x2] =	stream.linear.gather @!p0 [hbm4b:s26+s24], $0x1F40, $0x38;
	[tilespmem:$0x13B00] =	vst v63  }
0x368: {  	s25 =	simm.s32 @!p0 $0x7E00  }
0x369: {  	[tilespmem:s25], [sflag:$0x2] =	stream.linear.gather @!p0 [hbm4b:s30+s24], $0x1F40, $0x38;
	[tilespmem:$0x13B00] =	vst v63  }
0x36a: {  	s25 =	simm.s32 @!p0 $0x9D80  }
0x36b: {  	[tilespmem:s25], [sflag:$0x2] =	stream.linear.gather @!p0 [hbm4b:s2+s24], $0x1F40, $0x38;
	[tilespmem:$0x13B00] =	vst v63  }
0x36c: {  	s24 =	simm.s32 $0x0  }
0x36d: {  	v1 =	vld [tilespmem:s24+$0x3F00]  }
0x36e: {  	v0 =	vld [tilespmem:s24+$0x0]  }
0x36f: {  	v2 =	vld [tilespmem:s24+$0x1F80];
	_ =	sdelay $0x3  }
0x370: {  	v3 =	vmul.f32 $2.560000000e+02, v1  }
0x371: {  	v5 =	vmul.f32 $2.560000000e+02, v0;
	v6 =	vmul.f32 $2.560000000e+02, v2;
	vm0 =	vlt.f32 v1, $9.999999740e-06  }
0x372: {  	s25 =	simm.s32 $0x10;
	vm2 =	vlt.f32 v0, $9.999999740e-06;
	vm1 =	vge.f32 v0, $9.999899860e-01;
	v4 =	vtrunc.f32 v3  }
0x373: {  	v0 =	vld [tilespmem:s25+$0x3F00];
	vm3 =	vlt.f32 v2, $9.999999740e-06;
	v5 =	vtrunc.f32 v5;
	v6 =	vtrunc.f32 v6  }
0x374: {  	s26 =	simm.s32 $0x80;
	vm2 =	vmor vm2, vm3;
	v3 =	vld [tilespmem:s25+$0x0];
	v5 =	vcvt.f32.s32 v5;
	v6 =	vcvt.f32.s32 v6  }
.LBB2_30:
0x375: {  	p1 =	sne.s32 s26, $0x7CC0;
	v4 =	vcvt.f32.s32 v4;
	vm1 =	vmor vm2, vm1;
	vm2 =	vge.f32 v2, $9.999899860e-01;
	v2 =	vld [tilespmem:s25+$0x1F80]  }
0x376: {  	v5 =	vshll.u32 v5, $0x10;
	v6 =	vshll.u32 v6, $0x8;
	vm1 =	vmor vm2, vm1  }
0x377: {  	v5 =	vadd.s32 v5, v6;
	vm0 =	vmor vm0, vm1;
	vm1 =	vge.f32 v1, $9.999899860e-01  }
0x378: {  	v4 =	vadd.s32 v4, v5;
	vm0 =	vmor vm1, vm0;
	v1 =	vmov v0  }
.Ltmp16:
0x379: {  	v0 =	vmul.f32 $2.560000000e+02, v1;
	v4 =	vsel vm0, $0x1000000, v4;
	(pc) =	sbr.rel @p1 .LBB2_30-.Ltmp16, $4  }
0x37a: {  	v5 =	vmul.f32 $2.560000000e+02, v3;
	vm0 =	vlt.f32 v1, $9.999999740e-06;
	v6 =	vmul.f32 $2.560000000e+02, v2;
	[tilespmem:s24+$0xBD00] =	vst v4;
	s24 =	smov.u32 s25  }
0x37b: {  	vm2 =	vlt.f32 v3, $9.999999740e-06;
	vm1 =	vge.f32 v3, $9.999899860e-01;
	s25 =	sshra.s32 s26, $0x2;
	v4 =	vtrunc.f32 v0  }
0x37c: {  	vm3 =	vlt.f32 v2, $9.999999740e-06;
	v5 =	vtrunc.f32 v5;
	v0 =	vld [tilespmem:s25+$0x3F00];
	v6 =	vtrunc.f32 v6  }
0x37d: {  	s26 =	sadd.s32 $0x40, s26;
	vm2 =	vmor vm2, vm3;
	v5 =	vcvt.f32.s32 v5;
	v3 =	vld [tilespmem:s25+$0x0];
	v6 =	vcvt.f32.s32 v6  }
0x37e: {  	v7 =	vld [tilespmem:s25+$0x1F80]  }
0x37f: {  	v4 =	vcvt.f32.s32 v4;
	vm1 =	vmor vm2, vm1;
	vm8 =	vge.f32 v2, $9.999899860e-01  }
0x380: {  	v53 =	vshll.u32 v5, $0x10;
	v54 =	vshll.u32 v6, $0x8;
	vm1 =	vmor vm8, vm1  }
0x381: {  	vm9 =	vge.f32 v1, $9.999899860e-01;
	v2 =	vadd.s32 v53, v54;
	vm0 =	vmor vm0, vm1  }
0x382: {  	v55 =	vadd.s32 v4, v2;
	vm0 =	vmor vm9, vm0;
	v56 =	vmul.f32 $2.560000000e+02, v0  }
0x383: {  	vm10 =	vlt.f32 v0, $9.999999740e-06;
	v57 =	vmul.f32 $2.560000000e+02, v3;
	v58 =	vmul.f32 $2.560000000e+02, v7  }
0x384: {  	vm11 =	vlt.f32 v3, $9.999999740e-06;
	vm12 =	vge.f32 v3, $9.999899860e-01;
	v2 =	vtrunc.f32 v56  }
0x385: {  	vm3 =	vlt.f32 v7, $9.999999740e-06;
	v4 =	vtrunc.f32 v57;
	v5 =	vtrunc.f32 v58  }
0x386: {  	vm2 =	vmor vm11, vm3;
	v59 =	vcvt.f32.s32 v4;
	v60 =	vcvt.f32.s32 v5  }
0x387: {  	vm13 =	vge.f32 v7, $9.999899860e-01;
	v2 =	vcvt.f32.s32 v2;
	vm2 =	vmor vm2, vm12  }
0x388: {  	vm2 =	vmor vm13, vm2;
	v3 =	vshll.u32 v59, $0x10;
	v4 =	vshll.u32 v60, $0x8  }
0x389: {  	vm14 =	vge.f32 v0, $9.999899860e-01;
	vm1 =	vmor vm10, vm2;
	v3 =	vadd.s32 v3, v4  }
0x38a: {  	v61 =	vsel vm0, $0x1000000, v55;
	vm15 =	vmor vm14, vm1;
	v62 =	vadd.s32 v2, v3  }
0x38b: {  	[tilespmem:s24+$0xBD00] =	vst v61;
	v63 =	vsel vm15, $0x1000000, v62  }
0x38c: {  	[tilespmem:s25+$0xBD00] =	vst v63  }
0x38d: {  	_ =	swait.ge [sflag:s20], $0x1F40  }
0x38e: {  	[sflag:s20] =	ssyncset.done $0x0  }
0x38f: {  	[sflag:s20] =	ssyncadd.s32 $0xFFFFE0C0  }
0x390: {  	[hbm4b:s3+s1] =	stream.linear.scatter [tilespmem:s19], [sflag:$0x6], $0x1F40, $0x38;
	[tilespmem:$0x13B00] =	vst v63  }
.Ltmp17:
0x391: {  	_ = 	snop;
	(pc) =	sbr.rel @p0 .LBB2_35-.Ltmp17, $4  }
0x392: {  	_ =	swait.ge [sflag:s21], $0x1F40  }
0x393: {  	[sflag:s21] =	ssyncset.done $0x0  }
0x394: {  	[sflag:s21] =	ssyncadd.s32 $0xFFFFE0C0  }
0x395: {  	[tilespmem:s15], [sflag:$0x3] =	stream.indirect.gather [hbm4b:s5+s13], $0x1, s14, s13, $0xb8;
	[tilespmem:$0x13B00] =	vst v63  }
0x396: {  	_ =	swait.ge [sflag:s16], $0x1F40  }
0x397: {  	[sflag:s16] =	ssyncset.done $0x0  }
0x398: {  	[sflag:s16] =	ssyncadd.s32 $0xFFFFE0C0  }
0x399: {  	_ =	swait.ge [sflag:s16], $0x1F40  }
0x39a: {  	[sflag:s16] =	ssyncset.done $0x0  }
0x39b: {  	[sflag:s16] =	ssyncadd.s32 $0xFFFFE0C0  }
0x39c: {  	_ =	swait.ge [sflag:s16], $0x1F40  }
0x39d: {  	[sflag:s16] =	ssyncset.done $0x0  }
0x39e: {  	s24 =	simm.s32 $0x0;
	[sflag:s16] =	ssyncadd.s32 $0xFFFFE0C0  }
0x39f: {  	v1 =	vld [tilespmem:s24+$0x9D80]  }
0x3a0: {  	v0 =	vld [tilespmem:s24+$0x5E80]  }
0x3a1: {  	v2 =	vld [tilespmem:s24+$0x7E00];
	_ =	sdelay $0x3  }
0x3a2: {  	v3 =	vmul.f32 $2.560000000e+02, v1  }
0x3a3: {  	v5 =	vmul.f32 $2.560000000e+02, v0;
	v6 =	vmul.f32 $2.560000000e+02, v2;
	vm0 =	vlt.f32 v1, $9.999999740e-06  }
0x3a4: {  	s25 =	simm.s32 $0x10;
	vm2 =	vlt.f32 v0, $9.999999740e-06;
	vm1 =	vge.f32 v0, $9.999899860e-01;
	v4 =	vtrunc.f32 v3  }
0x3a5: {  	v0 =	vld [tilespmem:s25+$0x9D80];
	vm3 =	vlt.f32 v2, $9.999999740e-06;
	v5 =	vtrunc.f32 v5;
	v6 =	vtrunc.f32 v6  }
0x3a6: {  	s26 =	simm.s32 $0x80;
	vm2 =	vmor vm2, vm3;
	v3 =	vld [tilespmem:s25+$0x5E80];
	v5 =	vcvt.f32.s32 v5;
	v6 =	vcvt.f32.s32 v6  }
.LBB2_33:
0x3a7: {  	p1 =	sne.s32 s26, $0x7CC0;
	v4 =	vcvt.f32.s32 v4;
	vm1 =	vmor vm2, vm1;
	vm2 =	vge.f32 v2, $9.999899860e-01;
	v2 =	vld [tilespmem:s25+$0x7E00]  }
0x3a8: {  	v5 =	vshll.u32 v5, $0x10;
	v6 =	vshll.u32 v6, $0x8;
	vm1 =	vmor vm2, vm1  }
0x3a9: {  	v5 =	vadd.s32 v5, v6;
	vm0 =	vmor vm0, vm1;
	vm1 =	vge.f32 v1, $9.999899860e-01  }
0x3aa: {  	v4 =	vadd.s32 v4, v5;
	vm0 =	vmor vm1, vm0;
	v1 =	vmov v0  }
.Ltmp18:
0x3ab: {  	v0 =	vmul.f32 $2.560000000e+02, v1;
	v4 =	vsel vm0, $0x1000000, v4;
	(pc) =	sbr.rel @p1 .LBB2_33-.Ltmp18, $4  }
0x3ac: {  	v5 =	vmul.f32 $2.560000000e+02, v3;
	vm0 =	vlt.f32 v1, $9.999999740e-06;
	v6 =	vmul.f32 $2.560000000e+02, v2;
	[tilespmem:s24+$0xDC80] =	vst v4;
	s24 =	smov.u32 s25  }
0x3ad: {  	vm2 =	vlt.f32 v3, $9.999999740e-06;
	vm1 =	vge.f32 v3, $9.999899860e-01;
	s25 =	sshra.s32 s26, $0x2;
	v4 =	vtrunc.f32 v0  }
0x3ae: {  	vm3 =	vlt.f32 v2, $9.999999740e-06;
	v5 =	vtrunc.f32 v5;
	v0 =	vld [tilespmem:s25+$0x9D80];
	v6 =	vtrunc.f32 v6  }
0x3af: {  	s26 =	sadd.s32 $0x40, s26;
	vm2 =	vmor vm2, vm3;
	v5 =	vcvt.f32.s32 v5;
	v3 =	vld [tilespmem:s25+$0x5E80];
	v6 =	vcvt.f32.s32 v6  }
0x3b0: {  	v7 =	vld [tilespmem:s25+$0x7E00]  }
0x3b1: {  	v4 =	vcvt.f32.s32 v4;
	vm1 =	vmor vm2, vm1;
	vm8 =	vge.f32 v2, $9.999899860e-01  }
0x3b2: {  	v53 =	vshll.u32 v5, $0x10;
	v54 =	vshll.u32 v6, $0x8;
	vm1 =	vmor vm8, vm1  }
0x3b3: {  	vm9 =	vge.f32 v1, $9.999899860e-01;
	v2 =	vadd.s32 v53, v54;
	vm0 =	vmor vm0, vm1  }
0x3b4: {  	v55 =	vadd.s32 v4, v2;
	vm0 =	vmor vm9, vm0;
	v56 =	vmul.f32 $2.560000000e+02, v0  }
0x3b5: {  	vm10 =	vlt.f32 v0, $9.999999740e-06;
	v57 =	vmul.f32 $2.560000000e+02, v3;
	v58 =	vmul.f32 $2.560000000e+02, v7  }
0x3b6: {  	vm11 =	vlt.f32 v3, $9.999999740e-06;
	vm12 =	vge.f32 v3, $9.999899860e-01;
	v2 =	vtrunc.f32 v56  }
0x3b7: {  	vm3 =	vlt.f32 v7, $9.999999740e-06;
	v4 =	vtrunc.f32 v57;
	v5 =	vtrunc.f32 v58  }
0x3b8: {  	vm2 =	vmor vm11, vm3;
	v59 =	vcvt.f32.s32 v4;
	v60 =	vcvt.f32.s32 v5  }
0x3b9: {  	vm13 =	vge.f32 v7, $9.999899860e-01;
	v2 =	vcvt.f32.s32 v2;
	vm2 =	vmor vm2, vm12  }
0x3ba: {  	vm2 =	vmor vm13, vm2;
	v3 =	vshll.u32 v59, $0x10;
	v4 =	vshll.u32 v60, $0x8  }
0x3bb: {  	vm14 =	vge.f32 v0, $9.999899860e-01;
	vm1 =	vmor vm10, vm2;
	v3 =	vadd.s32 v3, v4  }
0x3bc: {  	v61 =	vsel vm0, $0x1000000, v55;
	vm15 =	vmor vm14, vm1;
	v62 =	vadd.s32 v2, v3  }
0x3bd: {  	[tilespmem:s24+$0xDC80] =	vst v61;
	v63 =	vsel vm15, $0x1000000, v62  }
0x3be: {  	[tilespmem:s25+$0xDC80] =	vst v63  }
0x3bf: {  	_ =	swait.ge [sflag:s17], $0x1F40  }
0x3c0: {  	[sflag:s17] =	ssyncset.done $0x0  }
0x3c1: {  	[sflag:s17] =	ssyncadd.s32 $0xFFFFE0C0  }
0x3c2: {  	[hbm4b:s4+s1] =	stream.linear.scatter [tilespmem:s15], [sflag:$0x5], $0x1F40, $0x38;
	[tilespmem:$0x13B00] =	vst v63  }
0x3c3: {  	_ =	swait.ge [sflag:s22], $0x1F40  }
0x3c4: {  	[sflag:s22] =	ssyncset.done $0x0  }
0x3c5: {  	[sflag:s22] =	ssyncadd.s32 $0xFFFFE0C0  }
0x3c6: {  	[tilespmem:s19], [sflag:$0x4] =	stream.indirect.gather [hbm4b:s5+s13], $0x1, s18, s13, $0xb8;
	[tilespmem:$0x13B00] =	vst v63  }
.Ltmp19:
0x3c7: {  	_ =	swait.ge [sflag:s20], $0x1F40;
	(pc) =	sbr.rel .LBB2_36-.Ltmp19, $4  }
0x3c8: {  	s26 =	sld [smem:$0x7FD]  }
0x3c9: {  	[sflag:s20] =	ssyncset.done $0x0  }
0x3ca: {  	[sflag:s20] =	ssyncadd.s32 $0xFFFFE0C0  }
0x3cb: {  	[hbm4b:s26+s1] =	stream.linear.scatter [tilespmem:s19], [sflag:$0x6], $0x1F40, $0x38;
	[tilespmem:$0x13B00] =	vst v63  }
.LBB2_37:
0x3cc: {  	_ =	sfence.sel $0x180000  }
0x3cd: {  	[bflag:$0x0] =	sbarrier.arrive $0xFFFF  }
0x3ce: {  	_ =	strace $0x90000047  }
0x3cf: {  	s0 =	stileid.u32;
	[bflag:$0x2] =	sbarrier.arrive $0xFFFF  }
0x3d0: {  	p0 =	sne.s32 s0, $0x0;
	s0 =	rddreg [dreg:$0x4]  }
0x3d1: {  	s0 =	sadd.s32 @!p0 $0x100000, s0  }
0x3d2: {  	[sflag:s0] =	ssyncadd.tile.s32 @!p0 $0x1;
	_ =	shalt  }
.Lfunc_end2:
_tile_overlayer_lowered:
.L_overlay_start_2:
0x3d3: {  	(tag) =	ssettag $0x2  }
0x3d4: {  	s0 =	rddreg [dreg:$0x0];
	s2 =	stileid.u32  }
0x3d5: {  	s1 =	rddreg [dreg:$0x1];
	p0 =	sne.s32 s2, $0x0  }
0x3d6: {  	s3 =	rddreg [dreg:$0x2];
	[bflag:$0x3] =	sbarrier.arrive $0xFFFF;
	s2 =	simm.s32 @!p0 $0x1C07  }
0x3d7: {  	[timem:s3], [sflag:s2] =	dma.local @!p0 [hbm:s0], s1  }
0x3d8: {  	s0 =	simm.s32 @!p0 $0x7  }
0x3d9: {  	_ =	swait.ge @!p0 [sflag:s0], s1  }
0x3da: {  	s1 =	ssub.s32 @!p0 $0x0, s1;
	[sflag:s0] =	ssyncset.done @!p0 $0x0  }
0x3db: {  	[sflag:s0] =	ssyncadd.s32 @!p0 s1  }
0x3dc: {  	[bflag:$0x3] =	sbarrier.arrive $0xFFFF  }
0x3dd: {  	_ =	shalt  }

</sc_bundles>
